<compile_context>
chip_gen: v7x
topology: tpu7x:2x2x1
jax: 0.10.2.dev20260603
libtpu: 0.0.44.dev20260713+nightly
codegen_flags: <defaults>
</compile_context>

<pallas_src>
import jax
import jax.numpy as jnp
from jax import lax
from jax.experimental import pallas as pl
from jax.experimental.pallas import tpu as pltpu
from jax.experimental.pallas import tpu_sc as plsc

N = 10000
SS = 128
RS = 2 * SS + 2
MS = 2 * SS + 1
E = 160000

RPAD = 10240
ROWS_PER_TILE = RPAD // 16
CHUNK = 128
NCHUNK = ROWS_PER_TILE // CHUNK
ZROWS = 64
NCH_TOTAL = RPAD // CHUNK
NCH_B0 = 3
NCH_B1 = 2

EPAD = 163840
E_PER_TILE = EPAD // 32


def _sc_mesh():
    return plsc.VectorSubcoreMesh(core_axis_name="c", subcore_axis_name="s",
                                  num_cores=2)



def _msgs_body(t_ref, raw_ref, wmsg_ref, wt_ref, wmz_ref, wmr_ref, wmh_ref,
               outz_ref, outr_ref, outh_ref):
    t = t_ref[0]
    m = jnp.dot(raw_ref[...], wmsg_ref[...], preferred_element_type=jnp.float32)
    m = jnp.maximum(m + t * wt_ref[...], 0.0)
    outz_ref[...] = jnp.dot(m, wmz_ref[...], preferred_element_type=jnp.float32)
    outr_ref[...] = jnp.dot(m, wmr_ref[...], preferred_element_type=jnp.float32)
    outh_ref[...] = jnp.dot(m, wmh_ref[...], preferred_element_type=jnp.float32)


def _msgs_proj(curr_time, raw, W_msg, w_time_row, Wmz, Wmr, Wmh):
    BM = 640
    wspec = pl.BlockSpec((MS, SS), lambda i: (0, 0))
    ospec = pl.BlockSpec((BM, SS), lambda i: (i, 0))
    oshape = jax.ShapeDtypeStruct((RPAD, SS), jnp.float32)
    return pl.pallas_call(
        _msgs_body,
        grid=(RPAD // BM,),
        in_specs=[
            pl.BlockSpec(memory_space=pltpu.SMEM),
            pl.BlockSpec((BM, RS), lambda i: (i, 0)),
            pl.BlockSpec((RS, MS), lambda i: (0, 0)),
            pl.BlockSpec((1, MS), lambda i: (0, 0)),
            wspec, wspec, wspec,
        ],
        out_specs=[ospec, ospec, ospec],
        out_shape=[oshape, oshape, oshape],
    )(curr_time, raw, W_msg, w_time_row, Wmz, Wmr, Wmh)



def _scatter_body(msgsz_hbm, msgsr_hbm, msgsh_hbm, nodes_hbm,
                  outz_hbm, outr_hbm, outh0_hbm, outh1_hbm,
                  b0, b1, i0, i1, zbuf, acc,
                  s0, s1, ssem, zsem, csem):
    cid = lax.axis_index("c")
    tid = lax.axis_index("s")
    bufs = (b0, b1)
    idxs = (i0, i1)
    lsems = (s0, s1)
    z16 = jnp.zeros((16,), jnp.float32)

    def zrow(i, carry):
        for j in range(SS // 16):
            zbuf[i, pl.ds(j * 16, 16)] = z16
        return carry

    lax.fori_loop(0, ZROWS, zrow, 0)

    def fire_zero():
        return [
            pltpu.async_copy(
                zbuf, acc.at[pl.ds(tid * ROWS_PER_TILE + k * ZROWS, ZROWS)],
                zsem)
            for k in range(ROWS_PER_TILE // ZROWS)
        ]

    def fire_load(slot, msgs_hbm, base):
        dm = pltpu.async_copy(msgs_hbm.at[pl.ds(base, CHUNK)], bufs[slot],
                              lsems[slot])
        di = pltpu.async_copy(nodes_hbm.at[pl.ds(base, CHUNK)], idxs[slot],
                              lsems[slot])
        return (dm, di)

    def scatter_pipeline(msgs_hbm, bases):
        loads = [None] * len(bases)
        sdescs = [None] * len(bases)
        loads[0] = fire_load(0, msgs_hbm, bases[0])
        if len(bases) > 1:
            loads[1] = fire_load(1, msgs_hbm, bases[1])
        for j in range(len(bases)):
            dm, di = loads[j]
            dm.wait()
            di.wait()
            slot = j % 2
            sdescs[j] = pltpu.async_copy(bufs[slot], acc.at[idxs[slot]],
                                         ssem, add=True)
            if j + 2 < len(bases):
                sdescs[j].wait()
                sdescs[j] = None
                loads[j + 2] = fire_load(slot, msgs_hbm, bases[j + 2])
        for d in sdescs:
            if d is not None:
                d.wait()

    def fire_copy_out(out_hbm):
        return pltpu.async_copy(
            acc.at[pl.ds(tid * ROWS_PER_TILE, ROWS_PER_TILE)],
            out_hbm.at[pl.ds(tid * ROWS_PER_TILE, ROWS_PER_TILE)], csem)

    def run(msgs_hbm, out_hbm, outh_hbm, nchb, chb0):
        zd = fire_zero()
        for d in zd:
            d.wait()
        plsc.subcore_barrier()
        scatter_pipeline(msgs_hbm,
                         [tid * ROWS_PER_TILE + ch * CHUNK
                          for ch in range(NCHUNK)])
        plsc.subcore_barrier()
        co = fire_copy_out(out_hbm)
        co.wait()
        zd = fire_zero()
        for d in zd:
            d.wait()
        plsc.subcore_barrier()
        scatter_pipeline(msgsh_hbm,
                         [(chb0 + tid * nchb + ch) * CHUNK
                          for ch in range(nchb)])
        plsc.subcore_barrier()
        fire_copy_out(outh_hbm).wait()

    @pl.when(cid == 0)
    def _():
        run(msgsz_hbm, outz_hbm, outh0_hbm, NCH_B0, 0)

    @pl.when(cid == 1)
    def _():
        run(msgsr_hbm, outr_hbm, outh1_hbm, NCH_B1, 16 * NCH_B0)


def _scatter_add_sc(msgs_z, msgs_r, msgs_h, nodes):
    oshape = jax.ShapeDtypeStruct((RPAD, SS), jnp.float32)
    f = pl.kernel(
        _scatter_body,
        out_type=[oshape, oshape, oshape, oshape],
        mesh=_sc_mesh(),
        scratch_types=(
            [pltpu.VMEM((CHUNK, SS), jnp.float32)] * 2
            + [pltpu.VMEM((CHUNK,), jnp.int32)] * 2
            + [
                pltpu.VMEM((ZROWS, SS), jnp.float32),
                pltpu.VMEM_SHARED((RPAD, SS), jnp.float32),
            ]
            + [pltpu.SemaphoreType.DMA] * 5
        ),
    )
    return f(msgs_z, msgs_r, msgs_h, nodes)



BMG = 2048
NGRU = RPAD // BMG
BR_EMB = 512
NEMB = (N + BR_EMB - 1) // BR_EMB


def _gru_emb_body(az_ref, ar_ref, ah0_ref, ah1_ref, s_ref,
                  wsz_ref, wsr_ref, wsh_ref, bz_ref, br_ref, bh_ref,
                  a_ref, wemb_ref, wdec_ref, bcol_ref,
                  out_ref, nxt_scr):
    i = pl.program_id(0)

    @pl.when(i < NGRU)
    def _():
        s = s_ref[...]
        z = jax.nn.sigmoid(
            az_ref[...]
            + jnp.dot(s, wsz_ref[...], preferred_element_type=jnp.float32)
            + bz_ref[...])
        r = jax.nn.sigmoid(
            ar_ref[...]
            + jnp.dot(s, wsr_ref[...], preferred_element_type=jnp.float32)
            + br_ref[...])
        h = jnp.tanh(
            ah0_ref[...] + ah1_ref[...]
            + jnp.dot(r * s, wsh_ref[...], preferred_element_type=jnp.float32)
            + bh_ref[...])
        nxt = s + z * (h - s)
        nxt_scr[pl.ds(i * BMG, BMG), :] = nxt

    @pl.when(i >= NGRU)
    def _():
        j = i - NGRU
        nxt = nxt_scr[...]
        y = jnp.dot(a_ref[...].astype(jnp.float32), nxt[:N],
                    preferred_element_type=jnp.float32)
        blk = nxt_scr[pl.ds(j * BR_EMB, BR_EMB), :]
        zemb = jnp.tanh(jnp.dot(y + blk, wemb_ref[...],
                                preferred_element_type=jnp.float32))
        out_ref[...] = lax.dot_general(
            wdec_ref[...], zemb, (((0,), (1,)), ((), ())),
            preferred_element_type=jnp.float32) + bcol_ref[...]


def _gru_emb(az, ar, ah0, ah1, S, Wsz, Wsr, Wsh, bz_row, br_row, bh_row,
             A, W_emb, Wdec2, bcol):
    gspec = pl.BlockSpec((BMG, SS), lambda i: (jnp.minimum(i, NGRU - 1), 0))
    wspec = pl.BlockSpec((SS, SS), lambda i: (0, 0))
    bspec = pl.BlockSpec((1, SS), lambda i: (0, 0))
    return pl.pallas_call(
        _gru_emb_body,
        grid=(NGRU + NEMB,),
        in_specs=[
            gspec, gspec, gspec, gspec, gspec,
            wspec, wspec, wspec, bspec, bspec, bspec,
            pl.BlockSpec((BR_EMB, N), lambda i: (jnp.maximum(i - NGRU, 0), 0)),
            wspec, wspec,
            pl.BlockSpec((SS, 1), lambda i: (0, 0)),
        ],
        out_specs=pl.BlockSpec((SS, BR_EMB),
                               lambda i: (0, jnp.maximum(i - NGRU, 0))),
        out_shape=jax.ShapeDtypeStruct((SS, N), jnp.float32),
        scratch_shapes=[
            pltpu.VMEM((RPAD, SS), jnp.float32),
        ],
    )(az, ar, ah0, ah1, S, Wsz, Wsr, Wsh, bz_row, br_row, bh_row,
      A, W_emb, Wdec2, bcol)



def _edge_body(stop_hbm, sbot_hbm, src_hbm, dst_hbm, out_hbm,
               stv, sbv, srcv, dstv, outv, lsem):
    cid = lax.axis_index("c")
    tid = lax.axis_index("s")
    wid = tid * 2 + cid
    eb = wid * E_PER_TILE
    loads = [
        pltpu.async_copy(stop_hbm, stv, lsem),
        pltpu.async_copy(sbot_hbm, sbv, lsem),
        pltpu.async_copy(src_hbm.at[pl.ds(eb, E_PER_TILE)], srcv, lsem),
        pltpu.async_copy(dst_hbm.at[pl.ds(eb, E_PER_TILE)], dstv, lsem),
    ]
    for d in loads:
        d.wait()

    def body(i, carry):
        off = i * 16
        si = srcv[pl.ds(off, 16)]
        di = dstv[pl.ds(off, 16)]
        x = plsc.load_gather(stv, [si]) + plsc.load_gather(sbv, [di])
        outv[pl.ds(off, 16)] = 1.0 / (1.0 + jnp.exp(-x))
        return carry

    lax.fori_loop(0, E_PER_TILE // 16, body, 0)
    pltpu.sync_copy(outv, out_hbm.at[pl.ds(eb, E_PER_TILE)])


def _edge_probs_sc(stop, sbot, src, dst):
    f = pl.kernel(
        _edge_body,
        out_type=jax.ShapeDtypeStruct((EPAD,), jnp.float32),
        mesh=_sc_mesh(),
        scratch_types=[
            pltpu.VMEM((N,), jnp.float32),
            pltpu.VMEM((N,), jnp.float32),
            pltpu.VMEM((E_PER_TILE,), jnp.int32),
            pltpu.VMEM((E_PER_TILE,), jnp.int32),
            pltpu.VMEM((E_PER_TILE,), jnp.float32),
            pltpu.SemaphoreType.DMA,
        ],
        compiler_params=pltpu.CompilerParams(needs_layout_passes=False),
    )
    return f(stop, sbot, src, dst)



def kernel(batch_data, curr_time, S, raw_msg_store, node_neighbors,
           W_msg, w_time, Wmz, Wsz, bz, Wmr, Wsr, br, Wmh, Wsh, bh,
           W_emb, W_dec, b_dec):
    raw_nodes = raw_msg_store[:, -1].astype(jnp.int32)
    nodes_pad = jnp.concatenate(
        [raw_nodes, jnp.full((RPAD - N,), N, jnp.int32)])

    msgs_z, msgs_r, msgs_h = _msgs_proj(
        curr_time, raw_msg_store, W_msg, w_time.reshape(1, MS), Wmz, Wmr, Wmh)
    az, ar, ah0, ah1 = _scatter_add_sc(msgs_z, msgs_r, msgs_h, nodes_pad)

    Wdec2 = jnp.concatenate(
        [W_dec[:SS], W_dec[SS:], jnp.zeros((SS, SS - 2), W_dec.dtype)], axis=1)
    bcol = jnp.zeros((SS, 1), jnp.float32).at[0, 0].set(b_dec[0])
    scores_t = _gru_emb(az, ar, ah0, ah1, S, Wsz, Wsr, Wsh,
                        bz.reshape(1, SS), br.reshape(1, SS),
                        bh.reshape(1, SS), node_neighbors, W_emb,
                        Wdec2, bcol)

    src = jnp.pad(batch_data[:, 0], (0, EPAD - E))
    dst = jnp.pad(batch_data[:, 1], (0, EPAD - E))
    probs = _edge_probs_sc(scores_t[0], scores_t[1], src, dst)
    return probs[:E].reshape(E, 1)

# --- scband reference (transcript-rebuilt; emitter-appended) ---
"""Pipeline reference for scband-temporal-graph-network-45681272160565 (READ-ONLY COPY).

The authoritative reference and input builder live on the scoring server;
editing this copy changes nothing except your own understanding.
"""

import jax, jax.numpy as jnp
import numpy as np

N = 10000
Ss = 128
Zs = Ss
Rs = 2 * Ss + 2
Ms = 2 * Ss + 1
E = 160000


def setup_inputs(seed: int = 0):
    key = jax.random.key(seed)
    ks = jax.random.split(key, 20)
    batch_data = jax.random.randint(ks[0], (E, 2), 0, N, dtype=jnp.int32)
    curr_time = jax.random.uniform(ks[1], (1,), dtype=jnp.float32) * 100.0
    S = jax.random.uniform(ks[2], (N, Ss), dtype=jnp.float32)
    raw = jax.random.normal(ks[3], (N, Rs), dtype=jnp.float32) * 0.1
    ids = jax.random.randint(ks[4], (N,), 0, N).astype(jnp.float32)
    raw_msg_store = raw.at[:, -1].set(ids)
    node_neighbors = jax.random.bernoulli(ks[5], 0.0016, (N, N)).astype(jnp.int8)

    def gl(k, shp):
        return jax.random.normal(k, shp, dtype=jnp.float32) * (1.0 / np.sqrt(shp[0]))

    W_msg = gl(ks[6], (Rs, Ms))
    w_time = jax.random.normal(ks[7], (Ms,), dtype=jnp.float32) * 0.01
    Wmz = gl(ks[8], (Ms, Ss)); Wsz = gl(ks[9], (Ss, Ss)); bz = jnp.zeros((Ss,), jnp.float32)
    Wmr = gl(ks[10], (Ms, Ss)); Wsr = gl(ks[11], (Ss, Ss)); br = jnp.zeros((Ss,), jnp.float32)
    Wmh = gl(ks[12], (Ms, Ss)); Wsh = gl(ks[13], (Ss, Ss)); bh = jnp.zeros((Ss,), jnp.float32)
    W_emb = gl(ks[14], (Ss, Zs))
    W_dec = gl(ks[15], (2 * Zs, 1)); b_dec = jnp.zeros((1,), jnp.float32)
    return {"batch_data": batch_data, "curr_time": curr_time, "S": S,
            "raw_msg_store": raw_msg_store, "node_neighbors": node_neighbors,
            "W_msg": W_msg, "w_time": w_time,
            "Wmz": Wmz, "Wsz": Wsz, "bz": bz,
            "Wmr": Wmr, "Wsr": Wsr, "br": br,
            "Wmh": Wmh, "Wsh": Wsh, "bh": bh,
            "W_emb": W_emb, "W_dec": W_dec, "b_dec": b_dec}


def reference(batch_data, curr_time, S, raw_msg_store, node_neighbors,
              W_msg, w_time, Wmz, Wsz, bz, Wmr, Wsr, br, Wmh, Wsh, bh,
              W_emb, W_dec, b_dec):
    Nn = S.shape[0]
    edges = batch_data[:, :2]
    # raw message store keeps destination node id in last column
    raw_nodes = raw_msg_store[:, -1].astype(jnp.int32)
    t = curr_time.reshape(())
    # msg: message function with time encoding
    msgs = jax.nn.relu(raw_msg_store @ W_msg + t * w_time)
    # agg: scatter-add messages into per-node slots keyed by raw_nodes
    agg = jnp.zeros((Nn, msgs.shape[1]), msgs.dtype).at[raw_nodes].add(msgs)
    # mem: GRU-style memory update of node state S
    z = jax.nn.sigmoid(agg @ Wmz + S @ Wsz + bz)
    r = jax.nn.sigmoid(agg @ Wmr + S @ Wsr + br)
    h = jnp.tanh(agg @ Wmh + (r * S) @ Wsh + bh)
    next_state = (1.0 - z) * S + z * h
    # emb: 1-hop neighborhood aggregation over dense adjacency
    A = node_neighbors.astype(jnp.float32)
    Zemb = jnp.tanh((A @ next_state + next_state) @ W_emb)
    # dec: edge probability from gathered src/dst embedding pairs
    Z_pairs = jnp.concatenate([Zemb[edges[:, 0], :], Zemb[edges[:, 1], :]], axis=1)
    edge_probs = jax.nn.sigmoid(Z_pairs @ W_dec + b_dec)
    return edge_probs

if __name__ == "__main__":
    import jax
    _d = setup_inputs()
    print(jax.jit(kernel)(*tuple(_d.values())))

</pallas_src>

<mosaic_0001>
#map = affine_map<(d0, d1) -> (0, 0)>
#map1 = affine_map<(d0, d1) -> (0)>
module attributes {stable_mosaic.version = 14 : i64} {
  func.func @_scatter_body(%arg0: i32, %arg1: i32, %arg2: memref<10240x128xf32, #tpu.memory_space<hbm>>, %arg3: memref<10240x128xf32, #tpu.memory_space<hbm>>, %arg4: memref<10240x128xf32, #tpu.memory_space<hbm>>, %arg5: memref<10240xi32, #tpu.memory_space<hbm>>, %arg6: memref<10240x128xf32, #tpu.memory_space<hbm>>, %arg7: memref<10240x128xf32, #tpu.memory_space<hbm>>, %arg8: memref<10240x128xf32, #tpu.memory_space<hbm>>, %arg9: memref<10240x128xf32, #tpu.memory_space<hbm>>, %arg10: memref<128x128xf32, #tpu.memory_space<vmem>>, %arg11: memref<128x128xf32, #tpu.memory_space<vmem>>, %arg12: memref<128xi32, #tpu.memory_space<vmem>>, %arg13: memref<128xi32, #tpu.memory_space<vmem>>, %arg14: memref<64x128xf32, #tpu.memory_space<vmem>>, %arg15: memref<10240x128xf32, #tpu.memory_space<vmem_shared>>, %arg16: memref<!tpu.dma_semaphore, #tpu.memory_space<semaphore_mem>>, %arg17: memref<!tpu.dma_semaphore, #tpu.memory_space<semaphore_mem>>, %arg18: memref<!tpu.dma_semaphore, #tpu.memory_space<semaphore_mem>>, %arg19: memref<!tpu.dma_semaphore, #tpu.memory_space<semaphore_mem>>, %arg20: memref<!tpu.dma_semaphore, #tpu.memory_space<semaphore_mem>>) attributes {dimension_semantics = [#tpu.dimension_semantics<core_parallel>, #tpu.dimension_semantics<subcore_parallel>], iteration_bounds = array<i64: 2, 16>, scalar_prefetch = 0 : i64, scratch_operands = 11 : i64, tpu.core_type = #tpu.core_type<sc_vector_subcore>, window_params = [{transform_indices = #map}, {transform_indices = #map}, {transform_indices = #map}, {transform_indices = #map1}, {transform_indices = #map}, {transform_indices = #map}, {transform_indices = #map}, {transform_indices = #map}]} {
    %broadcast_in_dim3A = arith.constant 0.000000e+00 : f32
    %broadcast_in_dim3A_0 = vector.broadcast %broadcast_in_dim3A : f32 to vector<16xf32>
    %scan3A = arith.constant 0 : i32
    %scan3A_1 = arith.constant 0 : i32
    %scan3A_2 = arith.constant 64 : i32
    %scan3A_3 = arith.addi %scan3A_1, %scan3A_2 : i32
    %scan3A_4 = arith.constant 1 : i32
    scf.for %scan3A_13 = %scan3A_1 to %scan3A_3 step %scan3A_4  : i32 {
      %swap3A = arith.index_cast %scan3A_13 : i32 to index
      %swap3A_14 = arith.constant 0 : index
      %swap3A_15 = tpu.vector_load %arg14[%swap3A, %swap3A_14] {strides = array<i32>} : memref<64x128xf32, #tpu.memory_space<vmem>>, vector<1x16xf32>,
      %swap3A_16 = vector.shape_cast %swap3A_15 : vector<1x16xf32> to vector<16xf32>
      %swap3A_17 = vector.shape_cast %broadcast_in_dim3A_0 : vector<16xf32> to vector<1x16xf32>
      tpu.vector_store %arg14[%swap3A, %swap3A_14], %swap3A_17 {strides = array<i32>} : memref<64x128xf32, #tpu.memory_space<vmem>>, vector<1x16xf32>,
      %swap3A_18 = arith.index_cast %scan3A_13 : i32 to index
      %swap3A_19 = arith.constant 16 : index
      %swap3A_20 = tpu.vector_load %arg14[%swap3A_18, %swap3A_19] {strides = array<i32>} : memref<64x128xf32, #tpu.memory_space<vmem>>, vector<1x16xf32>,
      %swap3A_21 = vector.shape_cast %swap3A_20 : vector<1x16xf32> to vector<16xf32>
      %swap3A_22 = vector.shape_cast %broadcast_in_dim3A_0 : vector<16xf32> to vector<1x16xf32>
      tpu.vector_store %arg14[%swap3A_18, %swap3A_19], %swap3A_22 {strides = array<i32>} : memref<64x128xf32, #tpu.memory_space<vmem>>, vector<1x16xf32>,
      %swap3A_23 = arith.index_cast %scan3A_13 : i32 to index
      %swap3A_24 = arith.constant 32 : index
      %swap3A_25 = tpu.vector_load %arg14[%swap3A_23, %swap3A_24] {strides = array<i32>} : memref<64x128xf32, #tpu.memory_space<vmem>>, vector<1x16xf32>,
      %swap3A_26 = vector.shape_cast %swap3A_25 : vector<1x16xf32> to vector<16xf32>
      %swap3A_27 = vector.shape_cast %broadcast_in_dim3A_0 : vector<16xf32> to vector<1x16xf32>
      tpu.vector_store %arg14[%swap3A_23, %swap3A_24], %swap3A_27 {strides = array<i32>} : memref<64x128xf32, #tpu.memory_space<vmem>>, vector<1x16xf32>,
      %swap3A_28 = arith.index_cast %scan3A_13 : i32 to index
      %swap3A_29 = arith.constant 48 : index
      %swap3A_30 = tpu.vector_load %arg14[%swap3A_28, %swap3A_29] {strides = array<i32>} : memref<64x128xf32, #tpu.memory_space<vmem>>, vector<1x16xf32>,
      %swap3A_31 = vector.shape_cast %swap3A_30 : vector<1x16xf32> to vector<16xf32>
      %swap3A_32 = vector.shape_cast %broadcast_in_dim3A_0 : vector<16xf32> to vector<1x16xf32>
      tpu.vector_store %arg14[%swap3A_28, %swap3A_29], %swap3A_32 {strides = array<i32>} : memref<64x128xf32, #tpu.memory_space<vmem>>, vector<1x16xf32>,
      %swap3A_33 = arith.index_cast %scan3A_13 : i32 to index
      %swap3A_34 = arith.constant 64 : index
      %swap3A_35 = tpu.vector_load %arg14[%swap3A_33, %swap3A_34] {strides = array<i32>} : memref<64x128xf32, #tpu.memory_space<vmem>>, vector<1x16xf32>,
      %swap3A_36 = vector.shape_cast %swap3A_35 : vector<1x16xf32> to vector<16xf32>
      %swap3A_37 = vector.shape_cast %broadcast_in_dim3A_0 : vector<16xf32> to vector<1x16xf32>
      tpu.vector_store %arg14[%swap3A_33, %swap3A_34], %swap3A_37 {strides = array<i32>} : memref<64x128xf32, #tpu.memory_space<vmem>>, vector<1x16xf32>,
      %swap3A_38 = arith.index_cast %scan3A_13 : i32 to index
      %swap3A_39 = arith.constant 80 : index
      %swap3A_40 = tpu.vector_load %arg14[%swap3A_38, %swap3A_39] {strides = array<i32>} : memref<64x128xf32, #tpu.memory_space<vmem>>, vector<1x16xf32>,
      %swap3A_41 = vector.shape_cast %swap3A_40 : vector<1x16xf32> to vector<16xf32>
      %swap3A_42 = vector.shape_cast %broadcast_in_dim3A_0 : vector<16xf32> to vector<1x16xf32>
      tpu.vector_store %arg14[%swap3A_38, %swap3A_39], %swap3A_42 {strides = array<i32>} : memref<64x128xf32, #tpu.memory_space<vmem>>, vector<1x16xf32>,
      %swap3A_43 = arith.index_cast %scan3A_13 : i32 to index
      %swap3A_44 = arith.constant 96 : index
      %swap3A_45 = tpu.vector_load %arg14[%swap3A_43, %swap3A_44] {strides = array<i32>} : memref<64x128xf32, #tpu.memory_space<vmem>>, vector<1x16xf32>,
      %swap3A_46 = vector.shape_cast %swap3A_45 : vector<1x16xf32> to vector<16xf32>
      %swap3A_47 = vector.shape_cast %broadcast_in_dim3A_0 : vector<16xf32> to vector<1x16xf32>
      tpu.vector_store %arg14[%swap3A_43, %swap3A_44], %swap3A_47 {strides = array<i32>} : memref<64x128xf32, #tpu.memory_space<vmem>>, vector<1x16xf32>,
      %swap3A_48 = arith.index_cast %scan3A_13 : i32 to index
      %swap3A_49 = arith.constant 112 : index
      %swap3A_50 = tpu.vector_load %arg14[%swap3A_48, %swap3A_49] {strides = array<i32>} : memref<64x128xf32, #tpu.memory_space<vmem>>, vector<1x16xf32>,
      %swap3A_51 = vector.shape_cast %swap3A_50 : vector<1x16xf32> to vector<16xf32>
      %swap3A_52 = vector.shape_cast %broadcast_in_dim3A_0 : vector<16xf32> to vector<1x16xf32>
      tpu.vector_store %arg14[%swap3A_48, %swap3A_49], %swap3A_52 {strides = array<i32>} : memref<64x128xf32, #tpu.memory_space<vmem>>, vector<1x16xf32>,
    }
    %scan3A_5 = arith.constant 64 : i32
    %eq3A = arith.constant 0 : i32
    %eq3A_6 = arith.cmpi eq, %arg0, %eq3A : i32
    %convert_element_type3A = arith.extui %eq3A_6 : i1 to i32
    %cond3A = arith.constant 0 : i32
    %cond3A_7 = arith.cmpi ne, %convert_element_type3A, %cond3A : i32
    scf.if %cond3A_7 {
      %mul3A = arith.constant 640 : i32
      %mul3A_13 = arith.muli %arg1, %mul3A : i32
      %add3A = arith.constant 0 : i32
      %add3A_14 = arith.addi %mul3A_13, %add3A : i32
      %dma_start3A = arith.constant 0 : i32
      %dma_start3A_15 = tpu.memref_slice %arg15[%add3A_14, %dma_start3A] : memref<10240x128xf32, #tpu.memory_space<vmem_shared>> -> memref<64x128xf32, #tpu.memory_space<vmem_shared>>
      %dma_start3A_16 = arith.constant 0 : i32
      %dma_start3A_17 = tpu.memref_slice %arg15[%add3A_14, %dma_start3A_16] : memref<10240x128xf32, #tpu.memory_space<vmem_shared>> -> memref<64x128xf32, #tpu.memory_space<vmem_shared>>
      tpu.enqueue_dma source(%arg14 : memref<64x128xf32, #tpu.memory_space<vmem>>) target(%dma_start3A_17 : memref<64x128xf32, #tpu.memory_space<vmem_shared>>) target_semaphore(%arg19 : memref<!tpu.dma_semaphore, #tpu.memory_space<semaphore_mem>>)
      %mul3A_18 = arith.constant 640 : i32
      %mul3A_19 = arith.muli %arg1, %mul3A_18 : i32
      %add3A_20 = arith.constant 64 : i32
      %add3A_21 = arith.addi %mul3A_19, %add3A_20 : i32
      %dma_start3A_22 = arith.constant 0 : i32
      %dma_start3A_23 = tpu.memref_slice %arg15[%add3A_21, %dma_start3A_22] : memref<10240x128xf32, #tpu.memory_space<vmem_shared>> -> memref<64x128xf32, #tpu.memory_space<vmem_shared>>
      %dma_start3A_24 = arith.constant 0 : i32
      %dma_start3A_25 = tpu.memref_slice %arg15[%add3A_21, %dma_start3A_24] : memref<10240x128xf32, #tpu.memory_space<vmem_shared>> -> memref<64x128xf32, #tpu.memory_space<vmem_shared>>
      tpu.enqueue_dma source(%arg14 : memref<64x128xf32, #tpu.memory_space<vmem>>) target(%dma_start3A_25 : memref<64x128xf32, #tpu.memory_space<vmem_shared>>) target_semaphore(%arg19 : memref<!tpu.dma_semaphore, #tpu.memory_space<semaphore_mem>>)
      %mul3A_26 = arith.constant 640 : i32
      %mul3A_27 = arith.muli %arg1, %mul3A_26 : i32
      %add3A_28 = arith.constant 128 : i32
      %add3A_29 = arith.addi %mul3A_27, %add3A_28 : i32
      %dma_start3A_30 = arith.constant 0 : i32
      %dma_start3A_31 = tpu.memref_slice %arg15[%add3A_29, %dma_start3A_30] : memref<10240x128xf32, #tpu.memory_space<vmem_shared>> -> memref<64x128xf32, #tpu.memory_space<vmem_shared>>
      %dma_start3A_32 = arith.constant 0 : i32
      %dma_start3A_33 = tpu.memref_slice %arg15[%add3A_29, %dma_start3A_32] : memref<10240x128xf32, #tpu.memory_space<vmem_shared>> -> memref<64x128xf32, #tpu.memory_space<vmem_shared>>
      tpu.enqueue_dma source(%arg14 : memref<64x128xf32, #tpu.memory_space<vmem>>) target(%dma_start3A_33 : memref<64x128xf32, #tpu.memory_space<vmem_shared>>) target_semaphore(%arg19 : memref<!tpu.dma_semaphore, #tpu.memory_space<semaphore_mem>>)
      %mul3A_34 = arith.constant 640 : i32
      %mul3A_35 = arith.muli %arg1, %mul3A_34 : i32
      %add3A_36 = arith.constant 192 : i32
      %add3A_37 = arith.addi %mul3A_35, %add3A_36 : i32
      %dma_start3A_38 = arith.constant 0 : i32
      %dma_start3A_39 = tpu.memref_slice %arg15[%add3A_37, %dma_start3A_38] : memref<10240x128xf32, #tpu.memory_space<vmem_shared>> -> memref<64x128xf32, #tpu.memory_space<vmem_shared>>
      %dma_start3A_40 = arith.constant 0 : i32
      %dma_start3A_41 = tpu.memref_slice %arg15[%add3A_37, %dma_start3A_40] : memref<10240x128xf32, #tpu.memory_space<vmem_shared>> -> memref<64x128xf32, #tpu.memory_space<vmem_shared>>
      tpu.enqueue_dma source(%arg14 : memref<64x128xf32, #tpu.memory_space<vmem>>) target(%dma_start3A_41 : memref<64x128xf32, #tpu.memory_space<vmem_shared>>) target_semaphore(%arg19 : memref<!tpu.dma_semaphore, #tpu.memory_space<semaphore_mem>>)
      %mul3A_42 = arith.constant 640 : i32
      %mul3A_43 = arith.muli %arg1, %mul3A_42 : i32
      %add3A_44 = arith.constant 256 : i32
      %add3A_45 = arith.addi %mul3A_43, %add3A_44 : i32
      %dma_start3A_46 = arith.constant 0 : i32
      %dma_start3A_47 = tpu.memref_slice %arg15[%add3A_45, %dma_start3A_46] : memref<10240x128xf32, #tpu.memory_space<vmem_shared>> -> memref<64x128xf32, #tpu.memory_space<vmem_shared>>
      %dma_start3A_48 = arith.constant 0 : i32
      %dma_start3A_49 = tpu.memref_slice %arg15[%add3A_45, %dma_start3A_48] : memref<10240x128xf32, #tpu.memory_space<vmem_shared>> -> memref<64x128xf32, #tpu.memory_space<vmem_shared>>
      tpu.enqueue_dma source(%arg14 : memref<64x128xf32, #tpu.memory_space<vmem>>) target(%dma_start3A_49 : memref<64x128xf32, #tpu.memory_space<vmem_shared>>) target_semaphore(%arg19 : memref<!tpu.dma_semaphore, #tpu.memory_space<semaphore_mem>>)
      %mul3A_50 = arith.constant 640 : i32
      %mul3A_51 = arith.muli %arg1, %mul3A_50 : i32
      %add3A_52 = arith.constant 320 : i32
      %add3A_53 = arith.addi %mul3A_51, %add3A_52 : i32
      %dma_start3A_54 = arith.constant 0 : i32
      %dma_start3A_55 = tpu.memref_slice %arg15[%add3A_53, %dma_start3A_54] : memref<10240x128xf32, #tpu.memory_space<vmem_shared>> -> memref<64x128xf32, #tpu.memory_space<vmem_shared>>
      %dma_start3A_56 = arith.constant 0 : i32
      %dma_start3A_57 = tpu.memref_slice %arg15[%add3A_53, %dma_start3A_56] : memref<10240x128xf32, #tpu.memory_space<vmem_shared>> -> memref<64x128xf32, #tpu.memory_space<vmem_shared>>
      tpu.enqueue_dma source(%arg14 : memref<64x128xf32, #tpu.memory_space<vmem>>) target(%dma_start3A_57 : memref<64x128xf32, #tpu.memory_space<vmem_shared>>) target_semaphore(%arg19 : memref<!tpu.dma_semaphore, #tpu.memory_space<semaphore_mem>>)
      %mul3A_58 = arith.constant 640 : i32
      %mul3A_59 = arith.muli %arg1, %mul3A_58 : i32
      %add3A_60 = arith.constant 384 : i32
      %add3A_61 = arith.addi %mul3A_59, %add3A_60 : i32
      %dma_start3A_62 = arith.constant 0 : i32
      %dma_start3A_63 = tpu.memref_slice %arg15[%add3A_61, %dma_start3A_62] : memref<10240x128xf32, #tpu.memory_space<vmem_shared>> -> memref<64x128xf32, #tpu.memory_space<vmem_shared>>
      %dma_start3A_64 = arith.constant 0 : i32
      %dma_start3A_65 = tpu.memref_slice %arg15[%add3A_61, %dma_start3A_64] : memref<10240x128xf32, #tpu.memory_space<vmem_shared>> -> memref<64x128xf32, #tpu.memory_space<vmem_shared>>
      tpu.enqueue_dma source(%arg14 : memref<64x128xf32, #tpu.memory_space<vmem>>) target(%dma_start3A_65 : memref<64x128xf32, #tpu.memory_space<vmem_shared>>) target_semaphore(%arg19 : memref<!tpu.dma_semaphore, #tpu.memory_space<semaphore_mem>>)
      %mul3A_66 = arith.constant 640 : i32
      %mul3A_67 = arith.muli %arg1, %mul3A_66 : i32
      %add3A_68 = arith.constant 448 : i32
      %add3A_69 = arith.addi %mul3A_67, %add3A_68 : i32
      %dma_start3A_70 = arith.constant 0 : i32
      %dma_start3A_71 = tpu.memref_slice %arg15[%add3A_69, %dma_start3A_70] : memref<10240x128xf32, #tpu.memory_space<vmem_shared>> -> memref<64x128xf32, #tpu.memory_space<vmem_shared>>
      %dma_start3A_72 = arith.constant 0 : i32
      %dma_start3A_73 = tpu.memref_slice %arg15[%add3A_69, %dma_start3A_72] : memref<10240x128xf32, #tpu.memory_space<vmem_shared>> -> memref<64x128xf32, #tpu.memory_space<vmem_shared>>
      tpu.enqueue_dma source(%arg14 : memref<64x128xf32, #tpu.memory_space<vmem>>) target(%dma_start3A_73 : memref<64x128xf32, #tpu.memory_space<vmem_shared>>) target_semaphore(%arg19 : memref<!tpu.dma_semaphore, #tpu.memory_space<semaphore_mem>>)
      %mul3A_74 = arith.constant 640 : i32
      %mul3A_75 = arith.muli %arg1, %mul3A_74 : i32
      %add3A_76 = arith.constant 512 : i32
      %add3A_77 = arith.addi %mul3A_75, %add3A_76 : i32
      %dma_start3A_78 = arith.constant 0 : i32
      %dma_start3A_79 = tpu.memref_slice %arg15[%add3A_77, %dma_start3A_78] : memref<10240x128xf32, #tpu.memory_space<vmem_shared>> -> memref<64x128xf32, #tpu.memory_space<vmem_shared>>
      %dma_start3A_80 = arith.constant 0 : i32
      %dma_start3A_81 = tpu.memref_slice %arg15[%add3A_77, %dma_start3A_80] : memref<10240x128xf32, #tpu.memory_space<vmem_shared>> -> memref<64x128xf32, #tpu.memory_space<vmem_shared>>
      tpu.enqueue_dma source(%arg14 : memref<64x128xf32, #tpu.memory_space<vmem>>) target(%dma_start3A_81 : memref<64x128xf32, #tpu.memory_space<vmem_shared>>) target_semaphore(%arg19 : memref<!tpu.dma_semaphore, #tpu.memory_space<semaphore_mem>>)
      %mul3A_82 = arith.constant 640 : i32
      %mul3A_83 = arith.muli %arg1, %mul3A_82 : i32
      %add3A_84 = arith.constant 576 : i32
      %add3A_85 = arith.addi %mul3A_83, %add3A_84 : i32
      %dma_start3A_86 = arith.constant 0 : i32
      %dma_start3A_87 = tpu.memref_slice %arg15[%add3A_85, %dma_start3A_86] : memref<10240x128xf32, #tpu.memory_space<vmem_shared>> -> memref<64x128xf32, #tpu.memory_space<vmem_shared>>
      %dma_start3A_88 = arith.constant 0 : i32
      %dma_start3A_89 = tpu.memref_slice %arg15[%add3A_85, %dma_start3A_88] : memref<10240x128xf32, #tpu.memory_space<vmem_shared>> -> memref<64x128xf32, #tpu.memory_space<vmem_shared>>
      tpu.enqueue_dma source(%arg14 : memref<64x128xf32, #tpu.memory_space<vmem>>) target(%dma_start3A_89 : memref<64x128xf32, #tpu.memory_space<vmem_shared>>) target_semaphore(%arg19 : memref<!tpu.dma_semaphore, #tpu.memory_space<semaphore_mem>>)
      %dma_wait3A = arith.constant 0 : i32
      %dma_wait3A_90 = tpu.memref_slice %arg15[%add3A_14, %dma_wait3A] : memref<10240x128xf32, #tpu.memory_space<vmem_shared>> -> memref<64x128xf32, #tpu.memory_space<vmem_shared>>
      %dma_wait3A_91 = arith.constant 0 : i32
      %dma_wait3A_92 = tpu.memref_slice %arg15[%add3A_14, %dma_wait3A_91] : memref<10240x128xf32, #tpu.memory_space<vmem_shared>> -> memref<64x128xf32, #tpu.memory_space<vmem_shared>>
      tpu.wait_dma2 semaphore(%arg19 : memref<!tpu.dma_semaphore, #tpu.memory_space<semaphore_mem>>) src(%arg14 : memref<64x128xf32, #tpu.memory_space<vmem>>) dst(%dma_wait3A_92 : memref<64x128xf32, #tpu.memory_space<vmem_shared>>)
      %dma_wait3A_93 = arith.constant 0 : i32
      %dma_wait3A_94 = tpu.memref_slice %arg15[%add3A_21, %dma_wait3A_93] : memref<10240x128xf32, #tpu.memory_space<vmem_shared>> -> memref<64x128xf32, #tpu.memory_space<vmem_shared>>
      %dma_wait3A_95 = arith.constant 0 : i32
      %dma_wait3A_96 = tpu.memref_slice %arg15[%add3A_21, %dma_wait3A_95] : memref<10240x128xf32, #tpu.memory_space<vmem_shared>> -> memref<64x128xf32, #tpu.memory_space<vmem_shared>>
      tpu.wait_dma2 semaphore(%arg19 : memref<!tpu.dma_semaphore, #tpu.memory_space<semaphore_mem>>) src(%arg14 : memref<64x128xf32, #tpu.memory_space<vmem>>) dst(%dma_wait3A_96 : memref<64x128xf32, #tpu.memory_space<vmem_shared>>)
      %dma_wait3A_97 = arith.constant 0 : i32
      %dma_wait3A_98 = tpu.memref_slice %arg15[%add3A_29, %dma_wait3A_97] : memref<10240x128xf32, #tpu.memory_space<vmem_shared>> -> memref<64x128xf32, #tpu.memory_space<vmem_shared>>
      %dma_wait3A_99 = arith.constant 0 : i32
      %dma_wait3A_100 = tpu.memref_slice %arg15[%add3A_29, %dma_wait3A_99] : memref<10240x128xf32, #tpu.memory_space<vmem_shared>> -> memref<64x128xf32, #tpu.memory_space<vmem_shared>>
      tpu.wait_dma2 semaphore(%arg19 : memref<!tpu.dma_semaphore, #tpu.memory_space<semaphore_mem>>) src(%arg14 : memref<64x128xf32, #tpu.memory_space<vmem>>) dst(%dma_wait3A_100 : memref<64x128xf32, #tpu.memory_space<vmem_shared>>)
      %dma_wait3A_101 = arith.constant 0 : i32
      %dma_wait3A_102 = tpu.memref_slice %arg15[%add3A_37, %dma_wait3A_101] : memref<10240x128xf32, #tpu.memory_space<vmem_shared>> -> memref<64x128xf32, #tpu.memory_space<vmem_shared>>
      %dma_wait3A_103 = arith.constant 0 : i32
      %dma_wait3A_104 = tpu.memref_slice %arg15[%add3A_37, %dma_wait3A_103] : memref<10240x128xf32, #tpu.memory_space<vmem_shared>> -> memref<64x128xf32, #tpu.memory_space<vmem_shared>>
      tpu.wait_dma2 semaphore(%arg19 : memref<!tpu.dma_semaphore, #tpu.memory_space<semaphore_mem>>) src(%arg14 : memref<64x128xf32, #tpu.memory_space<vmem>>) dst(%dma_wait3A_104 : memref<64x128xf32, #tpu.memory_space<vmem_shared>>)
      %dma_wait3A_105 = arith.constant 0 : i32
      %dma_wait3A_106 = tpu.memref_slice %arg15[%add3A_45, %dma_wait3A_105] : memref<10240x128xf32, #tpu.memory_space<vmem_shared>> -> memref<64x128xf32, #tpu.memory_space<vmem_shared>>
      %dma_wait3A_107 = arith.constant 0 : i32
      %dma_wait3A_108 = tpu.memref_slice %arg15[%add3A_45, %dma_wait3A_107] : memref<10240x128xf32, #tpu.memory_space<vmem_shared>> -> memref<64x128xf32, #tpu.memory_space<vmem_shared>>
      tpu.wait_dma2 semaphore(%arg19 : memref<!tpu.dma_semaphore, #tpu.memory_space<semaphore_mem>>) src(%arg14 : memref<64x128xf32, #tpu.memory_space<vmem>>) dst(%dma_wait3A_108 : memref<64x128xf32, #tpu.memory_space<vmem_shared>>)
      %dma_wait3A_109 = arith.constant 0 : i32
      %dma_wait3A_110 = tpu.memref_slice %arg15[%add3A_53, %dma_wait3A_109] : memref<10240x128xf32, #tpu.memory_space<vmem_shared>> -> memref<64x128xf32, #tpu.memory_space<vmem_shared>>
      %dma_wait3A_111 = arith.constant 0 : i32
      %dma_wait3A_112 = tpu.memref_slice %arg15[%add3A_53, %dma_wait3A_111] : memref<10240x128xf32, #tpu.memory_space<vmem_shared>> -> memref<64x128xf32, #tpu.memory_space<vmem_shared>>
      tpu.wait_dma2 semaphore(%arg19 : memref<!tpu.dma_semaphore, #tpu.memory_space<semaphore_mem>>) src(%arg14 : memref<64x128xf32, #tpu.memory_space<vmem>>) dst(%dma_wait3A_112 : memref<64x128xf32, #tpu.memory_space<vmem_shared>>)
      %dma_wait3A_113 = arith.constant 0 : i32
      %dma_wait3A_114 = tpu.memref_slice %arg15[%add3A_61, %dma_wait3A_113] : memref<10240x128xf32, #tpu.memory_space<vmem_shared>> -> memref<64x128xf32, #tpu.memory_space<vmem_shared>>
      %dma_wait3A_115 = arith.constant 0 : i32
      %dma_wait3A_116 = tpu.memref_slice %arg15[%add3A_61, %dma_wait3A_115] : memref<10240x128xf32, #tpu.memory_space<vmem_shared>> -> memref<64x128xf32, #tpu.memory_space<vmem_shared>>
      tpu.wait_dma2 semaphore(%arg19 : memref<!tpu.dma_semaphore, #tpu.memory_space<semaphore_mem>>) src(%arg14 : memref<64x128xf32, #tpu.memory_space<vmem>>) dst(%dma_wait3A_116 : memref<64x128xf32, #tpu.memory_space<vmem_shared>>)
      %dma_wait3A_117 = arith.constant 0 : i32
      %dma_wait3A_118 = tpu.memref_slice %arg15[%add3A_69, %dma_wait3A_117] : memref<10240x128xf32, #tpu.memory_space<vmem_shared>> -> memref<64x128xf32, #tpu.memory_space<vmem_shared>>
      %dma_wait3A_119 = arith.constant 0 : i32
      %dma_wait3A_120 = tpu.memref_slice %arg15[%add3A_69, %dma_wait3A_119] : memref<10240x128xf32, #tpu.memory_space<vmem_shared>> -> memref<64x128xf32, #tpu.memory_space<vmem_shared>>
      tpu.wait_dma2 semaphore(%arg19 : memref<!tpu.dma_semaphore, #tpu.memory_space<semaphore_mem>>) src(%arg14 : memref<64x128xf32, #tpu.memory_space<vmem>>) dst(%dma_wait3A_120 : memref<64x128xf32, #tpu.memory_space<vmem_shared>>)
      %dma_wait3A_121 = arith.constant 0 : i32
      %dma_wait3A_122 = tpu.memref_slice %arg15[%add3A_77, %dma_wait3A_121] : memref<10240x128xf32, #tpu.memory_space<vmem_shared>> -> memref<64x128xf32, #tpu.memory_space<vmem_shared>>
      %dma_wait3A_123 = arith.constant 0 : i32
      %dma_wait3A_124 = tpu.memref_slice %arg15[%add3A_77, %dma_wait3A_123] : memref<10240x128xf32, #tpu.memory_space<vmem_shared>> -> memref<64x128xf32, #tpu.memory_space<vmem_shared>>
      tpu.wait_dma2 semaphore(%arg19 : memref<!tpu.dma_semaphore, #tpu.memory_space<semaphore_mem>>) src(%arg14 : memref<64x128xf32, #tpu.memory_space<vmem>>) dst(%dma_wait3A_124 : memref<64x128xf32, #tpu.memory_space<vmem_shared>>)
      %dma_wait3A_125 = arith.constant 0 : i32
      %dma_wait3A_126 = tpu.memref_slice %arg15[%add3A_85, %dma_wait3A_125] : memref<10240x128xf32, #tpu.memory_space<vmem_shared>> -> memref<64x128xf32, #tpu.memory_space<vmem_shared>>
      %dma_wait3A_127 = arith.constant 0 : i32
      %dma_wait3A_128 = tpu.memref_slice %arg15[%add3A_85, %dma_wait3A_127] : memref<10240x128xf32, #tpu.memory_space<vmem_shared>> -> memref<64x128xf32, #tpu.memory_space<vmem_shared>>
      tpu.wait_dma2 semaphore(%arg19 : memref<!tpu.dma_semaphore, #tpu.memory_space<semaphore_mem>>) src(%arg14 : memref<64x128xf32, #tpu.memory_space<vmem>>) dst(%dma_wait3A_128 : memref<64x128xf32, #tpu.memory_space<vmem_shared>>)
      %barrier3A = arith.constant 0 : index
      tpu.barrier barrier_id(%barrier3A)
      %mul3A_129 = arith.constant 640 : i32
      %mul3A_130 = arith.muli %arg1, %mul3A_129 : i32
      %add3A_131 = arith.constant 0 : i32
      %add3A_132 = arith.addi %mul3A_130, %add3A_131 : i32
      %mul3A_133 = arith.constant 640 : i32
      %mul3A_134 = arith.muli %arg1, %mul3A_133 : i32
      %add3A_135 = arith.constant 128 : i32
      %add3A_136 = arith.addi %mul3A_134, %add3A_135 : i32
      %mul3A_137 = arith.constant 640 : i32
      %mul3A_138 = arith.muli %arg1, %mul3A_137 : i32
      %add3A_139 = arith.constant 256 : i32
      %add3A_140 = arith.addi %mul3A_138, %add3A_139 : i32
      %mul3A_141 = arith.constant 640 : i32
      %mul3A_142 = arith.muli %arg1, %mul3A_141 : i32
      %add3A_143 = arith.constant 384 : i32
      %add3A_144 = arith.addi %mul3A_142, %add3A_143 : i32
      %mul3A_145 = arith.constant 640 : i32
      %mul3A_146 = arith.muli %arg1, %mul3A_145 : i32
      %add3A_147 = arith.constant 512 : i32
      %add3A_148 = arith.addi %mul3A_146, %add3A_147 : i32
      %dma_start3A_149 = arith.constant 0 : i32
      %dma_start3A_150 = tpu.memref_slice %arg2[%add3A_132, %dma_start3A_149] : memref<10240x128xf32, #tpu.memory_space<hbm>> -> memref<128x128xf32, #tpu.memory_space<hbm>>
      %dma_start3A_151 = arith.constant 0 : i32
      %dma_start3A_152 = tpu.memref_slice %arg2[%add3A_132, %dma_start3A_151] : memref<10240x128xf32, #tpu.memory_space<hbm>> -> memref<128x128xf32, #tpu.memory_space<hbm>>
      tpu.enqueue_dma source(%dma_start3A_152 : memref<128x128xf32, #tpu.memory_space<hbm>>) target(%arg10 : memref<128x128xf32, #tpu.memory_space<vmem>>) target_semaphore(%arg16 : memref<!tpu.dma_semaphore, #tpu.memory_space<semaphore_mem>>)
      %dma_start3A_153 = tpu.memref_slice %arg5[%add3A_132] : memref<10240xi32, #tpu.memory_space<hbm>> -> memref<128xi32, #tpu.memory_space<hbm>>
      %dma_start3A_154 = tpu.memref_slice %arg5[%add3A_132] : memref<10240xi32, #tpu.memory_space<hbm>> -> memref<128xi32, #tpu.memory_space<hbm>>
      tpu.enqueue_dma source(%dma_start3A_154 : memref<128xi32, #tpu.memory_space<hbm>>) target(%arg12 : memref<128xi32, #tpu.memory_space<vmem>>) target_semaphore(%arg16 : memref<!tpu.dma_semaphore, #tpu.memory_space<semaphore_mem>>)
      %dma_start3A_155 = arith.constant 0 : i32
      %dma_start3A_156 = tpu.memref_slice %arg2[%add3A_136, %dma_start3A_155] : memref<10240x128xf32, #tpu.memory_space<hbm>> -> memref<128x128xf32, #tpu.memory_space<hbm>>
      %dma_start3A_157 = arith.constant 0 : i32
      %dma_start3A_158 = tpu.memref_slice %arg2[%add3A_136, %dma_start3A_157] : memref<10240x128xf32, #tpu.memory_space<hbm>> -> memref<128x128xf32, #tpu.memory_space<hbm>>
      tpu.enqueue_dma source(%dma_start3A_158 : memref<128x128xf32, #tpu.memory_space<hbm>>) target(%arg11 : memref<128x128xf32, #tpu.memory_space<vmem>>) target_semaphore(%arg17 : memref<!tpu.dma_semaphore, #tpu.memory_space<semaphore_mem>>)
      %dma_start3A_159 = tpu.memref_slice %arg5[%add3A_136] : memref<10240xi32, #tpu.memory_space<hbm>> -> memref<128xi32, #tpu.memory_space<hbm>>
      %dma_start3A_160 = tpu.memref_slice %arg5[%add3A_136] : memref<10240xi32, #tpu.memory_space<hbm>> -> memref<128xi32, #tpu.memory_space<hbm>>
      tpu.enqueue_dma source(%dma_start3A_160 : memref<128xi32, #tpu.memory_space<hbm>>) target(%arg13 : memref<128xi32, #tpu.memory_space<vmem>>) target_semaphore(%arg17 : memref<!tpu.dma_semaphore, #tpu.memory_space<semaphore_mem>>)
      %dma_wait3A_161 = arith.constant 0 : i32
      %dma_wait3A_162 = tpu.memref_slice %arg2[%add3A_132, %dma_wait3A_161] : memref<10240x128xf32, #tpu.memory_space<hbm>> -> memref<128x128xf32, #tpu.memory_space<hbm>>
      %dma_wait3A_163 = arith.constant 0 : i32
      %dma_wait3A_164 = tpu.memref_slice %arg2[%add3A_132, %dma_wait3A_163] : memref<10240x128xf32, #tpu.memory_space<hbm>> -> memref<128x128xf32, #tpu.memory_space<hbm>>
      tpu.wait_dma2 semaphore(%arg16 : memref<!tpu.dma_semaphore, #tpu.memory_space<semaphore_mem>>) src(%dma_wait3A_164 : memref<128x128xf32, #tpu.memory_space<hbm>>) dst(%arg10 : memref<128x128xf32, #tpu.memory_space<vmem>>)
      %dma_wait3A_165 = tpu.memref_slice %arg5[%add3A_132] : memref<10240xi32, #tpu.memory_space<hbm>> -> memref<128xi32, #tpu.memory_space<hbm>>
      %dma_wait3A_166 = tpu.memref_slice %arg5[%add3A_132] : memref<10240xi32, #tpu.memory_space<hbm>> -> memref<128xi32, #tpu.memory_space<hbm>>
      tpu.wait_dma2 semaphore(%arg16 : memref<!tpu.dma_semaphore, #tpu.memory_space<semaphore_mem>>) src(%dma_wait3A_166 : memref<128xi32, #tpu.memory_space<hbm>>) dst(%arg12 : memref<128xi32, #tpu.memory_space<vmem>>)
      %dma_start3A_167 = arith.constant 0 : i32
      %dma_start3A_168 = arith.constant 0 : i32
      %dma_start3A_169 = tpu.memref_slice %arg15[%dma_start3A_167, %dma_start3A_168] : memref<10240x128xf32, #tpu.memory_space<vmem_shared>> -> memref<10240x128xf32, #tpu.memory_space<vmem_shared>>
      tpu.enqueue_indirect_dma source(%arg10 : memref<128x128xf32, #tpu.memory_space<vmem>>) target(%dma_start3A_169 : memref<10240x128xf32, #tpu.memory_space<vmem_shared>>) offsets(%arg12 : memref<128xi32, #tpu.memory_space<vmem>>) semaphore(%arg18 : memref<!tpu.dma_semaphore, #tpu.memory_space<semaphore_mem>>) {add = true}
      %dma_wait3A_170 = arith.constant 0 : i32
      %dma_wait3A_171 = arith.constant 0 : i32
      %dma_wait3A_172 = tpu.memref_slice %arg15[%dma_wait3A_170, %dma_wait3A_171] : memref<10240x128xf32, #tpu.memory_space<vmem_shared>> -> memref<10240x128xf32, #tpu.memory_space<vmem_shared>>
      tpu.wait_indirect_dma semaphore(%arg18 : memref<!tpu.dma_semaphore, #tpu.memory_space<semaphore_mem>>) src(%arg10 : memref<128x128xf32, #tpu.memory_space<vmem>>) dst(%dma_wait3A_172 : memref<10240x128xf32, #tpu.memory_space<vmem_shared>>)
      %dma_start3A_173 = arith.constant 0 : i32
      %dma_start3A_174 = tpu.memref_slice %arg2[%add3A_140, %dma_start3A_173] : memref<10240x128xf32, #tpu.memory_space<hbm>> -> memref<128x128xf32, #tpu.memory_space<hbm>>
      %dma_start3A_175 = arith.constant 0 : i32
      %dma_start3A_176 = tpu.memref_slice %arg2[%add3A_140, %dma_start3A_175] : memref<10240x128xf32, #tpu.memory_space<hbm>> -> memref<128x128xf32, #tpu.memory_space<hbm>>
      tpu.enqueue_dma source(%dma_start3A_176 : memref<128x128xf32, #tpu.memory_space<hbm>>) target(%arg10 : memref<128x128xf32, #tpu.memory_space<vmem>>) target_semaphore(%arg16 : memref<!tpu.dma_semaphore, #tpu.memory_space<semaphore_mem>>)
      %dma_start3A_177 = tpu.memref_slice %arg5[%add3A_140] : memref<10240xi32, #tpu.memory_space<hbm>> -> memref<128xi32, #tpu.memory_space<hbm>>
      %dma_start3A_178 = tpu.memref_slice %arg5[%add3A_140] : memref<10240xi32, #tpu.memory_space<hbm>> -> memref<128xi32, #tpu.memory_space<hbm>>
      tpu.enqueue_dma source(%dma_start3A_178 : memref<128xi32, #tpu.memory_space<hbm>>) target(%arg12 : memref<128xi32, #tpu.memory_space<vmem>>) target_semaphore(%arg16 : memref<!tpu.dma_semaphore, #tpu.memory_space<semaphore_mem>>)
      %dma_wait3A_179 = arith.constant 0 : i32
      %dma_wait3A_180 = tpu.memref_slice %arg2[%add3A_136, %dma_wait3A_179] : memref<10240x128xf32, #tpu.memory_space<hbm>> -> memref<128x128xf32, #tpu.memory_space<hbm>>
      %dma_wait3A_181 = arith.constant 0 : i32
      %dma_wait3A_182 = tpu.memref_slice %arg2[%add3A_136, %dma_wait3A_181] : memref<10240x128xf32, #tpu.memory_space<hbm>> -> memref<128x128xf32, #tpu.memory_space<hbm>>
      tpu.wait_dma2 semaphore(%arg17 : memref<!tpu.dma_semaphore, #tpu.memory_space<semaphore_mem>>) src(%dma_wait3A_182 : memref<128x128xf32, #tpu.memory_space<hbm>>) dst(%arg11 : memref<128x128xf32, #tpu.memory_space<vmem>>)
      %dma_wait3A_183 = tpu.memref_slice %arg5[%add3A_136] : memref<10240xi32, #tpu.memory_space<hbm>> -> memref<128xi32, #tpu.memory_space<hbm>>
      %dma_wait3A_184 = tpu.memref_slice %arg5[%add3A_136] : memref<10240xi32, #tpu.memory_space<hbm>> -> memref<128xi32, #tpu.memory_space<hbm>>
      tpu.wait_dma2 semaphore(%arg17 : memref<!tpu.dma_semaphore, #tpu.memory_space<semaphore_mem>>) src(%dma_wait3A_184 : memref<128xi32, #tpu.memory_space<hbm>>) dst(%arg13 : memref<128xi32, #tpu.memory_space<vmem>>)
      %dma_start3A_185 = arith.constant 0 : i32
      %dma_start3A_186 = arith.constant 0 : i32
      %dma_start3A_187 = tpu.memref_slice %arg15[%dma_start3A_185, %dma_start3A_186] : memref<10240x128xf32, #tpu.memory_space<vmem_shared>> -> memref<10240x128xf32, #tpu.memory_space<vmem_shared>>
      tpu.enqueue_indirect_dma source(%arg11 : memref<128x128xf32, #tpu.memory_space<vmem>>) target(%dma_start3A_187 : memref<10240x128xf32, #tpu.memory_space<vmem_shared>>) offsets(%arg13 : memref<128xi32, #tpu.memory_space<vmem>>) semaphore(%arg18 : memref<!tpu.dma_semaphore, #tpu.memory_space<semaphore_mem>>) {add = true}
      %dma_wait3A_188 = arith.constant 0 : i32
      %dma_wait3A_189 = arith.constant 0 : i32
      %dma_wait3A_190 = tpu.memref_slice %arg15[%dma_wait3A_188, %dma_wait3A_189] : memref<10240x128xf32, #tpu.memory_space<vmem_shared>> -> memref<10240x128xf32, #tpu.memory_space<vmem_shared>>
      tpu.wait_indirect_dma semaphore(%arg18 : memref<!tpu.dma_semaphore, #tpu.memory_space<semaphore_mem>>) src(%arg11 : memref<128x128xf32, #tpu.memory_space<vmem>>) dst(%dma_wait3A_190 : memref<10240x128xf32, #tpu.memory_space<vmem_shared>>)
      %dma_start3A_191 = arith.constant 0 : i32
      %dma_start3A_192 = tpu.memref_slice %arg2[%add3A_144, %dma_start3A_191] : memref<10240x128xf32, #tpu.memory_space<hbm>> -> memref<128x128xf32, #tpu.memory_space<hbm>>
      %dma_start3A_193 = arith.constant 0 : i32
      %dma_start3A_194 = tpu.memref_slice %arg2[%add3A_144, %dma_start3A_193] : memref<10240x128xf32, #tpu.memory_space<hbm>> -> memref<128x128xf32, #tpu.memory_space<hbm>>
      tpu.enqueue_dma source(%dma_start3A_194 : memref<128x128xf32, #tpu.memory_space<hbm>>) target(%arg11 : memref<128x128xf32, #tpu.memory_space<vmem>>) target_semaphore(%arg17 : memref<!tpu.dma_semaphore, #tpu.memory_space<semaphore_mem>>)
      %dma_start3A_195 = tpu.memref_slice %arg5[%add3A_144] : memref<10240xi32, #tpu.memory_space<hbm>> -> memref<128xi32, #tpu.memory_space<hbm>>
      %dma_start3A_196 = tpu.memref_slice %arg5[%add3A_144] : memref<10240xi32, #tpu.memory_space<hbm>> -> memref<128xi32, #tpu.memory_space<hbm>>
      tpu.enqueue_dma source(%dma_start3A_196 : memref<128xi32, #tpu.memory_space<hbm>>) target(%arg13 : memref<128xi32, #tpu.memory_space<vmem>>) target_semaphore(%arg17 : memref<!tpu.dma_semaphore, #tpu.memory_space<semaphore_mem>>)
      %dma_wait3A_197 = arith.constant 0 : i32
      %dma_wait3A_198 = tpu.memref_slice %arg2[%add3A_140, %dma_wait3A_197] : memref<10240x128xf32, #tpu.memory_space<hbm>> -> memref<128x128xf32, #tpu.memory_space<hbm>>
      %dma_wait3A_199 = arith.constant 0 : i32
      %dma_wait3A_200 = tpu.memref_slice %arg2[%add3A_140, %dma_wait3A_199] : memref<10240x128xf32, #tpu.memory_space<hbm>> -> memref<128x128xf32, #tpu.memory_space<hbm>>
      tpu.wait_dma2 semaphore(%arg16 : memref<!tpu.dma_semaphore, #tpu.memory_space<semaphore_mem>>) src(%dma_wait3A_200 : memref<128x128xf32, #tpu.memory_space<hbm>>) dst(%arg10 : memref<128x128xf32, #tpu.memory_space<vmem>>)
      %dma_wait3A_201 = tpu.memref_slice %arg5[%add3A_140] : memref<10240xi32, #tpu.memory_space<hbm>> -> memref<128xi32, #tpu.memory_space<hbm>>
      %dma_wait3A_202 = tpu.memref_slice %arg5[%add3A_140] : memref<10240xi32, #tpu.memory_space<hbm>> -> memref<128xi32, #tpu.memory_space<hbm>>
      tpu.wait_dma2 semaphore(%arg16 : memref<!tpu.dma_semaphore, #tpu.memory_space<semaphore_mem>>) src(%dma_wait3A_202 : memref<128xi32, #tpu.memory_space<hbm>>) dst(%arg12 : memref<128xi32, #tpu.memory_space<vmem>>)
      %dma_start3A_203 = arith.constant 0 : i32
      %dma_start3A_204 = arith.constant 0 : i32
      %dma_start3A_205 = tpu.memref_slice %arg15[%dma_start3A_203, %dma_start3A_204] : memref<10240x128xf32, #tpu.memory_space<vmem_shared>> -> memref<10240x128xf32, #tpu.memory_space<vmem_shared>>
      tpu.enqueue_indirect_dma source(%arg10 : memref<128x128xf32, #tpu.memory_space<vmem>>) target(%dma_start3A_205 : memref<10240x128xf32, #tpu.memory_space<vmem_shared>>) offsets(%arg12 : memref<128xi32, #tpu.memory_space<vmem>>) semaphore(%arg18 : memref<!tpu.dma_semaphore, #tpu.memory_space<semaphore_mem>>) {add = true}
      %dma_wait3A_206 = arith.constant 0 : i32
      %dma_wait3A_207 = arith.constant 0 : i32
      %dma_wait3A_208 = tpu.memref_slice %arg15[%dma_wait3A_206, %dma_wait3A_207] : memref<10240x128xf32, #tpu.memory_space<vmem_shared>> -> memref<10240x128xf32, #tpu.memory_space<vmem_shared>>
      tpu.wait_indirect_dma semaphore(%arg18 : memref<!tpu.dma_semaphore, #tpu.memory_space<semaphore_mem>>) src(%arg10 : memref<128x128xf32, #tpu.memory_space<vmem>>) dst(%dma_wait3A_208 : memref<10240x128xf32, #tpu.memory_space<vmem_shared>>)
      %dma_start3A_209 = arith.constant 0 : i32
      %dma_start3A_210 = tpu.memref_slice %arg2[%add3A_148, %dma_start3A_209] : memref<10240x128xf32, #tpu.memory_space<hbm>> -> memref<128x128xf32, #tpu.memory_space<hbm>>
      %dma_start3A_211 = arith.constant 0 : i32
      %dma_start3A_212 = tpu.memref_slice %arg2[%add3A_148, %dma_start3A_211] : memref<10240x128xf32, #tpu.memory_space<hbm>> -> memref<128x128xf32, #tpu.memory_space<hbm>>
      tpu.enqueue_dma source(%dma_start3A_212 : memref<128x128xf32, #tpu.memory_space<hbm>>) target(%arg10 : memref<128x128xf32, #tpu.memory_space<vmem>>) target_semaphore(%arg16 : memref<!tpu.dma_semaphore, #tpu.memory_space<semaphore_mem>>)
      %dma_start3A_213 = tpu.memref_slice %arg5[%add3A_148] : memref<10240xi32, #tpu.memory_space<hbm>> -> memref<128xi32, #tpu.memory_space<hbm>>
      %dma_start3A_214 = tpu.memref_slice %arg5[%add3A_148] : memref<10240xi32, #tpu.memory_space<hbm>> -> memref<128xi32, #tpu.memory_space<hbm>>
      tpu.enqueue_dma source(%dma_start3A_214 : memref<128xi32, #tpu.memory_space<hbm>>) target(%arg12 : memref<128xi32, #tpu.memory_space<vmem>>) target_semaphore(%arg16 : memref<!tpu.dma_semaphore, #tpu.memory_space<semaphore_mem>>)
      %dma_wait3A_215 = arith.constant 0 : i32
      %dma_wait3A_216 = tpu.memref_slice %arg2[%add3A_144, %dma_wait3A_215] : memref<10240x128xf32, #tpu.memory_space<hbm>> -> memref<128x128xf32, #tpu.memory_space<hbm>>
      %dma_wait3A_217 = arith.constant 0 : i32
      %dma_wait3A_218 = tpu.memref_slice %arg2[%add3A_144, %dma_wait3A_217] : memref<10240x128xf32, #tpu.memory_space<hbm>> -> memref<128x128xf32, #tpu.memory_space<hbm>>
      tpu.wait_dma2 semaphore(%arg17 : memref<!tpu.dma_semaphore, #tpu.memory_space<semaphore_mem>>) src(%dma_wait3A_218 : memref<128x128xf32, #tpu.memory_space<hbm>>) dst(%arg11 : memref<128x128xf32, #tpu.memory_space<vmem>>)
      %dma_wait3A_219 = tpu.memref_slice %arg5[%add3A_144] : memref<10240xi32, #tpu.memory_space<hbm>> -> memref<128xi32, #tpu.memory_space<hbm>>
      %dma_wait3A_220 = tpu.memref_slice %arg5[%add3A_144] : memref<10240xi32, #tpu.memory_space<hbm>> -> memref<128xi32, #tpu.memory_space<hbm>>
      tpu.wait_dma2 semaphore(%arg17 : memref<!tpu.dma_semaphore, #tpu.memory_space<semaphore_mem>>) src(%dma_wait3A_220 : memref<128xi32, #tpu.memory_space<hbm>>) dst(%arg13 : memref<128xi32, #tpu.memory_space<vmem>>)
      %dma_start3A_221 = arith.constant 0 : i32
      %dma_start3A_222 = arith.constant 0 : i32
      %dma_start3A_223 = tpu.memref_slice %arg15[%dma_start3A_221, %dma_start3A_222] : memref<10240x128xf32, #tpu.memory_space<vmem_shared>> -> memref<10240x128xf32, #tpu.memory_space<vmem_shared>>
      tpu.enqueue_indirect_dma source(%arg11 : memref<128x128xf32, #tpu.memory_space<vmem>>) target(%dma_start3A_223 : memref<10240x128xf32, #tpu.memory_space<vmem_shared>>) offsets(%arg13 : memref<128xi32, #tpu.memory_space<vmem>>) semaphore(%arg18 : memref<!tpu.dma_semaphore, #tpu.memory_space<semaphore_mem>>) {add = true}
      %dma_wait3A_224 = arith.constant 0 : i32
      %dma_wait3A_225 = tpu.memref_slice %arg2[%add3A_148, %dma_wait3A_224] : memref<10240x128xf32, #tpu.memory_space<hbm>> -> memref<128x128xf32, #tpu.memory_space<hbm>>
      %dma_wait3A_226 = arith.constant 0 : i32
      %dma_wait3A_227 = tpu.memref_slice %arg2[%add3A_148, %dma_wait3A_226] : memref<10240x128xf32, #tpu.memory_space<hbm>> -> memref<128x128xf32, #tpu.memory_space<hbm>>
      tpu.wait_dma2 semaphore(%arg16 : memref<!tpu.dma_semaphore, #tpu.memory_space<semaphore_mem>>) src(%dma_wait3A_227 : memref<128x128xf32, #tpu.memory_space<hbm>>) dst(%arg10 : memref<128x128xf32, #tpu.memory_space<vmem>>)
      %dma_wait3A_228 = tpu.memref_slice %arg5[%add3A_148] : memref<10240xi32, #tpu.memory_space<hbm>> -> memref<128xi32, #tpu.memory_space<hbm>>
      %dma_wait3A_229 = tpu.memref_slice %arg5[%add3A_148] : memref<10240xi32, #tpu.memory_space<hbm>> -> memref<128xi32, #tpu.memory_space<hbm>>
      tpu.wait_dma2 semaphore(%arg16 : memref<!tpu.dma_semaphore, #tpu.memory_space<semaphore_mem>>) src(%dma_wait3A_229 : memref<128xi32, #tpu.memory_space<hbm>>) dst(%arg12 : memref<128xi32, #tpu.memory_space<vmem>>)
      %dma_start3A_230 = arith.constant 0 : i32
      %dma_start3A_231 = arith.constant 0 : i32
      %dma_start3A_232 = tpu.memref_slice %arg15[%dma_start3A_230, %dma_start3A_231] : memref<10240x128xf32, #tpu.memory_space<vmem_shared>> -> memref<10240x128xf32, #tpu.memory_space<vmem_shared>>
      tpu.enqueue_indirect_dma source(%arg10 : memref<128x128xf32, #tpu.memory_space<vmem>>) target(%dma_start3A_232 : memref<10240x128xf32, #tpu.memory_space<vmem_shared>>) offsets(%arg12 : memref<128xi32, #tpu.memory_space<vmem>>) semaphore(%arg18 : memref<!tpu.dma_semaphore, #tpu.memory_space<semaphore_mem>>) {add = true}
      %dma_wait3A_233 = arith.constant 0 : i32
      %dma_wait3A_234 = arith.constant 0 : i32
      %dma_wait3A_235 = tpu.memref_slice %arg15[%dma_wait3A_233, %dma_wait3A_234] : memref<10240x128xf32, #tpu.memory_space<vmem_shared>> -> memref<10240x128xf32, #tpu.memory_space<vmem_shared>>
      tpu.wait_indirect_dma semaphore(%arg18 : memref<!tpu.dma_semaphore, #tpu.memory_space<semaphore_mem>>) src(%arg11 : memref<128x128xf32, #tpu.memory_space<vmem>>) dst(%dma_wait3A_235 : memref<10240x128xf32, #tpu.memory_space<vmem_shared>>)
      %dma_wait3A_236 = arith.constant 0 : i32
      %dma_wait3A_237 = arith.constant 0 : i32
      %dma_wait3A_238 = tpu.memref_slice %arg15[%dma_wait3A_236, %dma_wait3A_237] : memref<10240x128xf32, #tpu.memory_space<vmem_shared>> -> memref<10240x128xf32, #tpu.memory_space<vmem_shared>>
      tpu.wait_indirect_dma semaphore(%arg18 : memref<!tpu.dma_semaphore, #tpu.memory_space<semaphore_mem>>) src(%arg10 : memref<128x128xf32, #tpu.memory_space<vmem>>) dst(%dma_wait3A_238 : memref<10240x128xf32, #tpu.memory_space<vmem_shared>>)
      %barrier3A_239 = arith.constant 0 : index
      tpu.barrier barrier_id(%barrier3A_239)
      %mul3A_240 = arith.constant 640 : i32
      %mul3A_241 = arith.muli %arg1, %mul3A_240 : i32
      %mul3A_242 = arith.constant 640 : i32
      %mul3A_243 = arith.muli %arg1, %mul3A_242 : i32
      %dma_start3A_244 = arith.constant 0 : i32
      %dma_start3A_245 = tpu.memref_slice %arg6[%mul3A_243, %dma_start3A_244] : memref<10240x128xf32, #tpu.memory_space<hbm>> -> memref<640x128xf32, #tpu.memory_space<hbm>>
      %dma_start3A_246 = arith.constant 0 : i32
      %dma_start3A_247 = tpu.memref_slice %arg15[%mul3A_241, %dma_start3A_246] : memref<10240x128xf32, #tpu.memory_space<vmem_shared>> -> memref<640x128xf32, #tpu.memory_space<vmem_shared>>
      tpu.enqueue_dma source(%dma_start3A_247 : memref<640x128xf32, #tpu.memory_space<vmem_shared>>) target(%dma_start3A_245 : memref<640x128xf32, #tpu.memory_space<hbm>>) target_semaphore(%arg20 : memref<!tpu.dma_semaphore, #tpu.memory_space<semaphore_mem>>)
      %dma_wait3A_248 = arith.constant 0 : i32
      %dma_wait3A_249 = tpu.memref_slice %arg6[%mul3A_243, %dma_wait3A_248] : memref<10240x128xf32, #tpu.memory_space<hbm>> -> memref<640x128xf32, #tpu.memory_space<hbm>>
      %dma_wait3A_250 = arith.constant 0 : i32
      %dma_wait3A_251 = tpu.memref_slice %arg15[%mul3A_241, %dma_wait3A_250] : memref<10240x128xf32, #tpu.memory_space<vmem_shared>> -> memref<640x128xf32, #tpu.memory_space<vmem_shared>>
      tpu.wait_dma2 semaphore(%arg20 : memref<!tpu.dma_semaphore, #tpu.memory_space<semaphore_mem>>) src(%dma_wait3A_251 : memref<640x128xf32, #tpu.memory_space<vmem_shared>>) dst(%dma_wait3A_249 : memref<640x128xf32, #tpu.memory_space<hbm>>)
      %mul3A_252 = arith.constant 640 : i32
      %mul3A_253 = arith.muli %arg1, %mul3A_252 : i32
      %add3A_254 = arith.constant 0 : i32
      %add3A_255 = arith.addi %mul3A_253, %add3A_254 : i32
      %dma_start3A_256 = arith.constant 0 : i32
      %dma_start3A_257 = tpu.memref_slice %arg15[%add3A_255, %dma_start3A_256] : memref<10240x128xf32, #tpu.memory_space<vmem_shared>> -> memref<64x128xf32, #tpu.memory_space<vmem_shared>>
      %dma_start3A_258 = arith.constant 0 : i32
      %dma_start3A_259 = tpu.memref_slice %arg15[%add3A_255, %dma_start3A_258] : memref<10240x128xf32, #tpu.memory_space<vmem_shared>> -> memref<64x128xf32, #tpu.memory_space<vmem_shared>>
      tpu.enqueue_dma source(%arg14 : memref<64x128xf32, #tpu.memory_space<vmem>>) target(%dma_start3A_259 : memref<64x128xf32, #tpu.memory_space<vmem_shared>>) target_semaphore(%arg19 : memref<!tpu.dma_semaphore, #tpu.memory_space<semaphore_mem>>)
      %mul3A_260 = arith.constant 640 : i32
      %mul3A_261 = arith.muli %arg1, %mul3A_260 : i32
      %add3A_262 = arith.constant 64 : i32
      %add3A_263 = arith.addi %mul3A_261, %add3A_262 : i32
      %dma_start3A_264 = arith.constant 0 : i32
      %dma_start3A_265 = tpu.memref_slice %arg15[%add3A_263, %dma_start3A_264] : memref<10240x128xf32, #tpu.memory_space<vmem_shared>> -> memref<64x128xf32, #tpu.memory_space<vmem_shared>>
      %dma_start3A_266 = arith.constant 0 : i32
      %dma_start3A_267 = tpu.memref_slice %arg15[%add3A_263, %dma_start3A_266] : memref<10240x128xf32, #tpu.memory_space<vmem_shared>> -> memref<64x128xf32, #tpu.memory_space<vmem_shared>>
      tpu.enqueue_dma source(%arg14 : memref<64x128xf32, #tpu.memory_space<vmem>>) target(%dma_start3A_267 : memref<64x128xf32, #tpu.memory_space<vmem_shared>>) target_semaphore(%arg19 : memref<!tpu.dma_semaphore, #tpu.memory_space<semaphore_mem>>)
      %mul3A_268 = arith.constant 640 : i32
      %mul3A_269 = arith.muli %arg1, %mul3A_268 : i32
      %add3A_270 = arith.constant 128 : i32
      %add3A_271 = arith.addi %mul3A_269, %add3A_270 : i32
      %dma_start3A_272 = arith.constant 0 : i32
      %dma_start3A_273 = tpu.memref_slice %arg15[%add3A_271, %dma_start3A_272] : memref<10240x128xf32, #tpu.memory_space<vmem_shared>> -> memref<64x128xf32, #tpu.memory_space<vmem_shared>>
      %dma_start3A_274 = arith.constant 0 : i32
      %dma_start3A_275 = tpu.memref_slice %arg15[%add3A_271, %dma_start3A_274] : memref<10240x128xf32, #tpu.memory_space<vmem_shared>> -> memref<64x128xf32, #tpu.memory_space<vmem_shared>>
      tpu.enqueue_dma source(%arg14 : memref<64x128xf32, #tpu.memory_space<vmem>>) target(%dma_start3A_275 : memref<64x128xf32, #tpu.memory_space<vmem_shared>>) target_semaphore(%arg19 : memref<!tpu.dma_semaphore, #tpu.memory_space<semaphore_mem>>)
      %mul3A_276 = arith.constant 640 : i32
      %mul3A_277 = arith.muli %arg1, %mul3A_276 : i32
      %add3A_278 = arith.constant 192 : i32
      %add3A_279 = arith.addi %mul3A_277, %add3A_278 : i32
      %dma_start3A_280 = arith.constant 0 : i32
      %dma_start3A_281 = tpu.memref_slice %arg15[%add3A_279, %dma_start3A_280] : memref<10240x128xf32, #tpu.memory_space<vmem_shared>> -> memref<64x128xf32, #tpu.memory_space<vmem_shared>>
      %dma_start3A_282 = arith.constant 0 : i32
      %dma_start3A_283 = tpu.memref_slice %arg15[%add3A_279, %dma_start3A_282] : memref<10240x128xf32, #tpu.memory_space<vmem_shared>> -> memref<64x128xf32, #tpu.memory_space<vmem_shared>>
      tpu.enqueue_dma source(%arg14 : memref<64x128xf32, #tpu.memory_space<vmem>>) target(%dma_start3A_283 : memref<64x128xf32, #tpu.memory_space<vmem_shared>>) target_semaphore(%arg19 : memref<!tpu.dma_semaphore, #tpu.memory_space<semaphore_mem>>)
      %mul3A_284 = arith.constant 640 : i32
      %mul3A_285 = arith.muli %arg1, %mul3A_284 : i32
      %add3A_286 = arith.constant 256 : i32
      %add3A_287 = arith.addi %mul3A_285, %add3A_286 : i32
      %dma_start3A_288 = arith.constant 0 : i32
      %dma_start3A_289 = tpu.memref_slice %arg15[%add3A_287, %dma_start3A_288] : memref<10240x128xf32, #tpu.memory_space<vmem_shared>> -> memref<64x128xf32, #tpu.memory_space<vmem_shared>>
      %dma_start3A_290 = arith.constant 0 : i32
      %dma_start3A_291 = tpu.memref_slice %arg15[%add3A_287, %dma_start3A_290] : memref<10240x128xf32, #tpu.memory_space<vmem_shared>> -> memref<64x128xf32, #tpu.memory_space<vmem_shared>>
      tpu.enqueue_dma source(%arg14 : memref<64x128xf32, #tpu.memory_space<vmem>>) target(%dma_start3A_291 : memref<64x128xf32, #tpu.memory_space<vmem_shared>>) target_semaphore(%arg19 : memref<!tpu.dma_semaphore, #tpu.memory_space<semaphore_mem>>)
      %mul3A_292 = arith.constant 640 : i32
      %mul3A_293 = arith.muli %arg1, %mul3A_292 : i32
      %add3A_294 = arith.constant 320 : i32
      %add3A_295 = arith.addi %mul3A_293, %add3A_294 : i32
      %dma_start3A_296 = arith.constant 0 : i32
      %dma_start3A_297 = tpu.memref_slice %arg15[%add3A_295, %dma_start3A_296] : memref<10240x128xf32, #tpu.memory_space<vmem_shared>> -> memref<64x128xf32, #tpu.memory_space<vmem_shared>>
      %dma_start3A_298 = arith.constant 0 : i32
      %dma_start3A_299 = tpu.memref_slice %arg15[%add3A_295, %dma_start3A_298] : memref<10240x128xf32, #tpu.memory_space<vmem_shared>> -> memref<64x128xf32, #tpu.memory_space<vmem_shared>>
      tpu.enqueue_dma source(%arg14 : memref<64x128xf32, #tpu.memory_space<vmem>>) target(%dma_start3A_299 : memref<64x128xf32, #tpu.memory_space<vmem_shared>>) target_semaphore(%arg19 : memref<!tpu.dma_semaphore, #tpu.memory_space<semaphore_mem>>)
      %mul3A_300 = arith.constant 640 : i32
      %mul3A_301 = arith.muli %arg1, %mul3A_300 : i32
      %add3A_302 = arith.constant 384 : i32
      %add3A_303 = arith.addi %mul3A_301, %add3A_302 : i32
      %dma_start3A_304 = arith.constant 0 : i32
      %dma_start3A_305 = tpu.memref_slice %arg15[%add3A_303, %dma_start3A_304] : memref<10240x128xf32, #tpu.memory_space<vmem_shared>> -> memref<64x128xf32, #tpu.memory_space<vmem_shared>>
      %dma_start3A_306 = arith.constant 0 : i32
      %dma_start3A_307 = tpu.memref_slice %arg15[%add3A_303, %dma_start3A_306] : memref<10240x128xf32, #tpu.memory_space<vmem_shared>> -> memref<64x128xf32, #tpu.memory_space<vmem_shared>>
      tpu.enqueue_dma source(%arg14 : memref<64x128xf32, #tpu.memory_space<vmem>>) target(%dma_start3A_307 : memref<64x128xf32, #tpu.memory_space<vmem_shared>>) target_semaphore(%arg19 : memref<!tpu.dma_semaphore, #tpu.memory_space<semaphore_mem>>)
      %mul3A_308 = arith.constant 640 : i32
      %mul3A_309 = arith.muli %arg1, %mul3A_308 : i32
      %add3A_310 = arith.constant 448 : i32
      %add3A_311 = arith.addi %mul3A_309, %add3A_310 : i32
      %dma_start3A_312 = arith.constant 0 : i32
      %dma_start3A_313 = tpu.memref_slice %arg15[%add3A_311, %dma_start3A_312] : memref<10240x128xf32, #tpu.memory_space<vmem_shared>> -> memref<64x128xf32, #tpu.memory_space<vmem_shared>>
      %dma_start3A_314 = arith.constant 0 : i32
      %dma_start3A_315 = tpu.memref_slice %arg15[%add3A_311, %dma_start3A_314] : memref<10240x128xf32, #tpu.memory_space<vmem_shared>> -> memref<64x128xf32, #tpu.memory_space<vmem_shared>>
      tpu.enqueue_dma source(%arg14 : memref<64x128xf32, #tpu.memory_space<vmem>>) target(%dma_start3A_315 : memref<64x128xf32, #tpu.memory_space<vmem_shared>>) target_semaphore(%arg19 : memref<!tpu.dma_semaphore, #tpu.memory_space<semaphore_mem>>)
      %mul3A_316 = arith.constant 640 : i32
      %mul3A_317 = arith.muli %arg1, %mul3A_316 : i32
      %add3A_318 = arith.constant 512 : i32
      %add3A_319 = arith.addi %mul3A_317, %add3A_318 : i32
      %dma_start3A_320 = arith.constant 0 : i32
      %dma_start3A_321 = tpu.memref_slice %arg15[%add3A_319, %dma_start3A_320] : memref<10240x128xf32, #tpu.memory_space<vmem_shared>> -> memref<64x128xf32, #tpu.memory_space<vmem_shared>>
      %dma_start3A_322 = arith.constant 0 : i32
      %dma_start3A_323 = tpu.memref_slice %arg15[%add3A_319, %dma_start3A_322] : memref<10240x128xf32, #tpu.memory_space<vmem_shared>> -> memref<64x128xf32, #tpu.memory_space<vmem_shared>>
      tpu.enqueue_dma source(%arg14 : memref<64x128xf32, #tpu.memory_space<vmem>>) target(%dma_start3A_323 : memref<64x128xf32, #tpu.memory_space<vmem_shared>>) target_semaphore(%arg19 : memref<!tpu.dma_semaphore, #tpu.memory_space<semaphore_mem>>)
      %mul3A_324 = arith.constant 640 : i32
      %mul3A_325 = arith.muli %arg1, %mul3A_324 : i32
      %add3A_326 = arith.constant 576 : i32
      %add3A_327 = arith.addi %mul3A_325, %add3A_326 : i32
      %dma_start3A_328 = arith.constant 0 : i32
      %dma_start3A_329 = tpu.memref_slice %arg15[%add3A_327, %dma_start3A_328] : memref<10240x128xf32, #tpu.memory_space<vmem_shared>> -> memref<64x128xf32, #tpu.memory_space<vmem_shared>>
      %dma_start3A_330 = arith.constant 0 : i32
      %dma_start3A_331 = tpu.memref_slice %arg15[%add3A_327, %dma_start3A_330] : memref<10240x128xf32, #tpu.memory_space<vmem_shared>> -> memref<64x128xf32, #tpu.memory_space<vmem_shared>>
      tpu.enqueue_dma source(%arg14 : memref<64x128xf32, #tpu.memory_space<vmem>>) target(%dma_start3A_331 : memref<64x128xf32, #tpu.memory_space<vmem_shared>>) target_semaphore(%arg19 : memref<!tpu.dma_semaphore, #tpu.memory_space<semaphore_mem>>)
      %dma_wait3A_332 = arith.constant 0 : i32
      %dma_wait3A_333 = tpu.memref_slice %arg15[%add3A_255, %dma_wait3A_332] : memref<10240x128xf32, #tpu.memory_space<vmem_shared>> -> memref<64x128xf32, #tpu.memory_space<vmem_shared>>
      %dma_wait3A_334 = arith.constant 0 : i32
      %dma_wait3A_335 = tpu.memref_slice %arg15[%add3A_255, %dma_wait3A_334] : memref<10240x128xf32, #tpu.memory_space<vmem_shared>> -> memref<64x128xf32, #tpu.memory_space<vmem_shared>>
      tpu.wait_dma2 semaphore(%arg19 : memref<!tpu.dma_semaphore, #tpu.memory_space<semaphore_mem>>) src(%arg14 : memref<64x128xf32, #tpu.memory_space<vmem>>) dst(%dma_wait3A_335 : memref<64x128xf32, #tpu.memory_space<vmem_shared>>)
      %dma_wait3A_336 = arith.constant 0 : i32
      %dma_wait3A_337 = tpu.memref_slice %arg15[%add3A_263, %dma_wait3A_336] : memref<10240x128xf32, #tpu.memory_space<vmem_shared>> -> memref<64x128xf32, #tpu.memory_space<vmem_shared>>
      %dma_wait3A_338 = arith.constant 0 : i32
      %dma_wait3A_339 = tpu.memref_slice %arg15[%add3A_263, %dma_wait3A_338] : memref<10240x128xf32, #tpu.memory_space<vmem_shared>> -> memref<64x128xf32, #tpu.memory_space<vmem_shared>>
      tpu.wait_dma2 semaphore(%arg19 : memref<!tpu.dma_semaphore, #tpu.memory_space<semaphore_mem>>) src(%arg14 : memref<64x128xf32, #tpu.memory_space<vmem>>) dst(%dma_wait3A_339 : memref<64x128xf32, #tpu.memory_space<vmem_shared>>)
      %dma_wait3A_340 = arith.constant 0 : i32
      %dma_wait3A_341 = tpu.memref_slice %arg15[%add3A_271, %dma_wait3A_340] : memref<10240x128xf32, #tpu.memory_space<vmem_shared>> -> memref<64x128xf32, #tpu.memory_space<vmem_shared>>
      %dma_wait3A_342 = arith.constant 0 : i32
      %dma_wait3A_343 = tpu.memref_slice %arg15[%add3A_271, %dma_wait3A_342] : memref<10240x128xf32, #tpu.memory_space<vmem_shared>> -> memref<64x128xf32, #tpu.memory_space<vmem_shared>>
      tpu.wait_dma2 semaphore(%arg19 : memref<!tpu.dma_semaphore, #tpu.memory_space<semaphore_mem>>) src(%arg14 : memref<64x128xf32, #tpu.memory_space<vmem>>) dst(%dma_wait3A_343 : memref<64x128xf32, #tpu.memory_space<vmem_shared>>)
      %dma_wait3A_344 = arith.constant 0 : i32
      %dma_wait3A_345 = tpu.memref_slice %arg15[%add3A_279, %dma_wait3A_344] : memref<10240x128xf32, #tpu.memory_space<vmem_shared>> -> memref<64x128xf32, #tpu.memory_space<vmem_shared>>
      %dma_wait3A_346 = arith.constant 0 : i32
      %dma_wait3A_347 = tpu.memref_slice %arg15[%add3A_279, %dma_wait3A_346] : memref<10240x128xf32, #tpu.memory_space<vmem_shared>> -> memref<64x128xf32, #tpu.memory_space<vmem_shared>>
      tpu.wait_dma2 semaphore(%arg19 : memref<!tpu.dma_semaphore, #tpu.memory_space<semaphore_mem>>) src(%arg14 : memref<64x128xf32, #tpu.memory_space<vmem>>) dst(%dma_wait3A_347 : memref<64x128xf32, #tpu.memory_space<vmem_shared>>)
      %dma_wait3A_348 = arith.constant 0 : i32
      %dma_wait3A_349 = tpu.memref_slice %arg15[%add3A_287, %dma_wait3A_348] : memref<10240x128xf32, #tpu.memory_space<vmem_shared>> -> memref<64x128xf32, #tpu.memory_space<vmem_shared>>
      %dma_wait3A_350 = arith.constant 0 : i32
      %dma_wait3A_351 = tpu.memref_slice %arg15[%add3A_287, %dma_wait3A_350] : memref<10240x128xf32, #tpu.memory_space<vmem_shared>> -> memref<64x128xf32, #tpu.memory_space<vmem_shared>>
      tpu.wait_dma2 semaphore(%arg19 : memref<!tpu.dma_semaphore, #tpu.memory_space<semaphore_mem>>) src(%arg14 : memref<64x128xf32, #tpu.memory_space<vmem>>) dst(%dma_wait3A_351 : memref<64x128xf32, #tpu.memory_space<vmem_shared>>)
      %dma_wait3A_352 = arith.constant 0 : i32
      %dma_wait3A_353 = tpu.memref_slice %arg15[%add3A_295, %dma_wait3A_352] : memref<10240x128xf32, #tpu.memory_space<vmem_shared>> -> memref<64x128xf32, #tpu.memory_space<vmem_shared>>
      %dma_wait3A_354 = arith.constant 0 : i32
      %dma_wait3A_355 = tpu.memref_slice %arg15[%add3A_295, %dma_wait3A_354] : memref<10240x128xf32, #tpu.memory_space<vmem_shared>> -> memref<64x128xf32, #tpu.memory_space<vmem_shared>>
      tpu.wait_dma2 semaphore(%arg19 : memref<!tpu.dma_semaphore, #tpu.memory_space<semaphore_mem>>) src(%arg14 : memref<64x128xf32, #tpu.memory_space<vmem>>) dst(%dma_wait3A_355 : memref<64x128xf32, #tpu.memory_space<vmem_shared>>)
      %dma_wait3A_356 = arith.constant 0 : i32
      %dma_wait3A_357 = tpu.memref_slice %arg15[%add3A_303, %dma_wait3A_356] : memref<10240x128xf32, #tpu.memory_space<vmem_shared>> -> memref<64x128xf32, #tpu.memory_space<vmem_shared>>
      %dma_wait3A_358 = arith.constant 0 : i32
      %dma_wait3A_359 = tpu.memref_slice %arg15[%add3A_303, %dma_wait3A_358] : memref<10240x128xf32, #tpu.memory_space<vmem_shared>> -> memref<64x128xf32, #tpu.memory_space<vmem_shared>>
      tpu.wait_dma2 semaphore(%arg19 : memref<!tpu.dma_semaphore, #tpu.memory_space<semaphore_mem>>) src(%arg14 : memref<64x128xf32, #tpu.memory_space<vmem>>) dst(%dma_wait3A_359 : memref<64x128xf32, #tpu.memory_space<vmem_shared>>)
      %dma_wait3A_360 = arith.constant 0 : i32
      %dma_wait3A_361 = tpu.memref_slice %arg15[%add3A_311, %dma_wait3A_360] : memref<10240x128xf32, #tpu.memory_space<vmem_shared>> -> memref<64x128xf32, #tpu.memory_space<vmem_shared>>
      %dma_wait3A_362 = arith.constant 0 : i32
      %dma_wait3A_363 = tpu.memref_slice %arg15[%add3A_311, %dma_wait3A_362] : memref<10240x128xf32, #tpu.memory_space<vmem_shared>> -> memref<64x128xf32, #tpu.memory_space<vmem_shared>>
      tpu.wait_dma2 semaphore(%arg19 : memref<!tpu.dma_semaphore, #tpu.memory_space<semaphore_mem>>) src(%arg14 : memref<64x128xf32, #tpu.memory_space<vmem>>) dst(%dma_wait3A_363 : memref<64x128xf32, #tpu.memory_space<vmem_shared>>)
      %dma_wait3A_364 = arith.constant 0 : i32
      %dma_wait3A_365 = tpu.memref_slice %arg15[%add3A_319, %dma_wait3A_364] : memref<10240x128xf32, #tpu.memory_space<vmem_shared>> -> memref<64x128xf32, #tpu.memory_space<vmem_shared>>
      %dma_wait3A_366 = arith.constant 0 : i32
      %dma_wait3A_367 = tpu.memref_slice %arg15[%add3A_319, %dma_wait3A_366] : memref<10240x128xf32, #tpu.memory_space<vmem_shared>> -> memref<64x128xf32, #tpu.memory_space<vmem_shared>>
      tpu.wait_dma2 semaphore(%arg19 : memref<!tpu.dma_semaphore, #tpu.memory_space<semaphore_mem>>) src(%arg14 : memref<64x128xf32, #tpu.memory_space<vmem>>) dst(%dma_wait3A_367 : memref<64x128xf32, #tpu.memory_space<vmem_shared>>)
      %dma_wait3A_368 = arith.constant 0 : i32
      %dma_wait3A_369 = tpu.memref_slice %arg15[%add3A_327, %dma_wait3A_368] : memref<10240x128xf32, #tpu.memory_space<vmem_shared>> -> memref<64x128xf32, #tpu.memory_space<vmem_shared>>
      %dma_wait3A_370 = arith.constant 0 : i32
      %dma_wait3A_371 = tpu.memref_slice %arg15[%add3A_327, %dma_wait3A_370] : memref<10240x128xf32, #tpu.memory_space<vmem_shared>> -> memref<64x128xf32, #tpu.memory_space<vmem_shared>>
      tpu.wait_dma2 semaphore(%arg19 : memref<!tpu.dma_semaphore, #tpu.memory_space<semaphore_mem>>) src(%arg14 : memref<64x128xf32, #tpu.memory_space<vmem>>) dst(%dma_wait3A_371 : memref<64x128xf32, #tpu.memory_space<vmem_shared>>)
      %barrier3A_372 = arith.constant 0 : index
      tpu.barrier barrier_id(%barrier3A_372)
      %mul3A_373 = arith.constant 3 : i32
      %mul3A_374 = arith.muli %arg1, %mul3A_373 : i32
      %add3A_375 = arith.constant 0 : i32
      %add3A_376 = arith.addi %add3A_375, %mul3A_374 : i32
      %add3A_377 = arith.constant 0 : i32
      %add3A_378 = arith.addi %add3A_376, %add3A_377 : i32
      %mul3A_379 = arith.constant 128 : i32
      %mul3A_380 = arith.muli %add3A_378, %mul3A_379 : i32
      %mul3A_381 = arith.constant 3 : i32
      %mul3A_382 = arith.muli %arg1, %mul3A_381 : i32
      %add3A_383 = arith.constant 0 : i32
      %add3A_384 = arith.addi %add3A_383, %mul3A_382 : i32
      %add3A_385 = arith.constant 1 : i32
      %add3A_386 = arith.addi %add3A_384, %add3A_385 : i32
      %mul3A_387 = arith.constant 128 : i32
      %mul3A_388 = arith.muli %add3A_386, %mul3A_387 : i32
      %mul3A_389 = arith.constant 3 : i32
      %mul3A_390 = arith.muli %arg1, %mul3A_389 : i32
      %add3A_391 = arith.constant 0 : i32
      %add3A_392 = arith.addi %add3A_391, %mul3A_390 : i32
      %add3A_393 = arith.constant 2 : i32
      %add3A_394 = arith.addi %add3A_392, %add3A_393 : i32
      %mul3A_395 = arith.constant 128 : i32
      %mul3A_396 = arith.muli %add3A_394, %mul3A_395 : i32
      %dma_start3A_397 = arith.constant 0 : i32
      %dma_start3A_398 = tpu.memref_slice %arg4[%mul3A_380, %dma_start3A_397] : memref<10240x128xf32, #tpu.memory_space<hbm>> -> memref<128x128xf32, #tpu.memory_space<hbm>>
      %dma_start3A_399 = arith.constant 0 : i32
      %dma_start3A_400 = tpu.memref_slice %arg4[%mul3A_380, %dma_start3A_399] : memref<10240x128xf32, #tpu.memory_space<hbm>> -> memref<128x128xf32, #tpu.memory_space<hbm>>
      tpu.enqueue_dma source(%dma_start3A_400 : memref<128x128xf32, #tpu.memory_space<hbm>>) target(%arg10 : memref<128x128xf32, #tpu.memory_space<vmem>>) target_semaphore(%arg16 : memref<!tpu.dma_semaphore, #tpu.memory_space<semaphore_mem>>)
      %dma_start3A_401 = tpu.memref_slice %arg5[%mul3A_380] : memref<10240xi32, #tpu.memory_space<hbm>> -> memref<128xi32, #tpu.memory_space<hbm>>
      %dma_start3A_402 = tpu.memref_slice %arg5[%mul3A_380] : memref<10240xi32, #tpu.memory_space<hbm>> -> memref<128xi32, #tpu.memory_space<hbm>>
      tpu.enqueue_dma source(%dma_start3A_402 : memref<128xi32, #tpu.memory_space<hbm>>) target(%arg12 : memref<128xi32, #tpu.memory_space<vmem>>) target_semaphore(%arg16 : memref<!tpu.dma_semaphore, #tpu.memory_space<semaphore_mem>>)
      %dma_start3A_403 = arith.constant 0 : i32
      %dma_start3A_404 = tpu.memref_slice %arg4[%mul3A_388, %dma_start3A_403] : memref<10240x128xf32, #tpu.memory_space<hbm>> -> memref<128x128xf32, #tpu.memory_space<hbm>>
      %dma_start3A_405 = arith.constant 0 : i32
      %dma_start3A_406 = tpu.memref_slice %arg4[%mul3A_388, %dma_start3A_405] : memref<10240x128xf32, #tpu.memory_space<hbm>> -> memref<128x128xf32, #tpu.memory_space<hbm>>
      tpu.enqueue_dma source(%dma_start3A_406 : memref<128x128xf32, #tpu.memory_space<hbm>>) target(%arg11 : memref<128x128xf32, #tpu.memory_space<vmem>>) target_semaphore(%arg17 : memref<!tpu.dma_semaphore, #tpu.memory_space<semaphore_mem>>)
      %dma_start3A_407 = tpu.memref_slice %arg5[%mul3A_388] : memref<10240xi32, #tpu.memory_space<hbm>> -> memref<128xi32, #tpu.memory_space<hbm>>
      %dma_start3A_408 = tpu.memref_slice %arg5[%mul3A_388] : memref<10240xi32, #tpu.memory_space<hbm>> -> memref<128xi32, #tpu.memory_space<hbm>>
      tpu.enqueue_dma source(%dma_start3A_408 : memref<128xi32, #tpu.memory_space<hbm>>) target(%arg13 : memref<128xi32, #tpu.memory_space<vmem>>) target_semaphore(%arg17 : memref<!tpu.dma_semaphore, #tpu.memory_space<semaphore_mem>>)
      %dma_wait3A_409 = arith.constant 0 : i32
      %dma_wait3A_410 = tpu.memref_slice %arg4[%mul3A_380, %dma_wait3A_409] : memref<10240x128xf32, #tpu.memory_space<hbm>> -> memref<128x128xf32, #tpu.memory_space<hbm>>
      %dma_wait3A_411 = arith.constant 0 : i32
      %dma_wait3A_412 = tpu.memref_slice %arg4[%mul3A_380, %dma_wait3A_411] : memref<10240x128xf32, #tpu.memory_space<hbm>> -> memref<128x128xf32, #tpu.memory_space<hbm>>
      tpu.wait_dma2 semaphore(%arg16 : memref<!tpu.dma_semaphore, #tpu.memory_space<semaphore_mem>>) src(%dma_wait3A_412 : memref<128x128xf32, #tpu.memory_space<hbm>>) dst(%arg10 : memref<128x128xf32, #tpu.memory_space<vmem>>)
      %dma_wait3A_413 = tpu.memref_slice %arg5[%mul3A_380] : memref<10240xi32, #tpu.memory_space<hbm>> -> memref<128xi32, #tpu.memory_space<hbm>>
      %dma_wait3A_414 = tpu.memref_slice %arg5[%mul3A_380] : memref<10240xi32, #tpu.memory_space<hbm>> -> memref<128xi32, #tpu.memory_space<hbm>>
      tpu.wait_dma2 semaphore(%arg16 : memref<!tpu.dma_semaphore, #tpu.memory_space<semaphore_mem>>) src(%dma_wait3A_414 : memref<128xi32, #tpu.memory_space<hbm>>) dst(%arg12 : memref<128xi32, #tpu.memory_space<vmem>>)
      %dma_start3A_415 = arith.constant 0 : i32
      %dma_start3A_416 = arith.constant 0 : i32
      %dma_start3A_417 = tpu.memref_slice %arg15[%dma_start3A_415, %dma_start3A_416] : memref<10240x128xf32, #tpu.memory_space<vmem_shared>> -> memref<10240x128xf32, #tpu.memory_space<vmem_shared>>
      tpu.enqueue_indirect_dma source(%arg10 : memref<128x128xf32, #tpu.memory_space<vmem>>) target(%dma_start3A_417 : memref<10240x128xf32, #tpu.memory_space<vmem_shared>>) offsets(%arg12 : memref<128xi32, #tpu.memory_space<vmem>>) semaphore(%arg18 : memref<!tpu.dma_semaphore, #tpu.memory_space<semaphore_mem>>) {add = true}
      %dma_wait3A_418 = arith.constant 0 : i32
      %dma_wait3A_419 = arith.constant 0 : i32
      %dma_wait3A_420 = tpu.memref_slice %arg15[%dma_wait3A_418, %dma_wait3A_419] : memref<10240x128xf32, #tpu.memory_space<vmem_shared>> -> memref<10240x128xf32, #tpu.memory_space<vmem_shared>>
      tpu.wait_indirect_dma semaphore(%arg18 : memref<!tpu.dma_semaphore, #tpu.memory_space<semaphore_mem>>) src(%arg10 : memref<128x128xf32, #tpu.memory_space<vmem>>) dst(%dma_wait3A_420 : memref<10240x128xf32, #tpu.memory_space<vmem_shared>>)
      %dma_start3A_421 = arith.constant 0 : i32
      %dma_start3A_422 = tpu.memref_slice %arg4[%mul3A_396, %dma_start3A_421] : memref<10240x128xf32, #tpu.memory_space<hbm>> -> memref<128x128xf32, #tpu.memory_space<hbm>>
      %dma_start3A_423 = arith.constant 0 : i32
      %dma_start3A_424 = tpu.memref_slice %arg4[%mul3A_396, %dma_start3A_423] : memref<10240x128xf32, #tpu.memory_space<hbm>> -> memref<128x128xf32, #tpu.memory_space<hbm>>
      tpu.enqueue_dma source(%dma_start3A_424 : memref<128x128xf32, #tpu.memory_space<hbm>>) target(%arg10 : memref<128x128xf32, #tpu.memory_space<vmem>>) target_semaphore(%arg16 : memref<!tpu.dma_semaphore, #tpu.memory_space<semaphore_mem>>)
      %dma_start3A_425 = tpu.memref_slice %arg5[%mul3A_396] : memref<10240xi32, #tpu.memory_space<hbm>> -> memref<128xi32, #tpu.memory_space<hbm>>
      %dma_start3A_426 = tpu.memref_slice %arg5[%mul3A_396] : memref<10240xi32, #tpu.memory_space<hbm>> -> memref<128xi32, #tpu.memory_space<hbm>>
      tpu.enqueue_dma source(%dma_start3A_426 : memref<128xi32, #tpu.memory_space<hbm>>) target(%arg12 : memref<128xi32, #tpu.memory_space<vmem>>) target_semaphore(%arg16 : memref<!tpu.dma_semaphore, #tpu.memory_space<semaphore_mem>>)
      %dma_wait3A_427 = arith.constant 0 : i32
      %dma_wait3A_428 = tpu.memref_slice %arg4[%mul3A_388, %dma_wait3A_427] : memref<10240x128xf32, #tpu.memory_space<hbm>> -> memref<128x128xf32, #tpu.memory_space<hbm>>
      %dma_wait3A_429 = arith.constant 0 : i32
      %dma_wait3A_430 = tpu.memref_slice %arg4[%mul3A_388, %dma_wait3A_429] : memref<10240x128xf32, #tpu.memory_space<hbm>> -> memref<128x128xf32, #tpu.memory_space<hbm>>
      tpu.wait_dma2 semaphore(%arg17 : memref<!tpu.dma_semaphore, #tpu.memory_space<semaphore_mem>>) src(%dma_wait3A_430 : memref<128x128xf32, #tpu.memory_space<hbm>>) dst(%arg11 : memref<128x128xf32, #tpu.memory_space<vmem>>)
      %dma_wait3A_431 = tpu.memref_slice %arg5[%mul3A_388] : memref<10240xi32, #tpu.memory_space<hbm>> -> memref<128xi32, #tpu.memory_space<hbm>>
      %dma_wait3A_432 = tpu.memref_slice %arg5[%mul3A_388] : memref<10240xi32, #tpu.memory_space<hbm>> -> memref<128xi32, #tpu.memory_space<hbm>>
      tpu.wait_dma2 semaphore(%arg17 : memref<!tpu.dma_semaphore, #tpu.memory_space<semaphore_mem>>) src(%dma_wait3A_432 : memref<128xi32, #tpu.memory_space<hbm>>) dst(%arg13 : memref<128xi32, #tpu.memory_space<vmem>>)
      %dma_start3A_433 = arith.constant 0 : i32
      %dma_start3A_434 = arith.constant 0 : i32
      %dma_start3A_435 = tpu.memref_slice %arg15[%dma_start3A_433, %dma_start3A_434] : memref<10240x128xf32, #tpu.memory_space<vmem_shared>> -> memref<10240x128xf32, #tpu.memory_space<vmem_shared>>
      tpu.enqueue_indirect_dma source(%arg11 : memref<128x128xf32, #tpu.memory_space<vmem>>) target(%dma_start3A_435 : memref<10240x128xf32, #tpu.memory_space<vmem_shared>>) offsets(%arg13 : memref<128xi32, #tpu.memory_space<vmem>>) semaphore(%arg18 : memref<!tpu.dma_semaphore, #tpu.memory_space<semaphore_mem>>) {add = true}
      %dma_wait3A_436 = arith.constant 0 : i32
      %dma_wait3A_437 = tpu.memref_slice %arg4[%mul3A_396, %dma_wait3A_436] : memref<10240x128xf32, #tpu.memory_space<hbm>> -> memref<128x128xf32, #tpu.memory_space<hbm>>
      %dma_wait3A_438 = arith.constant 0 : i32
      %dma_wait3A_439 = tpu.memref_slice %arg4[%mul3A_396, %dma_wait3A_438] : memref<10240x128xf32, #tpu.memory_space<hbm>> -> memref<128x128xf32, #tpu.memory_space<hbm>>
      tpu.wait_dma2 semaphore(%arg16 : memref<!tpu.dma_semaphore, #tpu.memory_space<semaphore_mem>>) src(%dma_wait3A_439 : memref<128x128xf32, #tpu.memory_space<hbm>>) dst(%arg10 : memref<128x128xf32, #tpu.memory_space<vmem>>)
      %dma_wait3A_440 = tpu.memref_slice %arg5[%mul3A_396] : memref<10240xi32, #tpu.memory_space<hbm>> -> memref<128xi32, #tpu.memory_space<hbm>>
      %dma_wait3A_441 = tpu.memref_slice %arg5[%mul3A_396] : memref<10240xi32, #tpu.memory_space<hbm>> -> memref<128xi32, #tpu.memory_space<hbm>>
      tpu.wait_dma2 semaphore(%arg16 : memref<!tpu.dma_semaphore, #tpu.memory_space<semaphore_mem>>) src(%dma_wait3A_441 : memref<128xi32, #tpu.memory_space<hbm>>) dst(%arg12 : memref<128xi32, #tpu.memory_space<vmem>>)
      %dma_start3A_442 = arith.constant 0 : i32
      %dma_start3A_443 = arith.constant 0 : i32
      %dma_start3A_444 = tpu.memref_slice %arg15[%dma_start3A_442, %dma_start3A_443] : memref<10240x128xf32, #tpu.memory_space<vmem_shared>> -> memref<10240x128xf32, #tpu.memory_space<vmem_shared>>
      tpu.enqueue_indirect_dma source(%arg10 : memref<128x128xf32, #tpu.memory_space<vmem>>) target(%dma_start3A_444 : memref<10240x128xf32, #tpu.memory_space<vmem_shared>>) offsets(%arg12 : memref<128xi32, #tpu.memory_space<vmem>>) semaphore(%arg18 : memref<!tpu.dma_semaphore, #tpu.memory_space<semaphore_mem>>) {add = true}
      %dma_wait3A_445 = arith.constant 0 : i32
      %dma_wait3A_446 = arith.constant 0 : i32
      %dma_wait3A_447 = tpu.memref_slice %arg15[%dma_wait3A_445, %dma_wait3A_446] : memref<10240x128xf32, #tpu.memory_space<vmem_shared>> -> memref<10240x128xf32, #tpu.memory_space<vmem_shared>>
      tpu.wait_indirect_dma semaphore(%arg18 : memref<!tpu.dma_semaphore, #tpu.memory_space<semaphore_mem>>) src(%arg11 : memref<128x128xf32, #tpu.memory_space<vmem>>) dst(%dma_wait3A_447 : memref<10240x128xf32, #tpu.memory_space<vmem_shared>>)
      %dma_wait3A_448 = arith.constant 0 : i32
      %dma_wait3A_449 = arith.constant 0 : i32
      %dma_wait3A_450 = tpu.memref_slice %arg15[%dma_wait3A_448, %dma_wait3A_449] : memref<10240x128xf32, #tpu.memory_space<vmem_shared>> -> memref<10240x128xf32, #tpu.memory_space<vmem_shared>>
      tpu.wait_indirect_dma semaphore(%arg18 : memref<!tpu.dma_semaphore, #tpu.memory_space<semaphore_mem>>) src(%arg10 : memref<128x128xf32, #tpu.memory_space<vmem>>) dst(%dma_wait3A_450 : memref<10240x128xf32, #tpu.memory_space<vmem_shared>>)
      %barrier3A_451 = arith.constant 0 : index
      tpu.barrier barrier_id(%barrier3A_451)
      %mul3A_452 = arith.constant 640 : i32
      %mul3A_453 = arith.muli %arg1, %mul3A_452 : i32
      %mul3A_454 = arith.constant 640 : i32
      %mul3A_455 = arith.muli %arg1, %mul3A_454 : i32
      %dma_start3A_456 = arith.constant 0 : i32
      %dma_start3A_457 = tpu.memref_slice %arg8[%mul3A_455, %dma_start3A_456] : memref<10240x128xf32, #tpu.memory_space<hbm>> -> memref<640x128xf32, #tpu.memory_space<hbm>>
      %dma_start3A_458 = arith.constant 0 : i32
      %dma_start3A_459 = tpu.memref_slice %arg15[%mul3A_453, %dma_start3A_458] : memref<10240x128xf32, #tpu.memory_space<vmem_shared>> -> memref<640x128xf32, #tpu.memory_space<vmem_shared>>
      tpu.enqueue_dma source(%dma_start3A_459 : memref<640x128xf32, #tpu.memory_space<vmem_shared>>) target(%dma_start3A_457 : memref<640x128xf32, #tpu.memory_space<hbm>>) target_semaphore(%arg20 : memref<!tpu.dma_semaphore, #tpu.memory_space<semaphore_mem>>)
      %dma_wait3A_460 = arith.constant 0 : i32
      %dma_wait3A_461 = tpu.memref_slice %arg8[%mul3A_455, %dma_wait3A_460] : memref<10240x128xf32, #tpu.memory_space<hbm>> -> memref<640x128xf32, #tpu.memory_space<hbm>>
      %dma_wait3A_462 = arith.constant 0 : i32
      %dma_wait3A_463 = tpu.memref_slice %arg15[%mul3A_453, %dma_wait3A_462] : memref<10240x128xf32, #tpu.memory_space<vmem_shared>> -> memref<640x128xf32, #tpu.memory_space<vmem_shared>>
      tpu.wait_dma2 semaphore(%arg20 : memref<!tpu.dma_semaphore, #tpu.memory_space<semaphore_mem>>) src(%dma_wait3A_463 : memref<640x128xf32, #tpu.memory_space<vmem_shared>>) dst(%dma_wait3A_461 : memref<640x128xf32, #tpu.memory_space<hbm>>)
    } else {
    }
    %eq3A_8 = arith.constant 1 : i32
    %eq3A_9 = arith.cmpi eq, %arg0, %eq3A_8 : i32
    %convert_element_type3A_10 = arith.extui %eq3A_9 : i1 to i32
    %cond3A_11 = arith.constant 0 : i32
    %cond3A_12 = arith.cmpi ne, %convert_element_type3A_10, %cond3A_11 : i32
    scf.if %cond3A_12 {
      %mul3A = arith.constant 640 : i32
      %mul3A_13 = arith.muli %arg1, %mul3A : i32
      %add3A = arith.constant 0 : i32
      %add3A_14 = arith.addi %mul3A_13, %add3A : i32
      %dma_start3A = arith.constant 0 : i32
      %dma_start3A_15 = tpu.memref_slice %arg15[%add3A_14, %dma_start3A] : memref<10240x128xf32, #tpu.memory_space<vmem_shared>> -> memref<64x128xf32, #tpu.memory_space<vmem_shared>>
      %dma_start3A_16 = arith.constant 0 : i32
      %dma_start3A_17 = tpu.memref_slice %arg15[%add3A_14, %dma_start3A_16] : memref<10240x128xf32, #tpu.memory_space<vmem_shared>> -> memref<64x128xf32, #tpu.memory_space<vmem_shared>>
      tpu.enqueue_dma source(%arg14 : memref<64x128xf32, #tpu.memory_space<vmem>>) target(%dma_start3A_17 : memref<64x128xf32, #tpu.memory_space<vmem_shared>>) target_semaphore(%arg19 : memref<!tpu.dma_semaphore, #tpu.memory_space<semaphore_mem>>)
      %mul3A_18 = arith.constant 640 : i32
      %mul3A_19 = arith.muli %arg1, %mul3A_18 : i32
      %add3A_20 = arith.constant 64 : i32
      %add3A_21 = arith.addi %mul3A_19, %add3A_20 : i32
      %dma_start3A_22 = arith.constant 0 : i32
      %dma_start3A_23 = tpu.memref_slice %arg15[%add3A_21, %dma_start3A_22] : memref<10240x128xf32, #tpu.memory_space<vmem_shared>> -> memref<64x128xf32, #tpu.memory_space<vmem_shared>>
      %dma_start3A_24 = arith.constant 0 : i32
      %dma_start3A_25 = tpu.memref_slice %arg15[%add3A_21, %dma_start3A_24] : memref<10240x128xf32, #tpu.memory_space<vmem_shared>> -> memref<64x128xf32, #tpu.memory_space<vmem_shared>>
      tpu.enqueue_dma source(%arg14 : memref<64x128xf32, #tpu.memory_space<vmem>>) target(%dma_start3A_25 : memref<64x128xf32, #tpu.memory_space<vmem_shared>>) target_semaphore(%arg19 : memref<!tpu.dma_semaphore, #tpu.memory_space<semaphore_mem>>)
      %mul3A_26 = arith.constant 640 : i32
      %mul3A_27 = arith.muli %arg1, %mul3A_26 : i32
      %add3A_28 = arith.constant 128 : i32
      %add3A_29 = arith.addi %mul3A_27, %add3A_28 : i32
      %dma_start3A_30 = arith.constant 0 : i32
      %dma_start3A_31 = tpu.memref_slice %arg15[%add3A_29, %dma_start3A_30] : memref<10240x128xf32, #tpu.memory_space<vmem_shared>> -> memref<64x128xf32, #tpu.memory_space<vmem_shared>>
      %dma_start3A_32 = arith.constant 0 : i32
      %dma_start3A_33 = tpu.memref_slice %arg15[%add3A_29, %dma_start3A_32] : memref<10240x128xf32, #tpu.memory_space<vmem_shared>> -> memref<64x128xf32, #tpu.memory_space<vmem_shared>>
      tpu.enqueue_dma source(%arg14 : memref<64x128xf32, #tpu.memory_space<vmem>>) target(%dma_start3A_33 : memref<64x128xf32, #tpu.memory_space<vmem_shared>>) target_semaphore(%arg19 : memref<!tpu.dma_semaphore, #tpu.memory_space<semaphore_mem>>)
      %mul3A_34 = arith.constant 640 : i32
      %mul3A_35 = arith.muli %arg1, %mul3A_34 : i32
      %add3A_36 = arith.constant 192 : i32
      %add3A_37 = arith.addi %mul3A_35, %add3A_36 : i32
      %dma_start3A_38 = arith.constant 0 : i32
      %dma_start3A_39 = tpu.memref_slice %arg15[%add3A_37, %dma_start3A_38] : memref<10240x128xf32, #tpu.memory_space<vmem_shared>> -> memref<64x128xf32, #tpu.memory_space<vmem_shared>>
      %dma_start3A_40 = arith.constant 0 : i32
      %dma_start3A_41 = tpu.memref_slice %arg15[%add3A_37, %dma_start3A_40] : memref<10240x128xf32, #tpu.memory_space<vmem_shared>> -> memref<64x128xf32, #tpu.memory_space<vmem_shared>>
      tpu.enqueue_dma source(%arg14 : memref<64x128xf32, #tpu.memory_space<vmem>>) target(%dma_start3A_41 : memref<64x128xf32, #tpu.memory_space<vmem_shared>>) target_semaphore(%arg19 : memref<!tpu.dma_semaphore, #tpu.memory_space<semaphore_mem>>)
      %mul3A_42 = arith.constant 640 : i32
      %mul3A_43 = arith.muli %arg1, %mul3A_42 : i32
      %add3A_44 = arith.constant 256 : i32
      %add3A_45 = arith.addi %mul3A_43, %add3A_44 : i32
      %dma_start3A_46 = arith.constant 0 : i32
      %dma_start3A_47 = tpu.memref_slice %arg15[%add3A_45, %dma_start3A_46] : memref<10240x128xf32, #tpu.memory_space<vmem_shared>> -> memref<64x128xf32, #tpu.memory_space<vmem_shared>>
      %dma_start3A_48 = arith.constant 0 : i32
      %dma_start3A_49 = tpu.memref_slice %arg15[%add3A_45, %dma_start3A_48] : memref<10240x128xf32, #tpu.memory_space<vmem_shared>> -> memref<64x128xf32, #tpu.memory_space<vmem_shared>>
      tpu.enqueue_dma source(%arg14 : memref<64x128xf32, #tpu.memory_space<vmem>>) target(%dma_start3A_49 : memref<64x128xf32, #tpu.memory_space<vmem_shared>>) target_semaphore(%arg19 : memref<!tpu.dma_semaphore, #tpu.memory_space<semaphore_mem>>)
      %mul3A_50 = arith.constant 640 : i32
      %mul3A_51 = arith.muli %arg1, %mul3A_50 : i32
      %add3A_52 = arith.constant 320 : i32
      %add3A_53 = arith.addi %mul3A_51, %add3A_52 : i32
      %dma_start3A_54 = arith.constant 0 : i32
      %dma_start3A_55 = tpu.memref_slice %arg15[%add3A_53, %dma_start3A_54] : memref<10240x128xf32, #tpu.memory_space<vmem_shared>> -> memref<64x128xf32, #tpu.memory_space<vmem_shared>>
      %dma_start3A_56 = arith.constant 0 : i32
      %dma_start3A_57 = tpu.memref_slice %arg15[%add3A_53, %dma_start3A_56] : memref<10240x128xf32, #tpu.memory_space<vmem_shared>> -> memref<64x128xf32, #tpu.memory_space<vmem_shared>>
      tpu.enqueue_dma source(%arg14 : memref<64x128xf32, #tpu.memory_space<vmem>>) target(%dma_start3A_57 : memref<64x128xf32, #tpu.memory_space<vmem_shared>>) target_semaphore(%arg19 : memref<!tpu.dma_semaphore, #tpu.memory_space<semaphore_mem>>)
      %mul3A_58 = arith.constant 640 : i32
      %mul3A_59 = arith.muli %arg1, %mul3A_58 : i32
      %add3A_60 = arith.constant 384 : i32
      %add3A_61 = arith.addi %mul3A_59, %add3A_60 : i32
      %dma_start3A_62 = arith.constant 0 : i32
      %dma_start3A_63 = tpu.memref_slice %arg15[%add3A_61, %dma_start3A_62] : memref<10240x128xf32, #tpu.memory_space<vmem_shared>> -> memref<64x128xf32, #tpu.memory_space<vmem_shared>>
      %dma_start3A_64 = arith.constant 0 : i32
      %dma_start3A_65 = tpu.memref_slice %arg15[%add3A_61, %dma_start3A_64] : memref<10240x128xf32, #tpu.memory_space<vmem_shared>> -> memref<64x128xf32, #tpu.memory_space<vmem_shared>>
      tpu.enqueue_dma source(%arg14 : memref<64x128xf32, #tpu.memory_space<vmem>>) target(%dma_start3A_65 : memref<64x128xf32, #tpu.memory_space<vmem_shared>>) target_semaphore(%arg19 : memref<!tpu.dma_semaphore, #tpu.memory_space<semaphore_mem>>)
      %mul3A_66 = arith.constant 640 : i32
      %mul3A_67 = arith.muli %arg1, %mul3A_66 : i32
      %add3A_68 = arith.constant 448 : i32
      %add3A_69 = arith.addi %mul3A_67, %add3A_68 : i32
      %dma_start3A_70 = arith.constant 0 : i32
      %dma_start3A_71 = tpu.memref_slice %arg15[%add3A_69, %dma_start3A_70] : memref<10240x128xf32, #tpu.memory_space<vmem_shared>> -> memref<64x128xf32, #tpu.memory_space<vmem_shared>>
      %dma_start3A_72 = arith.constant 0 : i32
      %dma_start3A_73 = tpu.memref_slice %arg15[%add3A_69, %dma_start3A_72] : memref<10240x128xf32, #tpu.memory_space<vmem_shared>> -> memref<64x128xf32, #tpu.memory_space<vmem_shared>>
      tpu.enqueue_dma source(%arg14 : memref<64x128xf32, #tpu.memory_space<vmem>>) target(%dma_start3A_73 : memref<64x128xf32, #tpu.memory_space<vmem_shared>>) target_semaphore(%arg19 : memref<!tpu.dma_semaphore, #tpu.memory_space<semaphore_mem>>)
      %mul3A_74 = arith.constant 640 : i32
      %mul3A_75 = arith.muli %arg1, %mul3A_74 : i32
      %add3A_76 = arith.constant 512 : i32
      %add3A_77 = arith.addi %mul3A_75, %add3A_76 : i32
      %dma_start3A_78 = arith.constant 0 : i32
      %dma_start3A_79 = tpu.memref_slice %arg15[%add3A_77, %dma_start3A_78] : memref<10240x128xf32, #tpu.memory_space<vmem_shared>> -> memref<64x128xf32, #tpu.memory_space<vmem_shared>>
      %dma_start3A_80 = arith.constant 0 : i32
      %dma_start3A_81 = tpu.memref_slice %arg15[%add3A_77, %dma_start3A_80] : memref<10240x128xf32, #tpu.memory_space<vmem_shared>> -> memref<64x128xf32, #tpu.memory_space<vmem_shared>>
      tpu.enqueue_dma source(%arg14 : memref<64x128xf32, #tpu.memory_space<vmem>>) target(%dma_start3A_81 : memref<64x128xf32, #tpu.memory_space<vmem_shared>>) target_semaphore(%arg19 : memref<!tpu.dma_semaphore, #tpu.memory_space<semaphore_mem>>)
      %mul3A_82 = arith.constant 640 : i32
      %mul3A_83 = arith.muli %arg1, %mul3A_82 : i32
      %add3A_84 = arith.constant 576 : i32
      %add3A_85 = arith.addi %mul3A_83, %add3A_84 : i32
      %dma_start3A_86 = arith.constant 0 : i32
      %dma_start3A_87 = tpu.memref_slice %arg15[%add3A_85, %dma_start3A_86] : memref<10240x128xf32, #tpu.memory_space<vmem_shared>> -> memref<64x128xf32, #tpu.memory_space<vmem_shared>>
      %dma_start3A_88 = arith.constant 0 : i32
      %dma_start3A_89 = tpu.memref_slice %arg15[%add3A_85, %dma_start3A_88] : memref<10240x128xf32, #tpu.memory_space<vmem_shared>> -> memref<64x128xf32, #tpu.memory_space<vmem_shared>>
      tpu.enqueue_dma source(%arg14 : memref<64x128xf32, #tpu.memory_space<vmem>>) target(%dma_start3A_89 : memref<64x128xf32, #tpu.memory_space<vmem_shared>>) target_semaphore(%arg19 : memref<!tpu.dma_semaphore, #tpu.memory_space<semaphore_mem>>)
      %dma_wait3A = arith.constant 0 : i32
      %dma_wait3A_90 = tpu.memref_slice %arg15[%add3A_14, %dma_wait3A] : memref<10240x128xf32, #tpu.memory_space<vmem_shared>> -> memref<64x128xf32, #tpu.memory_space<vmem_shared>>
      %dma_wait3A_91 = arith.constant 0 : i32
      %dma_wait3A_92 = tpu.memref_slice %arg15[%add3A_14, %dma_wait3A_91] : memref<10240x128xf32, #tpu.memory_space<vmem_shared>> -> memref<64x128xf32, #tpu.memory_space<vmem_shared>>
      tpu.wait_dma2 semaphore(%arg19 : memref<!tpu.dma_semaphore, #tpu.memory_space<semaphore_mem>>) src(%arg14 : memref<64x128xf32, #tpu.memory_space<vmem>>) dst(%dma_wait3A_92 : memref<64x128xf32, #tpu.memory_space<vmem_shared>>)
      %dma_wait3A_93 = arith.constant 0 : i32
      %dma_wait3A_94 = tpu.memref_slice %arg15[%add3A_21, %dma_wait3A_93] : memref<10240x128xf32, #tpu.memory_space<vmem_shared>> -> memref<64x128xf32, #tpu.memory_space<vmem_shared>>
      %dma_wait3A_95 = arith.constant 0 : i32
      %dma_wait3A_96 = tpu.memref_slice %arg15[%add3A_21, %dma_wait3A_95] : memref<10240x128xf32, #tpu.memory_space<vmem_shared>> -> memref<64x128xf32, #tpu.memory_space<vmem_shared>>
      tpu.wait_dma2 semaphore(%arg19 : memref<!tpu.dma_semaphore, #tpu.memory_space<semaphore_mem>>) src(%arg14 : memref<64x128xf32, #tpu.memory_space<vmem>>) dst(%dma_wait3A_96 : memref<64x128xf32, #tpu.memory_space<vmem_shared>>)
      %dma_wait3A_97 = arith.constant 0 : i32
      %dma_wait3A_98 = tpu.memref_slice %arg15[%add3A_29, %dma_wait3A_97] : memref<10240x128xf32, #tpu.memory_space<vmem_shared>> -> memref<64x128xf32, #tpu.memory_space<vmem_shared>>
      %dma_wait3A_99 = arith.constant 0 : i32
      %dma_wait3A_100 = tpu.memref_slice %arg15[%add3A_29, %dma_wait3A_99] : memref<10240x128xf32, #tpu.memory_space<vmem_shared>> -> memref<64x128xf32, #tpu.memory_space<vmem_shared>>
      tpu.wait_dma2 semaphore(%arg19 : memref<!tpu.dma_semaphore, #tpu.memory_space<semaphore_mem>>) src(%arg14 : memref<64x128xf32, #tpu.memory_space<vmem>>) dst(%dma_wait3A_100 : memref<64x128xf32, #tpu.memory_space<vmem_shared>>)
      %dma_wait3A_101 = arith.constant 0 : i32
      %dma_wait3A_102 = tpu.memref_slice %arg15[%add3A_37, %dma_wait3A_101] : memref<10240x128xf32, #tpu.memory_space<vmem_shared>> -> memref<64x128xf32, #tpu.memory_space<vmem_shared>>
      %dma_wait3A_103 = arith.constant 0 : i32
      %dma_wait3A_104 = tpu.memref_slice %arg15[%add3A_37, %dma_wait3A_103] : memref<10240x128xf32, #tpu.memory_space<vmem_shared>> -> memref<64x128xf32, #tpu.memory_space<vmem_shared>>
      tpu.wait_dma2 semaphore(%arg19 : memref<!tpu.dma_semaphore, #tpu.memory_space<semaphore_mem>>) src(%arg14 : memref<64x128xf32, #tpu.memory_space<vmem>>) dst(%dma_wait3A_104 : memref<64x128xf32, #tpu.memory_space<vmem_shared>>)
      %dma_wait3A_105 = arith.constant 0 : i32
      %dma_wait3A_106 = tpu.memref_slice %arg15[%add3A_45, %dma_wait3A_105] : memref<10240x128xf32, #tpu.memory_space<vmem_shared>> -> memref<64x128xf32, #tpu.memory_space<vmem_shared>>
      %dma_wait3A_107 = arith.constant 0 : i32
      %dma_wait3A_108 = tpu.memref_slice %arg15[%add3A_45, %dma_wait3A_107] : memref<10240x128xf32, #tpu.memory_space<vmem_shared>> -> memref<64x128xf32, #tpu.memory_space<vmem_shared>>
      tpu.wait_dma2 semaphore(%arg19 : memref<!tpu.dma_semaphore, #tpu.memory_space<semaphore_mem>>) src(%arg14 : memref<64x128xf32, #tpu.memory_space<vmem>>) dst(%dma_wait3A_108 : memref<64x128xf32, #tpu.memory_space<vmem_shared>>)
      %dma_wait3A_109 = arith.constant 0 : i32
      %dma_wait3A_110 = tpu.memref_slice %arg15[%add3A_53, %dma_wait3A_109] : memref<10240x128xf32, #tpu.memory_space<vmem_shared>> -> memref<64x128xf32, #tpu.memory_space<vmem_shared>>
      %dma_wait3A_111 = arith.constant 0 : i32
      %dma_wait3A_112 = tpu.memref_slice %arg15[%add3A_53, %dma_wait3A_111] : memref<10240x128xf32, #tpu.memory_space<vmem_shared>> -> memref<64x128xf32, #tpu.memory_space<vmem_shared>>
      tpu.wait_dma2 semaphore(%arg19 : memref<!tpu.dma_semaphore, #tpu.memory_space<semaphore_mem>>) src(%arg14 : memref<64x128xf32, #tpu.memory_space<vmem>>) dst(%dma_wait3A_112 : memref<64x128xf32, #tpu.memory_space<vmem_shared>>)
      %dma_wait3A_113 = arith.constant 0 : i32
      %dma_wait3A_114 = tpu.memref_slice %arg15[%add3A_61, %dma_wait3A_113] : memref<10240x128xf32, #tpu.memory_space<vmem_shared>> -> memref<64x128xf32, #tpu.memory_space<vmem_shared>>
      %dma_wait3A_115 = arith.constant 0 : i32
      %dma_wait3A_116 = tpu.memref_slice %arg15[%add3A_61, %dma_wait3A_115] : memref<10240x128xf32, #tpu.memory_space<vmem_shared>> -> memref<64x128xf32, #tpu.memory_space<vmem_shared>>
      tpu.wait_dma2 semaphore(%arg19 : memref<!tpu.dma_semaphore, #tpu.memory_space<semaphore_mem>>) src(%arg14 : memref<64x128xf32, #tpu.memory_space<vmem>>) dst(%dma_wait3A_116 : memref<64x128xf32, #tpu.memory_space<vmem_shared>>)
      %dma_wait3A_117 = arith.constant 0 : i32
      %dma_wait3A_118 = tpu.memref_slice %arg15[%add3A_69, %dma_wait3A_117] : memref<10240x128xf32, #tpu.memory_space<vmem_shared>> -> memref<64x128xf32, #tpu.memory_space<vmem_shared>>
      %dma_wait3A_119 = arith.constant 0 : i32
      %dma_wait3A_120 = tpu.memref_slice %arg15[%add3A_69, %dma_wait3A_119] : memref<10240x128xf32, #tpu.memory_space<vmem_shared>> -> memref<64x128xf32, #tpu.memory_space<vmem_shared>>
      tpu.wait_dma2 semaphore(%arg19 : memref<!tpu.dma_semaphore, #tpu.memory_space<semaphore_mem>>) src(%arg14 : memref<64x128xf32, #tpu.memory_space<vmem>>) dst(%dma_wait3A_120 : memref<64x128xf32, #tpu.memory_space<vmem_shared>>)
      %dma_wait3A_121 = arith.constant 0 : i32
      %dma_wait3A_122 = tpu.memref_slice %arg15[%add3A_77, %dma_wait3A_121] : memref<10240x128xf32, #tpu.memory_space<vmem_shared>> -> memref<64x128xf32, #tpu.memory_space<vmem_shared>>
      %dma_wait3A_123 = arith.constant 0 : i32
      %dma_wait3A_124 = tpu.memref_slice %arg15[%add3A_77, %dma_wait3A_123] : memref<10240x128xf32, #tpu.memory_space<vmem_shared>> -> memref<64x128xf32, #tpu.memory_space<vmem_shared>>
      tpu.wait_dma2 semaphore(%arg19 : memref<!tpu.dma_semaphore, #tpu.memory_space<semaphore_mem>>) src(%arg14 : memref<64x128xf32, #tpu.memory_space<vmem>>) dst(%dma_wait3A_124 : memref<64x128xf32, #tpu.memory_space<vmem_shared>>)
      %dma_wait3A_125 = arith.constant 0 : i32
      %dma_wait3A_126 = tpu.memref_slice %arg15[%add3A_85, %dma_wait3A_125] : memref<10240x128xf32, #tpu.memory_space<vmem_shared>> -> memref<64x128xf32, #tpu.memory_space<vmem_shared>>
      %dma_wait3A_127 = arith.constant 0 : i32
      %dma_wait3A_128 = tpu.memref_slice %arg15[%add3A_85, %dma_wait3A_127] : memref<10240x128xf32, #tpu.memory_space<vmem_shared>> -> memref<64x128xf32, #tpu.memory_space<vmem_shared>>
      tpu.wait_dma2 semaphore(%arg19 : memref<!tpu.dma_semaphore, #tpu.memory_space<semaphore_mem>>) src(%arg14 : memref<64x128xf32, #tpu.memory_space<vmem>>) dst(%dma_wait3A_128 : memref<64x128xf32, #tpu.memory_space<vmem_shared>>)
      %barrier3A = arith.constant 0 : index
      tpu.barrier barrier_id(%barrier3A)
      %mul3A_129 = arith.constant 640 : i32
      %mul3A_130 = arith.muli %arg1, %mul3A_129 : i32
      %add3A_131 = arith.constant 0 : i32
      %add3A_132 = arith.addi %mul3A_130, %add3A_131 : i32
      %mul3A_133 = arith.constant 640 : i32
      %mul3A_134 = arith.muli %arg1, %mul3A_133 : i32
      %add3A_135 = arith.constant 128 : i32
      %add3A_136 = arith.addi %mul3A_134, %add3A_135 : i32
      %mul3A_137 = arith.constant 640 : i32
      %mul3A_138 = arith.muli %arg1, %mul3A_137 : i32
      %add3A_139 = arith.constant 256 : i32
      %add3A_140 = arith.addi %mul3A_138, %add3A_139 : i32
      %mul3A_141 = arith.constant 640 : i32
      %mul3A_142 = arith.muli %arg1, %mul3A_141 : i32
      %add3A_143 = arith.constant 384 : i32
      %add3A_144 = arith.addi %mul3A_142, %add3A_143 : i32
      %mul3A_145 = arith.constant 640 : i32
      %mul3A_146 = arith.muli %arg1, %mul3A_145 : i32
      %add3A_147 = arith.constant 512 : i32
      %add3A_148 = arith.addi %mul3A_146, %add3A_147 : i32
      %dma_start3A_149 = arith.constant 0 : i32
      %dma_start3A_150 = tpu.memref_slice %arg3[%add3A_132, %dma_start3A_149] : memref<10240x128xf32, #tpu.memory_space<hbm>> -> memref<128x128xf32, #tpu.memory_space<hbm>>
      %dma_start3A_151 = arith.constant 0 : i32
      %dma_start3A_152 = tpu.memref_slice %arg3[%add3A_132, %dma_start3A_151] : memref<10240x128xf32, #tpu.memory_space<hbm>> -> memref<128x128xf32, #tpu.memory_space<hbm>>
      tpu.enqueue_dma source(%dma_start3A_152 : memref<128x128xf32, #tpu.memory_space<hbm>>) target(%arg10 : memref<128x128xf32, #tpu.memory_space<vmem>>) target_semaphore(%arg16 : memref<!tpu.dma_semaphore, #tpu.memory_space<semaphore_mem>>)
      %dma_start3A_153 = tpu.memref_slice %arg5[%add3A_132] : memref<10240xi32, #tpu.memory_space<hbm>> -> memref<128xi32, #tpu.memory_space<hbm>>
      %dma_start3A_154 = tpu.memref_slice %arg5[%add3A_132] : memref<10240xi32, #tpu.memory_space<hbm>> -> memref<128xi32, #tpu.memory_space<hbm>>
      tpu.enqueue_dma source(%dma_start3A_154 : memref<128xi32, #tpu.memory_space<hbm>>) target(%arg12 : memref<128xi32, #tpu.memory_space<vmem>>) target_semaphore(%arg16 : memref<!tpu.dma_semaphore, #tpu.memory_space<semaphore_mem>>)
      %dma_start3A_155 = arith.constant 0 : i32
      %dma_start3A_156 = tpu.memref_slice %arg3[%add3A_136, %dma_start3A_155] : memref<10240x128xf32, #tpu.memory_space<hbm>> -> memref<128x128xf32, #tpu.memory_space<hbm>>
      %dma_start3A_157 = arith.constant 0 : i32
      %dma_start3A_158 = tpu.memref_slice %arg3[%add3A_136, %dma_start3A_157] : memref<10240x128xf32, #tpu.memory_space<hbm>> -> memref<128x128xf32, #tpu.memory_space<hbm>>
      tpu.enqueue_dma source(%dma_start3A_158 : memref<128x128xf32, #tpu.memory_space<hbm>>) target(%arg11 : memref<128x128xf32, #tpu.memory_space<vmem>>) target_semaphore(%arg17 : memref<!tpu.dma_semaphore, #tpu.memory_space<semaphore_mem>>)
      %dma_start3A_159 = tpu.memref_slice %arg5[%add3A_136] : memref<10240xi32, #tpu.memory_space<hbm>> -> memref<128xi32, #tpu.memory_space<hbm>>
      %dma_start3A_160 = tpu.memref_slice %arg5[%add3A_136] : memref<10240xi32, #tpu.memory_space<hbm>> -> memref<128xi32, #tpu.memory_space<hbm>>
      tpu.enqueue_dma source(%dma_start3A_160 : memref<128xi32, #tpu.memory_space<hbm>>) target(%arg13 : memref<128xi32, #tpu.memory_space<vmem>>) target_semaphore(%arg17 : memref<!tpu.dma_semaphore, #tpu.memory_space<semaphore_mem>>)
      %dma_wait3A_161 = arith.constant 0 : i32
      %dma_wait3A_162 = tpu.memref_slice %arg3[%add3A_132, %dma_wait3A_161] : memref<10240x128xf32, #tpu.memory_space<hbm>> -> memref<128x128xf32, #tpu.memory_space<hbm>>
      %dma_wait3A_163 = arith.constant 0 : i32
      %dma_wait3A_164 = tpu.memref_slice %arg3[%add3A_132, %dma_wait3A_163] : memref<10240x128xf32, #tpu.memory_space<hbm>> -> memref<128x128xf32, #tpu.memory_space<hbm>>
      tpu.wait_dma2 semaphore(%arg16 : memref<!tpu.dma_semaphore, #tpu.memory_space<semaphore_mem>>) src(%dma_wait3A_164 : memref<128x128xf32, #tpu.memory_space<hbm>>) dst(%arg10 : memref<128x128xf32, #tpu.memory_space<vmem>>)
      %dma_wait3A_165 = tpu.memref_slice %arg5[%add3A_132] : memref<10240xi32, #tpu.memory_space<hbm>> -> memref<128xi32, #tpu.memory_space<hbm>>
      %dma_wait3A_166 = tpu.memref_slice %arg5[%add3A_132] : memref<10240xi32, #tpu.memory_space<hbm>> -> memref<128xi32, #tpu.memory_space<hbm>>
      tpu.wait_dma2 semaphore(%arg16 : memref<!tpu.dma_semaphore, #tpu.memory_space<semaphore_mem>>) src(%dma_wait3A_166 : memref<128xi32, #tpu.memory_space<hbm>>) dst(%arg12 : memref<128xi32, #tpu.memory_space<vmem>>)
      %dma_start3A_167 = arith.constant 0 : i32
      %dma_start3A_168 = arith.constant 0 : i32
      %dma_start3A_169 = tpu.memref_slice %arg15[%dma_start3A_167, %dma_start3A_168] : memref<10240x128xf32, #tpu.memory_space<vmem_shared>> -> memref<10240x128xf32, #tpu.memory_space<vmem_shared>>
      tpu.enqueue_indirect_dma source(%arg10 : memref<128x128xf32, #tpu.memory_space<vmem>>) target(%dma_start3A_169 : memref<10240x128xf32, #tpu.memory_space<vmem_shared>>) offsets(%arg12 : memref<128xi32, #tpu.memory_space<vmem>>) semaphore(%arg18 : memref<!tpu.dma_semaphore, #tpu.memory_space<semaphore_mem>>) {add = true}
      %dma_wait3A_170 = arith.constant 0 : i32
      %dma_wait3A_171 = arith.constant 0 : i32
      %dma_wait3A_172 = tpu.memref_slice %arg15[%dma_wait3A_170, %dma_wait3A_171] : memref<10240x128xf32, #tpu.memory_space<vmem_shared>> -> memref<10240x128xf32, #tpu.memory_space<vmem_shared>>
      tpu.wait_indirect_dma semaphore(%arg18 : memref<!tpu.dma_semaphore, #tpu.memory_space<semaphore_mem>>) src(%arg10 : memref<128x128xf32, #tpu.memory_space<vmem>>) dst(%dma_wait3A_172 : memref<10240x128xf32, #tpu.memory_space<vmem_shared>>)
      %dma_start3A_173 = arith.constant 0 : i32
      %dma_start3A_174 = tpu.memref_slice %arg3[%add3A_140, %dma_start3A_173] : memref<10240x128xf32, #tpu.memory_space<hbm>> -> memref<128x128xf32, #tpu.memory_space<hbm>>
      %dma_start3A_175 = arith.constant 0 : i32
      %dma_start3A_176 = tpu.memref_slice %arg3[%add3A_140, %dma_start3A_175] : memref<10240x128xf32, #tpu.memory_space<hbm>> -> memref<128x128xf32, #tpu.memory_space<hbm>>
      tpu.enqueue_dma source(%dma_start3A_176 : memref<128x128xf32, #tpu.memory_space<hbm>>) target(%arg10 : memref<128x128xf32, #tpu.memory_space<vmem>>) target_semaphore(%arg16 : memref<!tpu.dma_semaphore, #tpu.memory_space<semaphore_mem>>)
      %dma_start3A_177 = tpu.memref_slice %arg5[%add3A_140] : memref<10240xi32, #tpu.memory_space<hbm>> -> memref<128xi32, #tpu.memory_space<hbm>>
      %dma_start3A_178 = tpu.memref_slice %arg5[%add3A_140] : memref<10240xi32, #tpu.memory_space<hbm>> -> memref<128xi32, #tpu.memory_space<hbm>>
      tpu.enqueue_dma source(%dma_start3A_178 : memref<128xi32, #tpu.memory_space<hbm>>) target(%arg12 : memref<128xi32, #tpu.memory_space<vmem>>) target_semaphore(%arg16 : memref<!tpu.dma_semaphore, #tpu.memory_space<semaphore_mem>>)
      %dma_wait3A_179 = arith.constant 0 : i32
      %dma_wait3A_180 = tpu.memref_slice %arg3[%add3A_136, %dma_wait3A_179] : memref<10240x128xf32, #tpu.memory_space<hbm>> -> memref<128x128xf32, #tpu.memory_space<hbm>>
      %dma_wait3A_181 = arith.constant 0 : i32
      %dma_wait3A_182 = tpu.memref_slice %arg3[%add3A_136, %dma_wait3A_181] : memref<10240x128xf32, #tpu.memory_space<hbm>> -> memref<128x128xf32, #tpu.memory_space<hbm>>
      tpu.wait_dma2 semaphore(%arg17 : memref<!tpu.dma_semaphore, #tpu.memory_space<semaphore_mem>>) src(%dma_wait3A_182 : memref<128x128xf32, #tpu.memory_space<hbm>>) dst(%arg11 : memref<128x128xf32, #tpu.memory_space<vmem>>)
      %dma_wait3A_183 = tpu.memref_slice %arg5[%add3A_136] : memref<10240xi32, #tpu.memory_space<hbm>> -> memref<128xi32, #tpu.memory_space<hbm>>
      %dma_wait3A_184 = tpu.memref_slice %arg5[%add3A_136] : memref<10240xi32, #tpu.memory_space<hbm>> -> memref<128xi32, #tpu.memory_space<hbm>>
      tpu.wait_dma2 semaphore(%arg17 : memref<!tpu.dma_semaphore, #tpu.memory_space<semaphore_mem>>) src(%dma_wait3A_184 : memref<128xi32, #tpu.memory_space<hbm>>) dst(%arg13 : memref<128xi32, #tpu.memory_space<vmem>>)
      %dma_start3A_185 = arith.constant 0 : i32
      %dma_start3A_186 = arith.constant 0 : i32
      %dma_start3A_187 = tpu.memref_slice %arg15[%dma_start3A_185, %dma_start3A_186] : memref<10240x128xf32, #tpu.memory_space<vmem_shared>> -> memref<10240x128xf32, #tpu.memory_space<vmem_shared>>
      tpu.enqueue_indirect_dma source(%arg11 : memref<128x128xf32, #tpu.memory_space<vmem>>) target(%dma_start3A_187 : memref<10240x128xf32, #tpu.memory_space<vmem_shared>>) offsets(%arg13 : memref<128xi32, #tpu.memory_space<vmem>>) semaphore(%arg18 : memref<!tpu.dma_semaphore, #tpu.memory_space<semaphore_mem>>) {add = true}
      %dma_wait3A_188 = arith.constant 0 : i32
      %dma_wait3A_189 = arith.constant 0 : i32
      %dma_wait3A_190 = tpu.memref_slice %arg15[%dma_wait3A_188, %dma_wait3A_189] : memref<10240x128xf32, #tpu.memory_space<vmem_shared>> -> memref<10240x128xf32, #tpu.memory_space<vmem_shared>>
      tpu.wait_indirect_dma semaphore(%arg18 : memref<!tpu.dma_semaphore, #tpu.memory_space<semaphore_mem>>) src(%arg11 : memref<128x128xf32, #tpu.memory_space<vmem>>) dst(%dma_wait3A_190 : memref<10240x128xf32, #tpu.memory_space<vmem_shared>>)
      %dma_start3A_191 = arith.constant 0 : i32
      %dma_start3A_192 = tpu.memref_slice %arg3[%add3A_144, %dma_start3A_191] : memref<10240x128xf32, #tpu.memory_space<hbm>> -> memref<128x128xf32, #tpu.memory_space<hbm>>
      %dma_start3A_193 = arith.constant 0 : i32
      %dma_start3A_194 = tpu.memref_slice %arg3[%add3A_144, %dma_start3A_193] : memref<10240x128xf32, #tpu.memory_space<hbm>> -> memref<128x128xf32, #tpu.memory_space<hbm>>
      tpu.enqueue_dma source(%dma_start3A_194 : memref<128x128xf32, #tpu.memory_space<hbm>>) target(%arg11 : memref<128x128xf32, #tpu.memory_space<vmem>>) target_semaphore(%arg17 : memref<!tpu.dma_semaphore, #tpu.memory_space<semaphore_mem>>)
      %dma_start3A_195 = tpu.memref_slice %arg5[%add3A_144] : memref<10240xi32, #tpu.memory_space<hbm>> -> memref<128xi32, #tpu.memory_space<hbm>>
      %dma_start3A_196 = tpu.memref_slice %arg5[%add3A_144] : memref<10240xi32, #tpu.memory_space<hbm>> -> memref<128xi32, #tpu.memory_space<hbm>>
      tpu.enqueue_dma source(%dma_start3A_196 : memref<128xi32, #tpu.memory_space<hbm>>) target(%arg13 : memref<128xi32, #tpu.memory_space<vmem>>) target_semaphore(%arg17 : memref<!tpu.dma_semaphore, #tpu.memory_space<semaphore_mem>>)
      %dma_wait3A_197 = arith.constant 0 : i32
      %dma_wait3A_198 = tpu.memref_slice %arg3[%add3A_140, %dma_wait3A_197] : memref<10240x128xf32, #tpu.memory_space<hbm>> -> memref<128x128xf32, #tpu.memory_space<hbm>>
      %dma_wait3A_199 = arith.constant 0 : i32
      %dma_wait3A_200 = tpu.memref_slice %arg3[%add3A_140, %dma_wait3A_199] : memref<10240x128xf32, #tpu.memory_space<hbm>> -> memref<128x128xf32, #tpu.memory_space<hbm>>
      tpu.wait_dma2 semaphore(%arg16 : memref<!tpu.dma_semaphore, #tpu.memory_space<semaphore_mem>>) src(%dma_wait3A_200 : memref<128x128xf32, #tpu.memory_space<hbm>>) dst(%arg10 : memref<128x128xf32, #tpu.memory_space<vmem>>)
      %dma_wait3A_201 = tpu.memref_slice %arg5[%add3A_140] : memref<10240xi32, #tpu.memory_space<hbm>> -> memref<128xi32, #tpu.memory_space<hbm>>
      %dma_wait3A_202 = tpu.memref_slice %arg5[%add3A_140] : memref<10240xi32, #tpu.memory_space<hbm>> -> memref<128xi32, #tpu.memory_space<hbm>>
      tpu.wait_dma2 semaphore(%arg16 : memref<!tpu.dma_semaphore, #tpu.memory_space<semaphore_mem>>) src(%dma_wait3A_202 : memref<128xi32, #tpu.memory_space<hbm>>) dst(%arg12 : memref<128xi32, #tpu.memory_space<vmem>>)
      %dma_start3A_203 = arith.constant 0 : i32
      %dma_start3A_204 = arith.constant 0 : i32
      %dma_start3A_205 = tpu.memref_slice %arg15[%dma_start3A_203, %dma_start3A_204] : memref<10240x128xf32, #tpu.memory_space<vmem_shared>> -> memref<10240x128xf32, #tpu.memory_space<vmem_shared>>
      tpu.enqueue_indirect_dma source(%arg10 : memref<128x128xf32, #tpu.memory_space<vmem>>) target(%dma_start3A_205 : memref<10240x128xf32, #tpu.memory_space<vmem_shared>>) offsets(%arg12 : memref<128xi32, #tpu.memory_space<vmem>>) semaphore(%arg18 : memref<!tpu.dma_semaphore, #tpu.memory_space<semaphore_mem>>) {add = true}
      %dma_wait3A_206 = arith.constant 0 : i32
      %dma_wait3A_207 = arith.constant 0 : i32
      %dma_wait3A_208 = tpu.memref_slice %arg15[%dma_wait3A_206, %dma_wait3A_207] : memref<10240x128xf32, #tpu.memory_space<vmem_shared>> -> memref<10240x128xf32, #tpu.memory_space<vmem_shared>>
      tpu.wait_indirect_dma semaphore(%arg18 : memref<!tpu.dma_semaphore, #tpu.memory_space<semaphore_mem>>) src(%arg10 : memref<128x128xf32, #tpu.memory_space<vmem>>) dst(%dma_wait3A_208 : memref<10240x128xf32, #tpu.memory_space<vmem_shared>>)
      %dma_start3A_209 = arith.constant 0 : i32
      %dma_start3A_210 = tpu.memref_slice %arg3[%add3A_148, %dma_start3A_209] : memref<10240x128xf32, #tpu.memory_space<hbm>> -> memref<128x128xf32, #tpu.memory_space<hbm>>
      %dma_start3A_211 = arith.constant 0 : i32
      %dma_start3A_212 = tpu.memref_slice %arg3[%add3A_148, %dma_start3A_211] : memref<10240x128xf32, #tpu.memory_space<hbm>> -> memref<128x128xf32, #tpu.memory_space<hbm>>
      tpu.enqueue_dma source(%dma_start3A_212 : memref<128x128xf32, #tpu.memory_space<hbm>>) target(%arg10 : memref<128x128xf32, #tpu.memory_space<vmem>>) target_semaphore(%arg16 : memref<!tpu.dma_semaphore, #tpu.memory_space<semaphore_mem>>)
      %dma_start3A_213 = tpu.memref_slice %arg5[%add3A_148] : memref<10240xi32, #tpu.memory_space<hbm>> -> memref<128xi32, #tpu.memory_space<hbm>>
      %dma_start3A_214 = tpu.memref_slice %arg5[%add3A_148] : memref<10240xi32, #tpu.memory_space<hbm>> -> memref<128xi32, #tpu.memory_space<hbm>>
      tpu.enqueue_dma source(%dma_start3A_214 : memref<128xi32, #tpu.memory_space<hbm>>) target(%arg12 : memref<128xi32, #tpu.memory_space<vmem>>) target_semaphore(%arg16 : memref<!tpu.dma_semaphore, #tpu.memory_space<semaphore_mem>>)
      %dma_wait3A_215 = arith.constant 0 : i32
      %dma_wait3A_216 = tpu.memref_slice %arg3[%add3A_144, %dma_wait3A_215] : memref<10240x128xf32, #tpu.memory_space<hbm>> -> memref<128x128xf32, #tpu.memory_space<hbm>>
      %dma_wait3A_217 = arith.constant 0 : i32
      %dma_wait3A_218 = tpu.memref_slice %arg3[%add3A_144, %dma_wait3A_217] : memref<10240x128xf32, #tpu.memory_space<hbm>> -> memref<128x128xf32, #tpu.memory_space<hbm>>
      tpu.wait_dma2 semaphore(%arg17 : memref<!tpu.dma_semaphore, #tpu.memory_space<semaphore_mem>>) src(%dma_wait3A_218 : memref<128x128xf32, #tpu.memory_space<hbm>>) dst(%arg11 : memref<128x128xf32, #tpu.memory_space<vmem>>)
      %dma_wait3A_219 = tpu.memref_slice %arg5[%add3A_144] : memref<10240xi32, #tpu.memory_space<hbm>> -> memref<128xi32, #tpu.memory_space<hbm>>
      %dma_wait3A_220 = tpu.memref_slice %arg5[%add3A_144] : memref<10240xi32, #tpu.memory_space<hbm>> -> memref<128xi32, #tpu.memory_space<hbm>>
      tpu.wait_dma2 semaphore(%arg17 : memref<!tpu.dma_semaphore, #tpu.memory_space<semaphore_mem>>) src(%dma_wait3A_220 : memref<128xi32, #tpu.memory_space<hbm>>) dst(%arg13 : memref<128xi32, #tpu.memory_space<vmem>>)
      %dma_start3A_221 = arith.constant 0 : i32
      %dma_start3A_222 = arith.constant 0 : i32
      %dma_start3A_223 = tpu.memref_slice %arg15[%dma_start3A_221, %dma_start3A_222] : memref<10240x128xf32, #tpu.memory_space<vmem_shared>> -> memref<10240x128xf32, #tpu.memory_space<vmem_shared>>
      tpu.enqueue_indirect_dma source(%arg11 : memref<128x128xf32, #tpu.memory_space<vmem>>) target(%dma_start3A_223 : memref<10240x128xf32, #tpu.memory_space<vmem_shared>>) offsets(%arg13 : memref<128xi32, #tpu.memory_space<vmem>>) semaphore(%arg18 : memref<!tpu.dma_semaphore, #tpu.memory_space<semaphore_mem>>) {add = true}
      %dma_wait3A_224 = arith.constant 0 : i32
      %dma_wait3A_225 = tpu.memref_slice %arg3[%add3A_148, %dma_wait3A_224] : memref<10240x128xf32, #tpu.memory_space<hbm>> -> memref<128x128xf32, #tpu.memory_space<hbm>>
      %dma_wait3A_226 = arith.constant 0 : i32
      %dma_wait3A_227 = tpu.memref_slice %arg3[%add3A_148, %dma_wait3A_226] : memref<10240x128xf32, #tpu.memory_space<hbm>> -> memref<128x128xf32, #tpu.memory_space<hbm>>
      tpu.wait_dma2 semaphore(%arg16 : memref<!tpu.dma_semaphore, #tpu.memory_space<semaphore_mem>>) src(%dma_wait3A_227 : memref<128x128xf32, #tpu.memory_space<hbm>>) dst(%arg10 : memref<128x128xf32, #tpu.memory_space<vmem>>)
      %dma_wait3A_228 = tpu.memref_slice %arg5[%add3A_148] : memref<10240xi32, #tpu.memory_space<hbm>> -> memref<128xi32, #tpu.memory_space<hbm>>
      %dma_wait3A_229 = tpu.memref_slice %arg5[%add3A_148] : memref<10240xi32, #tpu.memory_space<hbm>> -> memref<128xi32, #tpu.memory_space<hbm>>
      tpu.wait_dma2 semaphore(%arg16 : memref<!tpu.dma_semaphore, #tpu.memory_space<semaphore_mem>>) src(%dma_wait3A_229 : memref<128xi32, #tpu.memory_space<hbm>>) dst(%arg12 : memref<128xi32, #tpu.memory_space<vmem>>)
      %dma_start3A_230 = arith.constant 0 : i32
      %dma_start3A_231 = arith.constant 0 : i32
      %dma_start3A_232 = tpu.memref_slice %arg15[%dma_start3A_230, %dma_start3A_231] : memref<10240x128xf32, #tpu.memory_space<vmem_shared>> -> memref<10240x128xf32, #tpu.memory_space<vmem_shared>>
      tpu.enqueue_indirect_dma source(%arg10 : memref<128x128xf32, #tpu.memory_space<vmem>>) target(%dma_start3A_232 : memref<10240x128xf32, #tpu.memory_space<vmem_shared>>) offsets(%arg12 : memref<128xi32, #tpu.memory_space<vmem>>) semaphore(%arg18 : memref<!tpu.dma_semaphore, #tpu.memory_space<semaphore_mem>>) {add = true}
      %dma_wait3A_233 = arith.constant 0 : i32
      %dma_wait3A_234 = arith.constant 0 : i32
      %dma_wait3A_235 = tpu.memref_slice %arg15[%dma_wait3A_233, %dma_wait3A_234] : memref<10240x128xf32, #tpu.memory_space<vmem_shared>> -> memref<10240x128xf32, #tpu.memory_space<vmem_shared>>
      tpu.wait_indirect_dma semaphore(%arg18 : memref<!tpu.dma_semaphore, #tpu.memory_space<semaphore_mem>>) src(%arg11 : memref<128x128xf32, #tpu.memory_space<vmem>>) dst(%dma_wait3A_235 : memref<10240x128xf32, #tpu.memory_space<vmem_shared>>)
      %dma_wait3A_236 = arith.constant 0 : i32
      %dma_wait3A_237 = arith.constant 0 : i32
      %dma_wait3A_238 = tpu.memref_slice %arg15[%dma_wait3A_236, %dma_wait3A_237] : memref<10240x128xf32, #tpu.memory_space<vmem_shared>> -> memref<10240x128xf32, #tpu.memory_space<vmem_shared>>
      tpu.wait_indirect_dma semaphore(%arg18 : memref<!tpu.dma_semaphore, #tpu.memory_space<semaphore_mem>>) src(%arg10 : memref<128x128xf32, #tpu.memory_space<vmem>>) dst(%dma_wait3A_238 : memref<10240x128xf32, #tpu.memory_space<vmem_shared>>)
      %barrier3A_239 = arith.constant 0 : index
      tpu.barrier barrier_id(%barrier3A_239)
      %mul3A_240 = arith.constant 640 : i32
      %mul3A_241 = arith.muli %arg1, %mul3A_240 : i32
      %mul3A_242 = arith.constant 640 : i32
      %mul3A_243 = arith.muli %arg1, %mul3A_242 : i32
      %dma_start3A_244 = arith.constant 0 : i32
      %dma_start3A_245 = tpu.memref_slice %arg7[%mul3A_243, %dma_start3A_244] : memref<10240x128xf32, #tpu.memory_space<hbm>> -> memref<640x128xf32, #tpu.memory_space<hbm>>
      %dma_start3A_246 = arith.constant 0 : i32
      %dma_start3A_247 = tpu.memref_slice %arg15[%mul3A_241, %dma_start3A_246] : memref<10240x128xf32, #tpu.memory_space<vmem_shared>> -> memref<640x128xf32, #tpu.memory_space<vmem_shared>>
      tpu.enqueue_dma source(%dma_start3A_247 : memref<640x128xf32, #tpu.memory_space<vmem_shared>>) target(%dma_start3A_245 : memref<640x128xf32, #tpu.memory_space<hbm>>) target_semaphore(%arg20 : memref<!tpu.dma_semaphore, #tpu.memory_space<semaphore_mem>>)
      %dma_wait3A_248 = arith.constant 0 : i32
      %dma_wait3A_249 = tpu.memref_slice %arg7[%mul3A_243, %dma_wait3A_248] : memref<10240x128xf32, #tpu.memory_space<hbm>> -> memref<640x128xf32, #tpu.memory_space<hbm>>
      %dma_wait3A_250 = arith.constant 0 : i32
      %dma_wait3A_251 = tpu.memref_slice %arg15[%mul3A_241, %dma_wait3A_250] : memref<10240x128xf32, #tpu.memory_space<vmem_shared>> -> memref<640x128xf32, #tpu.memory_space<vmem_shared>>
      tpu.wait_dma2 semaphore(%arg20 : memref<!tpu.dma_semaphore, #tpu.memory_space<semaphore_mem>>) src(%dma_wait3A_251 : memref<640x128xf32, #tpu.memory_space<vmem_shared>>) dst(%dma_wait3A_249 : memref<640x128xf32, #tpu.memory_space<hbm>>)
      %mul3A_252 = arith.constant 640 : i32
      %mul3A_253 = arith.muli %arg1, %mul3A_252 : i32
      %add3A_254 = arith.constant 0 : i32
      %add3A_255 = arith.addi %mul3A_253, %add3A_254 : i32
      %dma_start3A_256 = arith.constant 0 : i32
      %dma_start3A_257 = tpu.memref_slice %arg15[%add3A_255, %dma_start3A_256] : memref<10240x128xf32, #tpu.memory_space<vmem_shared>> -> memref<64x128xf32, #tpu.memory_space<vmem_shared>>
      %dma_start3A_258 = arith.constant 0 : i32
      %dma_start3A_259 = tpu.memref_slice %arg15[%add3A_255, %dma_start3A_258] : memref<10240x128xf32, #tpu.memory_space<vmem_shared>> -> memref<64x128xf32, #tpu.memory_space<vmem_shared>>
      tpu.enqueue_dma source(%arg14 : memref<64x128xf32, #tpu.memory_space<vmem>>) target(%dma_start3A_259 : memref<64x128xf32, #tpu.memory_space<vmem_shared>>) target_semaphore(%arg19 : memref<!tpu.dma_semaphore, #tpu.memory_space<semaphore_mem>>)
      %mul3A_260 = arith.constant 640 : i32
      %mul3A_261 = arith.muli %arg1, %mul3A_260 : i32
      %add3A_262 = arith.constant 64 : i32
      %add3A_263 = arith.addi %mul3A_261, %add3A_262 : i32
      %dma_start3A_264 = arith.constant 0 : i32
      %dma_start3A_265 = tpu.memref_slice %arg15[%add3A_263, %dma_start3A_264] : memref<10240x128xf32, #tpu.memory_space<vmem_shared>> -> memref<64x128xf32, #tpu.memory_space<vmem_shared>>
      %dma_start3A_266 = arith.constant 0 : i32
      %dma_start3A_267 = tpu.memref_slice %arg15[%add3A_263, %dma_start3A_266] : memref<10240x128xf32, #tpu.memory_space<vmem_shared>> -> memref<64x128xf32, #tpu.memory_space<vmem_shared>>
      tpu.enqueue_dma source(%arg14 : memref<64x128xf32, #tpu.memory_space<vmem>>) target(%dma_start3A_267 : memref<64x128xf32, #tpu.memory_space<vmem_shared>>) target_semaphore(%arg19 : memref<!tpu.dma_semaphore, #tpu.memory_space<semaphore_mem>>)
      %mul3A_268 = arith.constant 640 : i32
      %mul3A_269 = arith.muli %arg1, %mul3A_268 : i32
      %add3A_270 = arith.constant 128 : i32
      %add3A_271 = arith.addi %mul3A_269, %add3A_270 : i32
      %dma_start3A_272 = arith.constant 0 : i32
      %dma_start3A_273 = tpu.memref_slice %arg15[%add3A_271, %dma_start3A_272] : memref<10240x128xf32, #tpu.memory_space<vmem_shared>> -> memref<64x128xf32, #tpu.memory_space<vmem_shared>>
      %dma_start3A_274 = arith.constant 0 : i32
      %dma_start3A_275 = tpu.memref_slice %arg15[%add3A_271, %dma_start3A_274] : memref<10240x128xf32, #tpu.memory_space<vmem_shared>> -> memref<64x128xf32, #tpu.memory_space<vmem_shared>>
      tpu.enqueue_dma source(%arg14 : memref<64x128xf32, #tpu.memory_space<vmem>>) target(%dma_start3A_275 : memref<64x128xf32, #tpu.memory_space<vmem_shared>>) target_semaphore(%arg19 : memref<!tpu.dma_semaphore, #tpu.memory_space<semaphore_mem>>)
      %mul3A_276 = arith.constant 640 : i32
      %mul3A_277 = arith.muli %arg1, %mul3A_276 : i32
      %add3A_278 = arith.constant 192 : i32
      %add3A_279 = arith.addi %mul3A_277, %add3A_278 : i32
      %dma_start3A_280 = arith.constant 0 : i32
      %dma_start3A_281 = tpu.memref_slice %arg15[%add3A_279, %dma_start3A_280] : memref<10240x128xf32, #tpu.memory_space<vmem_shared>> -> memref<64x128xf32, #tpu.memory_space<vmem_shared>>
      %dma_start3A_282 = arith.constant 0 : i32
      %dma_start3A_283 = tpu.memref_slice %arg15[%add3A_279, %dma_start3A_282] : memref<10240x128xf32, #tpu.memory_space<vmem_shared>> -> memref<64x128xf32, #tpu.memory_space<vmem_shared>>
      tpu.enqueue_dma source(%arg14 : memref<64x128xf32, #tpu.memory_space<vmem>>) target(%dma_start3A_283 : memref<64x128xf32, #tpu.memory_space<vmem_shared>>) target_semaphore(%arg19 : memref<!tpu.dma_semaphore, #tpu.memory_space<semaphore_mem>>)
      %mul3A_284 = arith.constant 640 : i32
      %mul3A_285 = arith.muli %arg1, %mul3A_284 : i32
      %add3A_286 = arith.constant 256 : i32
      %add3A_287 = arith.addi %mul3A_285, %add3A_286 : i32
      %dma_start3A_288 = arith.constant 0 : i32
      %dma_start3A_289 = tpu.memref_slice %arg15[%add3A_287, %dma_start3A_288] : memref<10240x128xf32, #tpu.memory_space<vmem_shared>> -> memref<64x128xf32, #tpu.memory_space<vmem_shared>>
      %dma_start3A_290 = arith.constant 0 : i32
      %dma_start3A_291 = tpu.memref_slice %arg15[%add3A_287, %dma_start3A_290] : memref<10240x128xf32, #tpu.memory_space<vmem_shared>> -> memref<64x128xf32, #tpu.memory_space<vmem_shared>>
      tpu.enqueue_dma source(%arg14 : memref<64x128xf32, #tpu.memory_space<vmem>>) target(%dma_start3A_291 : memref<64x128xf32, #tpu.memory_space<vmem_shared>>) target_semaphore(%arg19 : memref<!tpu.dma_semaphore, #tpu.memory_space<semaphore_mem>>)
      %mul3A_292 = arith.constant 640 : i32
      %mul3A_293 = arith.muli %arg1, %mul3A_292 : i32
      %add3A_294 = arith.constant 320 : i32
      %add3A_295 = arith.addi %mul3A_293, %add3A_294 : i32
      %dma_start3A_296 = arith.constant 0 : i32
      %dma_start3A_297 = tpu.memref_slice %arg15[%add3A_295, %dma_start3A_296] : memref<10240x128xf32, #tpu.memory_space<vmem_shared>> -> memref<64x128xf32, #tpu.memory_space<vmem_shared>>
      %dma_start3A_298 = arith.constant 0 : i32
      %dma_start3A_299 = tpu.memref_slice %arg15[%add3A_295, %dma_start3A_298] : memref<10240x128xf32, #tpu.memory_space<vmem_shared>> -> memref<64x128xf32, #tpu.memory_space<vmem_shared>>
      tpu.enqueue_dma source(%arg14 : memref<64x128xf32, #tpu.memory_space<vmem>>) target(%dma_start3A_299 : memref<64x128xf32, #tpu.memory_space<vmem_shared>>) target_semaphore(%arg19 : memref<!tpu.dma_semaphore, #tpu.memory_space<semaphore_mem>>)
      %mul3A_300 = arith.constant 640 : i32
      %mul3A_301 = arith.muli %arg1, %mul3A_300 : i32
      %add3A_302 = arith.constant 384 : i32
      %add3A_303 = arith.addi %mul3A_301, %add3A_302 : i32
      %dma_start3A_304 = arith.constant 0 : i32
      %dma_start3A_305 = tpu.memref_slice %arg15[%add3A_303, %dma_start3A_304] : memref<10240x128xf32, #tpu.memory_space<vmem_shared>> -> memref<64x128xf32, #tpu.memory_space<vmem_shared>>
      %dma_start3A_306 = arith.constant 0 : i32
      %dma_start3A_307 = tpu.memref_slice %arg15[%add3A_303, %dma_start3A_306] : memref<10240x128xf32, #tpu.memory_space<vmem_shared>> -> memref<64x128xf32, #tpu.memory_space<vmem_shared>>
      tpu.enqueue_dma source(%arg14 : memref<64x128xf32, #tpu.memory_space<vmem>>) target(%dma_start3A_307 : memref<64x128xf32, #tpu.memory_space<vmem_shared>>) target_semaphore(%arg19 : memref<!tpu.dma_semaphore, #tpu.memory_space<semaphore_mem>>)
      %mul3A_308 = arith.constant 640 : i32
      %mul3A_309 = arith.muli %arg1, %mul3A_308 : i32
      %add3A_310 = arith.constant 448 : i32
      %add3A_311 = arith.addi %mul3A_309, %add3A_310 : i32
      %dma_start3A_312 = arith.constant 0 : i32
      %dma_start3A_313 = tpu.memref_slice %arg15[%add3A_311, %dma_start3A_312] : memref<10240x128xf32, #tpu.memory_space<vmem_shared>> -> memref<64x128xf32, #tpu.memory_space<vmem_shared>>
      %dma_start3A_314 = arith.constant 0 : i32
      %dma_start3A_315 = tpu.memref_slice %arg15[%add3A_311, %dma_start3A_314] : memref<10240x128xf32, #tpu.memory_space<vmem_shared>> -> memref<64x128xf32, #tpu.memory_space<vmem_shared>>
      tpu.enqueue_dma source(%arg14 : memref<64x128xf32, #tpu.memory_space<vmem>>) target(%dma_start3A_315 : memref<64x128xf32, #tpu.memory_space<vmem_shared>>) target_semaphore(%arg19 : memref<!tpu.dma_semaphore, #tpu.memory_space<semaphore_mem>>)
      %mul3A_316 = arith.constant 640 : i32
      %mul3A_317 = arith.muli %arg1, %mul3A_316 : i32
      %add3A_318 = arith.constant 512 : i32
      %add3A_319 = arith.addi %mul3A_317, %add3A_318 : i32
      %dma_start3A_320 = arith.constant 0 : i32
      %dma_start3A_321 = tpu.memref_slice %arg15[%add3A_319, %dma_start3A_320] : memref<10240x128xf32, #tpu.memory_space<vmem_shared>> -> memref<64x128xf32, #tpu.memory_space<vmem_shared>>
      %dma_start3A_322 = arith.constant 0 : i32
      %dma_start3A_323 = tpu.memref_slice %arg15[%add3A_319, %dma_start3A_322] : memref<10240x128xf32, #tpu.memory_space<vmem_shared>> -> memref<64x128xf32, #tpu.memory_space<vmem_shared>>
      tpu.enqueue_dma source(%arg14 : memref<64x128xf32, #tpu.memory_space<vmem>>) target(%dma_start3A_323 : memref<64x128xf32, #tpu.memory_space<vmem_shared>>) target_semaphore(%arg19 : memref<!tpu.dma_semaphore, #tpu.memory_space<semaphore_mem>>)
      %mul3A_324 = arith.constant 640 : i32
      %mul3A_325 = arith.muli %arg1, %mul3A_324 : i32
      %add3A_326 = arith.constant 576 : i32
      %add3A_327 = arith.addi %mul3A_325, %add3A_326 : i32
      %dma_start3A_328 = arith.constant 0 : i32
      %dma_start3A_329 = tpu.memref_slice %arg15[%add3A_327, %dma_start3A_328] : memref<10240x128xf32, #tpu.memory_space<vmem_shared>> -> memref<64x128xf32, #tpu.memory_space<vmem_shared>>
      %dma_start3A_330 = arith.constant 0 : i32
      %dma_start3A_331 = tpu.memref_slice %arg15[%add3A_327, %dma_start3A_330] : memref<10240x128xf32, #tpu.memory_space<vmem_shared>> -> memref<64x128xf32, #tpu.memory_space<vmem_shared>>
      tpu.enqueue_dma source(%arg14 : memref<64x128xf32, #tpu.memory_space<vmem>>) target(%dma_start3A_331 : memref<64x128xf32, #tpu.memory_space<vmem_shared>>) target_semaphore(%arg19 : memref<!tpu.dma_semaphore, #tpu.memory_space<semaphore_mem>>)
      %dma_wait3A_332 = arith.constant 0 : i32
      %dma_wait3A_333 = tpu.memref_slice %arg15[%add3A_255, %dma_wait3A_332] : memref<10240x128xf32, #tpu.memory_space<vmem_shared>> -> memref<64x128xf32, #tpu.memory_space<vmem_shared>>
      %dma_wait3A_334 = arith.constant 0 : i32
      %dma_wait3A_335 = tpu.memref_slice %arg15[%add3A_255, %dma_wait3A_334] : memref<10240x128xf32, #tpu.memory_space<vmem_shared>> -> memref<64x128xf32, #tpu.memory_space<vmem_shared>>
      tpu.wait_dma2 semaphore(%arg19 : memref<!tpu.dma_semaphore, #tpu.memory_space<semaphore_mem>>) src(%arg14 : memref<64x128xf32, #tpu.memory_space<vmem>>) dst(%dma_wait3A_335 : memref<64x128xf32, #tpu.memory_space<vmem_shared>>)
      %dma_wait3A_336 = arith.constant 0 : i32
      %dma_wait3A_337 = tpu.memref_slice %arg15[%add3A_263, %dma_wait3A_336] : memref<10240x128xf32, #tpu.memory_space<vmem_shared>> -> memref<64x128xf32, #tpu.memory_space<vmem_shared>>
      %dma_wait3A_338 = arith.constant 0 : i32
      %dma_wait3A_339 = tpu.memref_slice %arg15[%add3A_263, %dma_wait3A_338] : memref<10240x128xf32, #tpu.memory_space<vmem_shared>> -> memref<64x128xf32, #tpu.memory_space<vmem_shared>>
      tpu.wait_dma2 semaphore(%arg19 : memref<!tpu.dma_semaphore, #tpu.memory_space<semaphore_mem>>) src(%arg14 : memref<64x128xf32, #tpu.memory_space<vmem>>) dst(%dma_wait3A_339 : memref<64x128xf32, #tpu.memory_space<vmem_shared>>)
      %dma_wait3A_340 = arith.constant 0 : i32
      %dma_wait3A_341 = tpu.memref_slice %arg15[%add3A_271, %dma_wait3A_340] : memref<10240x128xf32, #tpu.memory_space<vmem_shared>> -> memref<64x128xf32, #tpu.memory_space<vmem_shared>>
      %dma_wait3A_342 = arith.constant 0 : i32
      %dma_wait3A_343 = tpu.memref_slice %arg15[%add3A_271, %dma_wait3A_342] : memref<10240x128xf32, #tpu.memory_space<vmem_shared>> -> memref<64x128xf32, #tpu.memory_space<vmem_shared>>
      tpu.wait_dma2 semaphore(%arg19 : memref<!tpu.dma_semaphore, #tpu.memory_space<semaphore_mem>>) src(%arg14 : memref<64x128xf32, #tpu.memory_space<vmem>>) dst(%dma_wait3A_343 : memref<64x128xf32, #tpu.memory_space<vmem_shared>>)
      %dma_wait3A_344 = arith.constant 0 : i32
      %dma_wait3A_345 = tpu.memref_slice %arg15[%add3A_279, %dma_wait3A_344] : memref<10240x128xf32, #tpu.memory_space<vmem_shared>> -> memref<64x128xf32, #tpu.memory_space<vmem_shared>>
      %dma_wait3A_346 = arith.constant 0 : i32
      %dma_wait3A_347 = tpu.memref_slice %arg15[%add3A_279, %dma_wait3A_346] : memref<10240x128xf32, #tpu.memory_space<vmem_shared>> -> memref<64x128xf32, #tpu.memory_space<vmem_shared>>
      tpu.wait_dma2 semaphore(%arg19 : memref<!tpu.dma_semaphore, #tpu.memory_space<semaphore_mem>>) src(%arg14 : memref<64x128xf32, #tpu.memory_space<vmem>>) dst(%dma_wait3A_347 : memref<64x128xf32, #tpu.memory_space<vmem_shared>>)
      %dma_wait3A_348 = arith.constant 0 : i32
      %dma_wait3A_349 = tpu.memref_slice %arg15[%add3A_287, %dma_wait3A_348] : memref<10240x128xf32, #tpu.memory_space<vmem_shared>> -> memref<64x128xf32, #tpu.memory_space<vmem_shared>>
      %dma_wait3A_350 = arith.constant 0 : i32
      %dma_wait3A_351 = tpu.memref_slice %arg15[%add3A_287, %dma_wait3A_350] : memref<10240x128xf32, #tpu.memory_space<vmem_shared>> -> memref<64x128xf32, #tpu.memory_space<vmem_shared>>
      tpu.wait_dma2 semaphore(%arg19 : memref<!tpu.dma_semaphore, #tpu.memory_space<semaphore_mem>>) src(%arg14 : memref<64x128xf32, #tpu.memory_space<vmem>>) dst(%dma_wait3A_351 : memref<64x128xf32, #tpu.memory_space<vmem_shared>>)
      %dma_wait3A_352 = arith.constant 0 : i32
      %dma_wait3A_353 = tpu.memref_slice %arg15[%add3A_295, %dma_wait3A_352] : memref<10240x128xf32, #tpu.memory_space<vmem_shared>> -> memref<64x128xf32, #tpu.memory_space<vmem_shared>>
      %dma_wait3A_354 = arith.constant 0 : i32
      %dma_wait3A_355 = tpu.memref_slice %arg15[%add3A_295, %dma_wait3A_354] : memref<10240x128xf32, #tpu.memory_space<vmem_shared>> -> memref<64x128xf32, #tpu.memory_space<vmem_shared>>
      tpu.wait_dma2 semaphore(%arg19 : memref<!tpu.dma_semaphore, #tpu.memory_space<semaphore_mem>>) src(%arg14 : memref<64x128xf32, #tpu.memory_space<vmem>>) dst(%dma_wait3A_355 : memref<64x128xf32, #tpu.memory_space<vmem_shared>>)
      %dma_wait3A_356 = arith.constant 0 : i32
      %dma_wait3A_357 = tpu.memref_slice %arg15[%add3A_303, %dma_wait3A_356] : memref<10240x128xf32, #tpu.memory_space<vmem_shared>> -> memref<64x128xf32, #tpu.memory_space<vmem_shared>>
      %dma_wait3A_358 = arith.constant 0 : i32
      %dma_wait3A_359 = tpu.memref_slice %arg15[%add3A_303, %dma_wait3A_358] : memref<10240x128xf32, #tpu.memory_space<vmem_shared>> -> memref<64x128xf32, #tpu.memory_space<vmem_shared>>
      tpu.wait_dma2 semaphore(%arg19 : memref<!tpu.dma_semaphore, #tpu.memory_space<semaphore_mem>>) src(%arg14 : memref<64x128xf32, #tpu.memory_space<vmem>>) dst(%dma_wait3A_359 : memref<64x128xf32, #tpu.memory_space<vmem_shared>>)
      %dma_wait3A_360 = arith.constant 0 : i32
      %dma_wait3A_361 = tpu.memref_slice %arg15[%add3A_311, %dma_wait3A_360] : memref<10240x128xf32, #tpu.memory_space<vmem_shared>> -> memref<64x128xf32, #tpu.memory_space<vmem_shared>>
      %dma_wait3A_362 = arith.constant 0 : i32
      %dma_wait3A_363 = tpu.memref_slice %arg15[%add3A_311, %dma_wait3A_362] : memref<10240x128xf32, #tpu.memory_space<vmem_shared>> -> memref<64x128xf32, #tpu.memory_space<vmem_shared>>
      tpu.wait_dma2 semaphore(%arg19 : memref<!tpu.dma_semaphore, #tpu.memory_space<semaphore_mem>>) src(%arg14 : memref<64x128xf32, #tpu.memory_space<vmem>>) dst(%dma_wait3A_363 : memref<64x128xf32, #tpu.memory_space<vmem_shared>>)
      %dma_wait3A_364 = arith.constant 0 : i32
      %dma_wait3A_365 = tpu.memref_slice %arg15[%add3A_319, %dma_wait3A_364] : memref<10240x128xf32, #tpu.memory_space<vmem_shared>> -> memref<64x128xf32, #tpu.memory_space<vmem_shared>>
      %dma_wait3A_366 = arith.constant 0 : i32
      %dma_wait3A_367 = tpu.memref_slice %arg15[%add3A_319, %dma_wait3A_366] : memref<10240x128xf32, #tpu.memory_space<vmem_shared>> -> memref<64x128xf32, #tpu.memory_space<vmem_shared>>
      tpu.wait_dma2 semaphore(%arg19 : memref<!tpu.dma_semaphore, #tpu.memory_space<semaphore_mem>>) src(%arg14 : memref<64x128xf32, #tpu.memory_space<vmem>>) dst(%dma_wait3A_367 : memref<64x128xf32, #tpu.memory_space<vmem_shared>>)
      %dma_wait3A_368 = arith.constant 0 : i32
      %dma_wait3A_369 = tpu.memref_slice %arg15[%add3A_327, %dma_wait3A_368] : memref<10240x128xf32, #tpu.memory_space<vmem_shared>> -> memref<64x128xf32, #tpu.memory_space<vmem_shared>>
      %dma_wait3A_370 = arith.constant 0 : i32
      %dma_wait3A_371 = tpu.memref_slice %arg15[%add3A_327, %dma_wait3A_370] : memref<10240x128xf32, #tpu.memory_space<vmem_shared>> -> memref<64x128xf32, #tpu.memory_space<vmem_shared>>
      tpu.wait_dma2 semaphore(%arg19 : memref<!tpu.dma_semaphore, #tpu.memory_space<semaphore_mem>>) src(%arg14 : memref<64x128xf32, #tpu.memory_space<vmem>>) dst(%dma_wait3A_371 : memref<64x128xf32, #tpu.memory_space<vmem_shared>>)
      %barrier3A_372 = arith.constant 0 : index
      tpu.barrier barrier_id(%barrier3A_372)
      %mul3A_373 = arith.constant 2 : i32
      %mul3A_374 = arith.muli %arg1, %mul3A_373 : i32
      %add3A_375 = arith.constant 48 : i32
      %add3A_376 = arith.addi %add3A_375, %mul3A_374 : i32
      %add3A_377 = arith.constant 0 : i32
      %add3A_378 = arith.addi %add3A_376, %add3A_377 : i32
      %mul3A_379 = arith.constant 128 : i32
      %mul3A_380 = arith.muli %add3A_378, %mul3A_379 : i32
      %mul3A_381 = arith.constant 2 : i32
      %mul3A_382 = arith.muli %arg1, %mul3A_381 : i32
      %add3A_383 = arith.constant 48 : i32
      %add3A_384 = arith.addi %add3A_383, %mul3A_382 : i32
      %add3A_385 = arith.constant 1 : i32
      %add3A_386 = arith.addi %add3A_384, %add3A_385 : i32
      %mul3A_387 = arith.constant 128 : i32
      %mul3A_388 = arith.muli %add3A_386, %mul3A_387 : i32
      %dma_start3A_389 = arith.constant 0 : i32
      %dma_start3A_390 = tpu.memref_slice %arg4[%mul3A_380, %dma_start3A_389] : memref<10240x128xf32, #tpu.memory_space<hbm>> -> memref<128x128xf32, #tpu.memory_space<hbm>>
      %dma_start3A_391 = arith.constant 0 : i32
      %dma_start3A_392 = tpu.memref_slice %arg4[%mul3A_380, %dma_start3A_391] : memref<10240x128xf32, #tpu.memory_space<hbm>> -> memref<128x128xf32, #tpu.memory_space<hbm>>
      tpu.enqueue_dma source(%dma_start3A_392 : memref<128x128xf32, #tpu.memory_space<hbm>>) target(%arg10 : memref<128x128xf32, #tpu.memory_space<vmem>>) target_semaphore(%arg16 : memref<!tpu.dma_semaphore, #tpu.memory_space<semaphore_mem>>)
      %dma_start3A_393 = tpu.memref_slice %arg5[%mul3A_380] : memref<10240xi32, #tpu.memory_space<hbm>> -> memref<128xi32, #tpu.memory_space<hbm>>
      %dma_start3A_394 = tpu.memref_slice %arg5[%mul3A_380] : memref<10240xi32, #tpu.memory_space<hbm>> -> memref<128xi32, #tpu.memory_space<hbm>>
      tpu.enqueue_dma source(%dma_start3A_394 : memref<128xi32, #tpu.memory_space<hbm>>) target(%arg12 : memref<128xi32, #tpu.memory_space<vmem>>) target_semaphore(%arg16 : memref<!tpu.dma_semaphore, #tpu.memory_space<semaphore_mem>>)
      %dma_start3A_395 = arith.constant 0 : i32
      %dma_start3A_396 = tpu.memref_slice %arg4[%mul3A_388, %dma_start3A_395] : memref<10240x128xf32, #tpu.memory_space<hbm>> -> memref<128x128xf32, #tpu.memory_space<hbm>>
      %dma_start3A_397 = arith.constant 0 : i32
      %dma_start3A_398 = tpu.memref_slice %arg4[%mul3A_388, %dma_start3A_397] : memref<10240x128xf32, #tpu.memory_space<hbm>> -> memref<128x128xf32, #tpu.memory_space<hbm>>
      tpu.enqueue_dma source(%dma_start3A_398 : memref<128x128xf32, #tpu.memory_space<hbm>>) target(%arg11 : memref<128x128xf32, #tpu.memory_space<vmem>>) target_semaphore(%arg17 : memref<!tpu.dma_semaphore, #tpu.memory_space<semaphore_mem>>)
      %dma_start3A_399 = tpu.memref_slice %arg5[%mul3A_388] : memref<10240xi32, #tpu.memory_space<hbm>> -> memref<128xi32, #tpu.memory_space<hbm>>
      %dma_start3A_400 = tpu.memref_slice %arg5[%mul3A_388] : memref<10240xi32, #tpu.memory_space<hbm>> -> memref<128xi32, #tpu.memory_space<hbm>>
      tpu.enqueue_dma source(%dma_start3A_400 : memref<128xi32, #tpu.memory_space<hbm>>) target(%arg13 : memref<128xi32, #tpu.memory_space<vmem>>) target_semaphore(%arg17 : memref<!tpu.dma_semaphore, #tpu.memory_space<semaphore_mem>>)
      %dma_wait3A_401 = arith.constant 0 : i32
      %dma_wait3A_402 = tpu.memref_slice %arg4[%mul3A_380, %dma_wait3A_401] : memref<10240x128xf32, #tpu.memory_space<hbm>> -> memref<128x128xf32, #tpu.memory_space<hbm>>
      %dma_wait3A_403 = arith.constant 0 : i32
      %dma_wait3A_404 = tpu.memref_slice %arg4[%mul3A_380, %dma_wait3A_403] : memref<10240x128xf32, #tpu.memory_space<hbm>> -> memref<128x128xf32, #tpu.memory_space<hbm>>
      tpu.wait_dma2 semaphore(%arg16 : memref<!tpu.dma_semaphore, #tpu.memory_space<semaphore_mem>>) src(%dma_wait3A_404 : memref<128x128xf32, #tpu.memory_space<hbm>>) dst(%arg10 : memref<128x128xf32, #tpu.memory_space<vmem>>)
      %dma_wait3A_405 = tpu.memref_slice %arg5[%mul3A_380] : memref<10240xi32, #tpu.memory_space<hbm>> -> memref<128xi32, #tpu.memory_space<hbm>>
      %dma_wait3A_406 = tpu.memref_slice %arg5[%mul3A_380] : memref<10240xi32, #tpu.memory_space<hbm>> -> memref<128xi32, #tpu.memory_space<hbm>>
      tpu.wait_dma2 semaphore(%arg16 : memref<!tpu.dma_semaphore, #tpu.memory_space<semaphore_mem>>) src(%dma_wait3A_406 : memref<128xi32, #tpu.memory_space<hbm>>) dst(%arg12 : memref<128xi32, #tpu.memory_space<vmem>>)
      %dma_start3A_407 = arith.constant 0 : i32
      %dma_start3A_408 = arith.constant 0 : i32
      %dma_start3A_409 = tpu.memref_slice %arg15[%dma_start3A_407, %dma_start3A_408] : memref<10240x128xf32, #tpu.memory_space<vmem_shared>> -> memref<10240x128xf32, #tpu.memory_space<vmem_shared>>
      tpu.enqueue_indirect_dma source(%arg10 : memref<128x128xf32, #tpu.memory_space<vmem>>) target(%dma_start3A_409 : memref<10240x128xf32, #tpu.memory_space<vmem_shared>>) offsets(%arg12 : memref<128xi32, #tpu.memory_space<vmem>>) semaphore(%arg18 : memref<!tpu.dma_semaphore, #tpu.memory_space<semaphore_mem>>) {add = true}
      %dma_wait3A_410 = arith.constant 0 : i32
      %dma_wait3A_411 = tpu.memref_slice %arg4[%mul3A_388, %dma_wait3A_410] : memref<10240x128xf32, #tpu.memory_space<hbm>> -> memref<128x128xf32, #tpu.memory_space<hbm>>
      %dma_wait3A_412 = arith.constant 0 : i32
      %dma_wait3A_413 = tpu.memref_slice %arg4[%mul3A_388, %dma_wait3A_412] : memref<10240x128xf32, #tpu.memory_space<hbm>> -> memref<128x128xf32, #tpu.memory_space<hbm>>
      tpu.wait_dma2 semaphore(%arg17 : memref<!tpu.dma_semaphore, #tpu.memory_space<semaphore_mem>>) src(%dma_wait3A_413 : memref<128x128xf32, #tpu.memory_space<hbm>>) dst(%arg11 : memref<128x128xf32, #tpu.memory_space<vmem>>)
      %dma_wait3A_414 = tpu.memref_slice %arg5[%mul3A_388] : memref<10240xi32, #tpu.memory_space<hbm>> -> memref<128xi32, #tpu.memory_space<hbm>>
      %dma_wait3A_415 = tpu.memref_slice %arg5[%mul3A_388] : memref<10240xi32, #tpu.memory_space<hbm>> -> memref<128xi32, #tpu.memory_space<hbm>>
      tpu.wait_dma2 semaphore(%arg17 : memref<!tpu.dma_semaphore, #tpu.memory_space<semaphore_mem>>) src(%dma_wait3A_415 : memref<128xi32, #tpu.memory_space<hbm>>) dst(%arg13 : memref<128xi32, #tpu.memory_space<vmem>>)
      %dma_start3A_416 = arith.constant 0 : i32
      %dma_start3A_417 = arith.constant 0 : i32
      %dma_start3A_418 = tpu.memref_slice %arg15[%dma_start3A_416, %dma_start3A_417] : memref<10240x128xf32, #tpu.memory_space<vmem_shared>> -> memref<10240x128xf32, #tpu.memory_space<vmem_shared>>
      tpu.enqueue_indirect_dma source(%arg11 : memref<128x128xf32, #tpu.memory_space<vmem>>) target(%dma_start3A_418 : memref<10240x128xf32, #tpu.memory_space<vmem_shared>>) offsets(%arg13 : memref<128xi32, #tpu.memory_space<vmem>>) semaphore(%arg18 : memref<!tpu.dma_semaphore, #tpu.memory_space<semaphore_mem>>) {add = true}
      %dma_wait3A_419 = arith.constant 0 : i32
      %dma_wait3A_420 = arith.constant 0 : i32
      %dma_wait3A_421 = tpu.memref_slice %arg15[%dma_wait3A_419, %dma_wait3A_420] : memref<10240x128xf32, #tpu.memory_space<vmem_shared>> -> memref<10240x128xf32, #tpu.memory_space<vmem_shared>>
      tpu.wait_indirect_dma semaphore(%arg18 : memref<!tpu.dma_semaphore, #tpu.memory_space<semaphore_mem>>) src(%arg10 : memref<128x128xf32, #tpu.memory_space<vmem>>) dst(%dma_wait3A_421 : memref<10240x128xf32, #tpu.memory_space<vmem_shared>>)
      %dma_wait3A_422 = arith.constant 0 : i32
      %dma_wait3A_423 = arith.constant 0 : i32
      %dma_wait3A_424 = tpu.memref_slice %arg15[%dma_wait3A_422, %dma_wait3A_423] : memref<10240x128xf32, #tpu.memory_space<vmem_shared>> -> memref<10240x128xf32, #tpu.memory_space<vmem_shared>>
      tpu.wait_indirect_dma semaphore(%arg18 : memref<!tpu.dma_semaphore, #tpu.memory_space<semaphore_mem>>) src(%arg11 : memref<128x128xf32, #tpu.memory_space<vmem>>) dst(%dma_wait3A_424 : memref<10240x128xf32, #tpu.memory_space<vmem_shared>>)
      %barrier3A_425 = arith.constant 0 : index
      tpu.barrier barrier_id(%barrier3A_425)
      %mul3A_426 = arith.constant 640 : i32
      %mul3A_427 = arith.muli %arg1, %mul3A_426 : i32
      %mul3A_428 = arith.constant 640 : i32
      %mul3A_429 = arith.muli %arg1, %mul3A_428 : i32
      %dma_start3A_430 = arith.constant 0 : i32
      %dma_start3A_431 = tpu.memref_slice %arg9[%mul3A_429, %dma_start3A_430] : memref<10240x128xf32, #tpu.memory_space<hbm>> -> memref<640x128xf32, #tpu.memory_space<hbm>>
      %dma_start3A_432 = arith.constant 0 : i32
      %dma_start3A_433 = tpu.memref_slice %arg15[%mul3A_427, %dma_start3A_432] : memref<10240x128xf32, #tpu.memory_space<vmem_shared>> -> memref<640x128xf32, #tpu.memory_space<vmem_shared>>
      tpu.enqueue_dma source(%dma_start3A_433 : memref<640x128xf32, #tpu.memory_space<vmem_shared>>) target(%dma_start3A_431 : memref<640x128xf32, #tpu.memory_space<hbm>>) target_semaphore(%arg20 : memref<!tpu.dma_semaphore, #tpu.memory_space<semaphore_mem>>)
      %dma_wait3A_434 = arith.constant 0 : i32
      %dma_wait3A_435 = tpu.memref_slice %arg9[%mul3A_429, %dma_wait3A_434] : memref<10240x128xf32, #tpu.memory_space<hbm>> -> memref<640x128xf32, #tpu.memory_space<hbm>>
      %dma_wait3A_436 = arith.constant 0 : i32
      %dma_wait3A_437 = tpu.memref_slice %arg15[%mul3A_427, %dma_wait3A_436] : memref<10240x128xf32, #tpu.memory_space<vmem_shared>> -> memref<640x128xf32, #tpu.memory_space<vmem_shared>>
      tpu.wait_dma2 semaphore(%arg20 : memref<!tpu.dma_semaphore, #tpu.memory_space<semaphore_mem>>) src(%dma_wait3A_437 : memref<640x128xf32, #tpu.memory_space<vmem_shared>>) dst(%dma_wait3A_435 : memref<640x128xf32, #tpu.memory_space<hbm>>)
    } else {
    }
    return
  }
}

#map = affine_map<(d0, d1) -> (0)>
module attributes {stable_mosaic.version = 14 : i64} {
  func.func @_edge_body(%arg0: i32, %arg1: i32, %arg2: memref<10000xf32, #tpu.memory_space<hbm>>, %arg3: memref<10000xf32, #tpu.memory_space<hbm>>, %arg4: memref<163840xi32, #tpu.memory_space<hbm>>, %arg5: memref<163840xi32, #tpu.memory_space<hbm>>, %arg6: memref<163840xf32, #tpu.memory_space<hbm>>, %arg7: memref<10000xf32, #tpu.memory_space<vmem>>, %arg8: memref<10000xf32, #tpu.memory_space<vmem>>, %arg9: memref<5120xi32, #tpu.memory_space<vmem>>, %arg10: memref<5120xi32, #tpu.memory_space<vmem>>, %arg11: memref<5120xf32, #tpu.memory_space<vmem>>, %arg12: memref<!tpu.dma_semaphore, #tpu.memory_space<semaphore_mem>>) attributes {dimension_semantics = [#tpu.dimension_semantics<core_parallel>, #tpu.dimension_semantics<subcore_parallel>], iteration_bounds = array<i64: 2, 16>, scalar_prefetch = 0 : i64, scratch_operands = 6 : i64, tpu.core_type = #tpu.core_type<sc_vector_subcore>, window_params = [{transform_indices = #map}, {transform_indices = #map}, {transform_indices = #map}, {transform_indices = #map}, {transform_indices = #map}]} {
    %mul3A = arith.constant 2 : i32
    %mul3A_0 = arith.muli %arg1, %mul3A : i32
    %add3A = arith.addi %mul3A_0, %arg0 : i32
    %mul3A_1 = arith.constant 5120 : i32
    %mul3A_2 = arith.muli %add3A, %mul3A_1 : i32
    tpu.enqueue_dma source(%arg2 : memref<10000xf32, #tpu.memory_space<hbm>>) target(%arg7 : memref<10000xf32, #tpu.memory_space<vmem>>) target_semaphore(%arg12 : memref<!tpu.dma_semaphore, #tpu.memory_space<semaphore_mem>>)
    tpu.enqueue_dma source(%arg3 : memref<10000xf32, #tpu.memory_space<hbm>>) target(%arg8 : memref<10000xf32, #tpu.memory_space<vmem>>) target_semaphore(%arg12 : memref<!tpu.dma_semaphore, #tpu.memory_space<semaphore_mem>>)
    %dma_start3A = tpu.memref_slice %arg4[%mul3A_2] : memref<163840xi32, #tpu.memory_space<hbm>> -> memref<5120xi32, #tpu.memory_space<hbm>>
    %dma_start3A_3 = tpu.memref_slice %arg4[%mul3A_2] : memref<163840xi32, #tpu.memory_space<hbm>> -> memref<5120xi32, #tpu.memory_space<hbm>>
    tpu.enqueue_dma source(%dma_start3A_3 : memref<5120xi32, #tpu.memory_space<hbm>>) target(%arg9 : memref<5120xi32, #tpu.memory_space<vmem>>) target_semaphore(%arg12 : memref<!tpu.dma_semaphore, #tpu.memory_space<semaphore_mem>>)
    %dma_start3A_4 = tpu.memref_slice %arg5[%mul3A_2] : memref<163840xi32, #tpu.memory_space<hbm>> -> memref<5120xi32, #tpu.memory_space<hbm>>
    %dma_start3A_5 = tpu.memref_slice %arg5[%mul3A_2] : memref<163840xi32, #tpu.memory_space<hbm>> -> memref<5120xi32, #tpu.memory_space<hbm>>
    tpu.enqueue_dma source(%dma_start3A_5 : memref<5120xi32, #tpu.memory_space<hbm>>) target(%arg10 : memref<5120xi32, #tpu.memory_space<vmem>>) target_semaphore(%arg12 : memref<!tpu.dma_semaphore, #tpu.memory_space<semaphore_mem>>)
    tpu.wait_dma2 semaphore(%arg12 : memref<!tpu.dma_semaphore, #tpu.memory_space<semaphore_mem>>) src(%arg2 : memref<10000xf32, #tpu.memory_space<hbm>>) dst(%arg7 : memref<10000xf32, #tpu.memory_space<vmem>>)
    tpu.wait_dma2 semaphore(%arg12 : memref<!tpu.dma_semaphore, #tpu.memory_space<semaphore_mem>>) src(%arg3 : memref<10000xf32, #tpu.memory_space<hbm>>) dst(%arg8 : memref<10000xf32, #tpu.memory_space<vmem>>)
    %dma_wait3A = tpu.memref_slice %arg4[%mul3A_2] : memref<163840xi32, #tpu.memory_space<hbm>> -> memref<5120xi32, #tpu.memory_space<hbm>>
    %dma_wait3A_6 = tpu.memref_slice %arg4[%mul3A_2] : memref<163840xi32, #tpu.memory_space<hbm>> -> memref<5120xi32, #tpu.memory_space<hbm>>
    tpu.wait_dma2 semaphore(%arg12 : memref<!tpu.dma_semaphore, #tpu.memory_space<semaphore_mem>>) src(%dma_wait3A_6 : memref<5120xi32, #tpu.memory_space<hbm>>) dst(%arg9 : memref<5120xi32, #tpu.memory_space<vmem>>)
    %dma_wait3A_7 = tpu.memref_slice %arg5[%mul3A_2] : memref<163840xi32, #tpu.memory_space<hbm>> -> memref<5120xi32, #tpu.memory_space<hbm>>
    %dma_wait3A_8 = tpu.memref_slice %arg5[%mul3A_2] : memref<163840xi32, #tpu.memory_space<hbm>> -> memref<5120xi32, #tpu.memory_space<hbm>>
    tpu.wait_dma2 semaphore(%arg12 : memref<!tpu.dma_semaphore, #tpu.memory_space<semaphore_mem>>) src(%dma_wait3A_8 : memref<5120xi32, #tpu.memory_space<hbm>>) dst(%arg10 : memref<5120xi32, #tpu.memory_space<vmem>>)
    %scan3A = arith.constant 0 : i32
    %scan3A_9 = arith.constant 0 : i32
    %scan3A_10 = arith.constant 320 : i32
    %scan3A_11 = arith.addi %scan3A_9, %scan3A_10 : i32
    %scan3A_12 = arith.constant 1 : i32
    scf.for %scan3A_14 = %scan3A_9 to %scan3A_11 step %scan3A_12  : i32 {
      %mul3A_15 = arith.constant 16 : i32
      %mul3A_16 = arith.muli %scan3A_14, %mul3A_15 : i32
      %get3A = arith.index_cast %mul3A_16 : i32 to index
      %get3A_17 = tpu.vector_load %arg9[%get3A] {strides = array<i32>} : memref<5120xi32, #tpu.memory_space<vmem>>, vector<16xi32>,
      %get3A_18 = arith.index_cast %mul3A_16 : i32 to index
      %get3A_19 = tpu.vector_load %arg10[%get3A_18] {strides = array<i32>} : memref<5120xi32, #tpu.memory_space<vmem>>, vector<16xi32>,
      %gather3A = tpu.vector_load_idx %arg7[%get3A_17] : memref<10000xf32, #tpu.memory_space<vmem>>[vector<16xi32>], vector<16xf32>,
      %gather3A_20 = tpu.vector_load_idx %arg8[%get3A_19] : memref<10000xf32, #tpu.memory_space<vmem>>[vector<16xi32>], vector<16xf32>,
      %add3A_21 = arith.addf %gather3A, %gather3A_20 : vector<16xf32>
      %neg3A = arith.constant 0.000000e+00 : f32
      %neg3A_22 = vector.broadcast %neg3A : f32 to vector<16xf32>
      %neg3A_23 = arith.subf %neg3A_22, %add3A_21 : vector<16xf32>
      %exp3A = math.exp %neg3A_23 : vector<16xf32>
      %add3A_24 = arith.constant 1.000000e+00 : f32
      %add3A_25 = vector.broadcast %add3A_24 : f32 to vector<16xf32>
      %add3A_26 = arith.addf %add3A_25, %exp3A : vector<16xf32>
      %div3A = arith.constant 1.000000e+00 : f32
      %div3A_27 = vector.broadcast %div3A : f32 to vector<16xf32>
      %div3A_28 = arith.divf %div3A_27, %add3A_26 : vector<16xf32>
      %swap3A = arith.index_cast %mul3A_16 : i32 to index
      %swap3A_29 = tpu.vector_load %arg11[%swap3A] {strides = array<i32>} : memref<5120xf32, #tpu.memory_space<vmem>>, vector<16xf32>,
      tpu.vector_store %arg11[%swap3A], %div3A_28 {strides = array<i32>} : memref<5120xf32, #tpu.memory_space<vmem>>, vector<16xf32>,
    }
    %scan3A_13 = arith.constant 320 : i32
    "tpu.region"() ({
      %run_scoped3A = tpu.sem_alloc : memref<!tpu.dma_semaphore, #tpu.memory_space<semaphore_mem>>
      %dma_start3A_14 = tpu.memref_slice %arg6[%mul3A_2] : memref<163840xf32, #tpu.memory_space<hbm>> -> memref<5120xf32, #tpu.memory_space<hbm>>
      %dma_start3A_15 = tpu.memref_slice %arg6[%mul3A_2] : memref<163840xf32, #tpu.memory_space<hbm>> -> memref<5120xf32, #tpu.memory_space<hbm>>
      tpu.enqueue_dma source(%arg11 : memref<5120xf32, #tpu.memory_space<vmem>>) target(%dma_start3A_15 : memref<5120xf32, #tpu.memory_space<hbm>>) target_semaphore(%run_scoped3A : memref<!tpu.dma_semaphore, #tpu.memory_space<semaphore_mem>>)
      %dma_wait3A_16 = tpu.memref_slice %arg6[%mul3A_2] : memref<163840xf32, #tpu.memory_space<hbm>> -> memref<5120xf32, #tpu.memory_space<hbm>>
      %dma_wait3A_17 = tpu.memref_slice %arg6[%mul3A_2] : memref<163840xf32, #tpu.memory_space<hbm>> -> memref<5120xf32, #tpu.memory_space<hbm>>
      tpu.wait_dma2 semaphore(%run_scoped3A : memref<!tpu.dma_semaphore, #tpu.memory_space<semaphore_mem>>) src(%arg11 : memref<5120xf32, #tpu.memory_space<vmem>>) dst(%dma_wait3A_17 : memref<5120xf32, #tpu.memory_space<hbm>>)
      tpu.yield
    }) : () -> ()
    return
  }
}

module attributes {stable_mosaic.version = 14 : i64} {
  func.func @_msgs_body(%arg0: i32, %arg1: memref<1xf32, #tpu.memory_space<smem>>, %arg2: memref<640x258xf32, #tpu.memory_space<vmem>>, %arg3: memref<258x257xf32, #tpu.memory_space<vmem>>, %arg4: memref<1x257xf32, #tpu.memory_space<vmem>>, %arg5: memref<257x128xf32, #tpu.memory_space<vmem>>, %arg6: memref<257x128xf32, #tpu.memory_space<vmem>>, %arg7: memref<257x128xf32, #tpu.memory_space<vmem>>, %arg8: memref<640x128xf32, #tpu.memory_space<vmem>>, %arg9: memref<640x128xf32, #tpu.memory_space<vmem>>, %arg10: memref<640x128xf32, #tpu.memory_space<vmem>>) attributes {dimension_semantics = [#tpu.dimension_semantics<arbitrary>], iteration_bounds = array<i64: 16>, scalar_prefetch = 0 : i64, scratch_operands = 0 : i64, tpu.core_type = #tpu.core_type<tc>, window_params = [{transform_indices = @transform_0, window_bounds = array<i64: 1>}, {transform_indices = @transform_1, window_bounds = array<i64: 640, 258>}, {pipeline_mode = #tpu.pipeline_mode<synchronous>, transform_indices = @transform_2, window_bounds = array<i64: 258, 257>}, {pipeline_mode = #tpu.pipeline_mode<synchronous>, transform_indices = @transform_3, window_bounds = array<i64: 1, 257>}, {pipeline_mode = #tpu.pipeline_mode<synchronous>, transform_indices = @transform_4, window_bounds = array<i64: 257, 128>}, {pipeline_mode = #tpu.pipeline_mode<synchronous>, transform_indices = @transform_5, window_bounds = array<i64: 257, 128>}, {pipeline_mode = #tpu.pipeline_mode<synchronous>, transform_indices = @transform_6, window_bounds = array<i64: 257, 128>}, {transform_indices = @transform_7, window_bounds = array<i64: 640, 128>}, {transform_indices = @transform_8, window_bounds = array<i64: 640, 128>}, {transform_indices = @transform_9, window_bounds = array<i64: 640, 128>}]} {
    %get3A = arith.constant 0 : index
    %get3A_0 = memref.load %arg1[%get3A] : memref<1xf32, #tpu.memory_space<smem>>
    %get3A_1 = arith.constant 0 : index
    %get3A_2 = arith.constant 0 : index
    %get3A_3 = vector.load %arg2[%get3A_1, %get3A_2] : memref<640x258xf32, #tpu.memory_space<vmem>>, vector<640x258xf32>
    %get3A_4 = arith.constant 0 : index
    %get3A_5 = arith.constant 0 : index
    %get3A_6 = vector.load %arg3[%get3A_4, %get3A_5] : memref<258x257xf32, #tpu.memory_space<vmem>>, vector<258x257xf32>
    %dot_general3A = arith.constant dense<0.000000e+00> : vector<640x257xf32>
    %dot_general3A_7 = tpu.matmul %get3A_3, %get3A_6, %dot_general3A {dimension_numbers = #tpu.dot_dimension_numbers<[1], [0], [0], [1], [0, 0, 1, 1], [], []>, transpose_lhs_hint = false} : vector<640x258xf32>, vector<258x257xf32>, vector<640x257xf32> -> vector<640x257xf32>
    %get3A_8 = arith.constant 0 : index
    %get3A_9 = arith.constant 0 : index
    %get3A_10 = vector.load %arg4[%get3A_8, %get3A_9] : memref<1x257xf32, #tpu.memory_space<vmem>>, vector<1x257xf32>
    %mul3A = vector.broadcast %get3A_0 : f32 to vector<1x257xf32>
    %mul3A_11 = arith.mulf %mul3A, %get3A_10 : vector<1x257xf32>
    %add3A = vector.broadcast %mul3A_11 : vector<1x257xf32> to vector<640x257xf32>
    %add3A_12 = arith.addf %dot_general3A_7, %add3A : vector<640x257xf32>
    %max3A = arith.constant 0.000000e+00 : f32
    %max3A_13 = vector.broadcast %max3A : f32 to vector<640x257xf32>
    %max3A_14 = arith.maximumf %add3A_12, %max3A_13 : vector<640x257xf32>
    %get3A_15 = arith.constant 0 : index
    %get3A_16 = arith.constant 0 : index
    %get3A_17 = vector.load %arg5[%get3A_15, %get3A_16] : memref<257x128xf32, #tpu.memory_space<vmem>>, vector<257x128xf32>
    %dot_general3A_18 = arith.constant dense<0.000000e+00> : vector<640x128xf32>
    %dot_general3A_19 = tpu.matmul %max3A_14, %get3A_17, %dot_general3A_18 {dimension_numbers = #tpu.dot_dimension_numbers<[1], [0], [0], [1], [0, 0, 1, 1], [], []>, transpose_lhs_hint = false} : vector<640x257xf32>, vector<257x128xf32>, vector<640x128xf32> -> vector<640x128xf32>
    %swap3A = arith.constant 0 : index
    %swap3A_20 = arith.constant 0 : index
    %swap3A_21 = vector.load %arg8[%swap3A, %swap3A_20] : memref<640x128xf32, #tpu.memory_space<vmem>>, vector<640x128xf32>
    tpu.vector_store %arg8[%swap3A, %swap3A_20], %dot_general3A_19 {strides = array<i32>} : memref<640x128xf32, #tpu.memory_space<vmem>>, vector<640x128xf32>,
    %get3A_22 = arith.constant 0 : index
    %get3A_23 = arith.constant 0 : index
    %get3A_24 = vector.load %arg6[%get3A_22, %get3A_23] : memref<257x128xf32, #tpu.memory_space<vmem>>, vector<257x128xf32>
    %dot_general3A_25 = arith.constant dense<0.000000e+00> : vector<640x128xf32>
    %dot_general3A_26 = tpu.matmul %max3A_14, %get3A_24, %dot_general3A_25 {dimension_numbers = #tpu.dot_dimension_numbers<[1], [0], [0], [1], [0, 0, 1, 1], [], []>, transpose_lhs_hint = false} : vector<640x257xf32>, vector<257x128xf32>, vector<640x128xf32> -> vector<640x128xf32>
    %swap3A_27 = arith.constant 0 : index
    %swap3A_28 = arith.constant 0 : index
    %swap3A_29 = vector.load %arg9[%swap3A_27, %swap3A_28] : memref<640x128xf32, #tpu.memory_space<vmem>>, vector<640x128xf32>
    tpu.vector_store %arg9[%swap3A_27, %swap3A_28], %dot_general3A_26 {strides = array<i32>} : memref<640x128xf32, #tpu.memory_space<vmem>>, vector<640x128xf32>,
    %get3A_30 = arith.constant 0 : index
    %get3A_31 = arith.constant 0 : index
    %get3A_32 = vector.load %arg7[%get3A_30, %get3A_31] : memref<257x128xf32, #tpu.memory_space<vmem>>, vector<257x128xf32>
    %dot_general3A_33 = arith.constant dense<0.000000e+00> : vector<640x128xf32>
    %dot_general3A_34 = tpu.matmul %max3A_14, %get3A_32, %dot_general3A_33 {dimension_numbers = #tpu.dot_dimension_numbers<[1], [0], [0], [1], [0, 0, 1, 1], [], []>, transpose_lhs_hint = false} : vector<640x257xf32>, vector<257x128xf32>, vector<640x128xf32> -> vector<640x128xf32>
    %swap3A_35 = arith.constant 0 : index
    %swap3A_36 = arith.constant 0 : index
    %swap3A_37 = vector.load %arg10[%swap3A_35, %swap3A_36] : memref<640x128xf32, #tpu.memory_space<vmem>>, vector<640x128xf32>
    tpu.vector_store %arg10[%swap3A_35, %swap3A_36], %dot_general3A_34 {strides = array<i32>} : memref<640x128xf32, #tpu.memory_space<vmem>>, vector<640x128xf32>,
    return
  }
  func.func @transform_0(%arg0: i32) -> i32 {
    %c0_i32 = arith.constant 0 : i32
    %c0_i32_0 = arith.constant 0 : i32
    return %c0_i32 : i32
  }
  func.func @transform_1(%arg0: i32) -> (i32, i32) {
    %c0_i32 = arith.constant 0 : i32
    %c0_i32_0 = arith.constant 0 : i32
    return %arg0, %c0_i32 : i32, i32
  }
  func.func @transform_2(%arg0: i32) -> (i32, i32) {
    %c0_i32 = arith.constant 0 : i32
    %c0_i32_0 = arith.constant 0 : i32
    %c0_i32_1 = arith.constant 0 : i32
    return %c0_i32, %c0_i32_0 : i32, i32
  }
  func.func @transform_3(%arg0: i32) -> (i32, i32) {
    %c0_i32 = arith.constant 0 : i32
    %c0_i32_0 = arith.constant 0 : i32
    %c0_i32_1 = arith.constant 0 : i32
    return %c0_i32, %c0_i32_0 : i32, i32
  }
  func.func @transform_4(%arg0: i32) -> (i32, i32) {
    %c0_i32 = arith.constant 0 : i32
    %c0_i32_0 = arith.constant 0 : i32
    %c0_i32_1 = arith.constant 0 : i32
    return %c0_i32, %c0_i32_0 : i32, i32
  }
  func.func @transform_5(%arg0: i32) -> (i32, i32) {
    %c0_i32 = arith.constant 0 : i32
    %c0_i32_0 = arith.constant 0 : i32
    %c0_i32_1 = arith.constant 0 : i32
    return %c0_i32, %c0_i32_0 : i32, i32
  }
  func.func @transform_6(%arg0: i32) -> (i32, i32) {
    %c0_i32 = arith.constant 0 : i32
    %c0_i32_0 = arith.constant 0 : i32
    %c0_i32_1 = arith.constant 0 : i32
    return %c0_i32, %c0_i32_0 : i32, i32
  }
  func.func @transform_7(%arg0: i32) -> (i32, i32) {
    %c0_i32 = arith.constant 0 : i32
    %c0_i32_0 = arith.constant 0 : i32
    return %arg0, %c0_i32 : i32, i32
  }
  func.func @transform_8(%arg0: i32) -> (i32, i32) {
    %c0_i32 = arith.constant 0 : i32
    %c0_i32_0 = arith.constant 0 : i32
    return %arg0, %c0_i32 : i32, i32
  }
  func.func @transform_9(%arg0: i32) -> (i32, i32) {
    %c0_i32 = arith.constant 0 : i32
    %c0_i32_0 = arith.constant 0 : i32
    return %arg0, %c0_i32 : i32, i32
  }
}

module attributes {stable_mosaic.version = 14 : i64} {
  func.func @_gru_emb_body(%arg0: i32, %arg1: memref<2048x128xf32, #tpu.memory_space<vmem>>, %arg2: memref<2048x128xf32, #tpu.memory_space<vmem>>, %arg3: memref<2048x128xf32, #tpu.memory_space<vmem>>, %arg4: memref<2048x128xf32, #tpu.memory_space<vmem>>, %arg5: memref<2048x128xf32, #tpu.memory_space<vmem>>, %arg6: memref<128x128xf32, #tpu.memory_space<vmem>>, %arg7: memref<128x128xf32, #tpu.memory_space<vmem>>, %arg8: memref<128x128xf32, #tpu.memory_space<vmem>>, %arg9: memref<1x128xf32, #tpu.memory_space<vmem>>, %arg10: memref<1x128xf32, #tpu.memory_space<vmem>>, %arg11: memref<1x128xf32, #tpu.memory_space<vmem>>, %arg12: memref<512x10000xi8, #tpu.memory_space<vmem>>, %arg13: memref<128x128xf32, #tpu.memory_space<vmem>>, %arg14: memref<128x128xf32, #tpu.memory_space<vmem>>, %arg15: memref<128x1xf32, #tpu.memory_space<vmem>>, %arg16: memref<128x512xf32, #tpu.memory_space<vmem>>, %arg17: memref<10240x128xf32, #tpu.memory_space<vmem>>) attributes {dimension_semantics = [#tpu.dimension_semantics<arbitrary>], iteration_bounds = array<i64: 25>, scalar_prefetch = 0 : i64, scratch_operands = 1 : i64, tpu.core_type = #tpu.core_type<tc>, window_params = [{transform_indices = @transform_0, window_bounds = array<i64: 2048, 128>}, {transform_indices = @transform_1, window_bounds = array<i64: 2048, 128>}, {transform_indices = @transform_2, window_bounds = array<i64: 2048, 128>}, {transform_indices = @transform_3, window_bounds = array<i64: 2048, 128>}, {transform_indices = @transform_4, window_bounds = array<i64: 2048, 128>}, {pipeline_mode = #tpu.pipeline_mode<synchronous>, transform_indices = @transform_5, window_bounds = array<i64: 128, 128>}, {pipeline_mode = #tpu.pipeline_mode<synchronous>, transform_indices = @transform_6, window_bounds = array<i64: 128, 128>}, {pipeline_mode = #tpu.pipeline_mode<synchronous>, transform_indices = @transform_7, window_bounds = array<i64: 128, 128>}, {pipeline_mode = #tpu.pipeline_mode<synchronous>, transform_indices = @transform_8, window_bounds = array<i64: 1, 128>}, {pipeline_mode = #tpu.pipeline_mode<synchronous>, transform_indices = @transform_9, window_bounds = array<i64: 1, 128>}, {pipeline_mode = #tpu.pipeline_mode<synchronous>, transform_indices = @transform_10, window_bounds = array<i64: 1, 128>}, {transform_indices = @transform_11, window_bounds = array<i64: 512, 10000>}, {pipeline_mode = #tpu.pipeline_mode<synchronous>, transform_indices = @transform_12, window_bounds = array<i64: 128, 128>}, {pipeline_mode = #tpu.pipeline_mode<synchronous>, transform_indices = @transform_13, window_bounds = array<i64: 128, 128>}, {pipeline_mode = #tpu.pipeline_mode<synchronous>, transform_indices = @transform_14, window_bounds = array<i64: 128, 1>}, {transform_indices = @transform_15, window_bounds = array<i64: 128, 512>}]} {
    %lt3A = arith.constant 5 : i32
    %lt3A_0 = arith.cmpi slt, %arg0, %lt3A : i32
    %convert_element_type3A = arith.extui %lt3A_0 : i1 to i32
    %cond3A = arith.constant 0 : i32
    %cond3A_1 = arith.cmpi ne, %convert_element_type3A, %cond3A : i32
    scf.if %cond3A_1 {
      %get3A = arith.constant 0 : index
      %get3A_6 = arith.constant 0 : index
      %get3A_7 = vector.load %arg5[%get3A, %get3A_6] : memref<2048x128xf32, #tpu.memory_space<vmem>>, vector<2048x128xf32>
      %get3A_8 = arith.constant 0 : index
      %get3A_9 = arith.constant 0 : index
      %get3A_10 = vector.load %arg1[%get3A_8, %get3A_9] : memref<2048x128xf32, #tpu.memory_space<vmem>>, vector<2048x128xf32>
      %get3A_11 = arith.constant 0 : index
      %get3A_12 = arith.constant 0 : index
      %get3A_13 = vector.load %arg6[%get3A_11, %get3A_12] : memref<128x128xf32, #tpu.memory_space<vmem>>, vector<128x128xf32>
      %dot_general3A = arith.constant dense<0.000000e+00> : vector<2048x128xf32>
      %dot_general3A_14 = tpu.matmul %get3A_7, %get3A_13, %dot_general3A {dimension_numbers = #tpu.dot_dimension_numbers<[1], [0], [0], [1], [0, 0, 1, 1], [], []>, transpose_lhs_hint = false} : vector<2048x128xf32>, vector<128x128xf32>, vector<2048x128xf32> -> vector<2048x128xf32>
      %add3A = arith.addf %get3A_10, %dot_general3A_14 : vector<2048x128xf32>
      %get3A_15 = arith.constant 0 : index
      %get3A_16 = arith.constant 0 : index
      %get3A_17 = vector.load %arg9[%get3A_15, %get3A_16] : memref<1x128xf32, #tpu.memory_space<vmem>>, vector<1x128xf32>
      %add3A_18 = vector.broadcast %get3A_17 : vector<1x128xf32> to vector<2048x128xf32>
      %add3A_19 = arith.addf %add3A, %add3A_18 : vector<2048x128xf32>
      %logistic3A = arith.negf %add3A_19 : vector<2048x128xf32>
      %logistic3A_20 = math.exp %logistic3A : vector<2048x128xf32>
      %logistic3A_21 = arith.constant 1.000000e+00 : f32
      %logistic3A_22 = vector.broadcast %logistic3A_21 : f32 to vector<2048x128xf32>
      %logistic3A_23 = arith.addf %logistic3A_22, %logistic3A_20 : vector<2048x128xf32>
      %logistic3A_24 = arith.divf %logistic3A_22, %logistic3A_23 : vector<2048x128xf32>
      %get3A_25 = arith.constant 0 : index
      %get3A_26 = arith.constant 0 : index
      %get3A_27 = vector.load %arg2[%get3A_25, %get3A_26] : memref<2048x128xf32, #tpu.memory_space<vmem>>, vector<2048x128xf32>
      %get3A_28 = arith.constant 0 : index
      %get3A_29 = arith.constant 0 : index
      %get3A_30 = vector.load %arg7[%get3A_28, %get3A_29] : memref<128x128xf32, #tpu.memory_space<vmem>>, vector<128x128xf32>
      %dot_general3A_31 = arith.constant dense<0.000000e+00> : vector<2048x128xf32>
      %dot_general3A_32 = tpu.matmul %get3A_7, %get3A_30, %dot_general3A_31 {dimension_numbers = #tpu.dot_dimension_numbers<[1], [0], [0], [1], [0, 0, 1, 1], [], []>, transpose_lhs_hint = false} : vector<2048x128xf32>, vector<128x128xf32>, vector<2048x128xf32> -> vector<2048x128xf32>
      %add3A_33 = arith.addf %get3A_27, %dot_general3A_32 : vector<2048x128xf32>
      %get3A_34 = arith.constant 0 : index
      %get3A_35 = arith.constant 0 : index
      %get3A_36 = vector.load %arg10[%get3A_34, %get3A_35] : memref<1x128xf32, #tpu.memory_space<vmem>>, vector<1x128xf32>
      %add3A_37 = vector.broadcast %get3A_36 : vector<1x128xf32> to vector<2048x128xf32>
      %add3A_38 = arith.addf %add3A_33, %add3A_37 : vector<2048x128xf32>
      %logistic3A_39 = arith.negf %add3A_38 : vector<2048x128xf32>
      %logistic3A_40 = math.exp %logistic3A_39 : vector<2048x128xf32>
      %logistic3A_41 = arith.constant 1.000000e+00 : f32
      %logistic3A_42 = vector.broadcast %logistic3A_41 : f32 to vector<2048x128xf32>
      %logistic3A_43 = arith.addf %logistic3A_42, %logistic3A_40 : vector<2048x128xf32>
      %logistic3A_44 = arith.divf %logistic3A_42, %logistic3A_43 : vector<2048x128xf32>
      %get3A_45 = arith.constant 0 : index
      %get3A_46 = arith.constant 0 : index
      %get3A_47 = vector.load %arg3[%get3A_45, %get3A_46] : memref<2048x128xf32, #tpu.memory_space<vmem>>, vector<2048x128xf32>
      %get3A_48 = arith.constant 0 : index
      %get3A_49 = arith.constant 0 : index
      %get3A_50 = vector.load %arg4[%get3A_48, %get3A_49] : memref<2048x128xf32, #tpu.memory_space<vmem>>, vector<2048x128xf32>
      %add3A_51 = arith.addf %get3A_47, %get3A_50 : vector<2048x128xf32>
      %mul3A = arith.mulf %logistic3A_44, %get3A_7 : vector<2048x128xf32>
      %get3A_52 = arith.constant 0 : index
      %get3A_53 = arith.constant 0 : index
      %get3A_54 = vector.load %arg8[%get3A_52, %get3A_53] : memref<128x128xf32, #tpu.memory_space<vmem>>, vector<128x128xf32>
      %dot_general3A_55 = arith.constant dense<0.000000e+00> : vector<2048x128xf32>
      %dot_general3A_56 = tpu.matmul %mul3A, %get3A_54, %dot_general3A_55 {dimension_numbers = #tpu.dot_dimension_numbers<[1], [0], [0], [1], [0, 0, 1, 1], [], []>, transpose_lhs_hint = false} : vector<2048x128xf32>, vector<128x128xf32>, vector<2048x128xf32> -> vector<2048x128xf32>
      %add3A_57 = arith.addf %add3A_51, %dot_general3A_56 : vector<2048x128xf32>
      %get3A_58 = arith.constant 0 : index
      %get3A_59 = arith.constant 0 : index
      %get3A_60 = vector.load %arg11[%get3A_58, %get3A_59] : memref<1x128xf32, #tpu.memory_space<vmem>>, vector<1x128xf32>
      %add3A_61 = vector.broadcast %get3A_60 : vector<1x128xf32> to vector<2048x128xf32>
      %add3A_62 = arith.addf %add3A_57, %add3A_61 : vector<2048x128xf32>
      %tanh3A = math.tanh %add3A_62 : vector<2048x128xf32>
      %sub3A = arith.subf %tanh3A, %get3A_7 : vector<2048x128xf32>
      %mul3A_63 = arith.mulf %logistic3A_24, %sub3A : vector<2048x128xf32>
      %add3A_64 = arith.addf %get3A_7, %mul3A_63 : vector<2048x128xf32>
      %mul3A_65 = arith.constant 2048 : i32
      %mul3A_66 = arith.muli %arg0, %mul3A_65 : i32
      %swap3A = arith.index_cast %mul3A_66 : i32 to index
      %swap3A_67 = arith.constant 0 : index
      %swap3A_68 = vector.load %arg17[%swap3A, %swap3A_67] : memref<10240x128xf32, #tpu.memory_space<vmem>>, vector<2048x128xf32>
      tpu.vector_store %arg17[%swap3A, %swap3A_67], %add3A_64 {strides = array<i32>} : memref<10240x128xf32, #tpu.memory_space<vmem>>, vector<2048x128xf32>,
    } else {
    }
    %ge3A = arith.constant 5 : i32
    %ge3A_2 = arith.cmpi sge, %arg0, %ge3A : i32
    %convert_element_type3A_3 = arith.extui %ge3A_2 : i1 to i32
    %cond3A_4 = arith.constant 0 : i32
    %cond3A_5 = arith.cmpi ne, %convert_element_type3A_3, %cond3A_4 : i32
    scf.if %cond3A_5 {
      %sub3A = arith.constant 5 : i32
      %sub3A_6 = arith.subi %arg0, %sub3A : i32
      %get3A = arith.constant 0 : index
      %get3A_7 = arith.constant 0 : index
      %get3A_8 = vector.load %arg17[%get3A, %get3A_7] : memref<10240x128xf32, #tpu.memory_space<vmem>>, vector<10240x128xf32>
      %get3A_9 = arith.constant 0 : index
      %get3A_10 = arith.constant 0 : index
      %get3A_11 = vector.load %arg12[%get3A_9, %get3A_10] : memref<512x10000xi8, #tpu.memory_space<vmem>>, vector<512x10000xi8>
      %convert_element_type3A_12 = arith.sitofp %get3A_11 : vector<512x10000xi8> to vector<512x10000xf32>
      %slice3A = vector.extract_strided_slice %get3A_8 {offsets = [0, 0], sizes = [10000, 128], strides = [1, 1]} : vector<10240x128xf32> to vector<10000x128xf32>
      %dot_general3A = arith.constant dense<0.000000e+00> : vector<512x128xf32>
      %dot_general3A_13 = tpu.matmul %convert_element_type3A_12, %slice3A, %dot_general3A {dimension_numbers = #tpu.dot_dimension_numbers<[1], [0], [0], [1], [0, 0, 1, 1], [], []>, transpose_lhs_hint = false} : vector<512x10000xf32>, vector<10000x128xf32>, vector<512x128xf32> -> vector<512x128xf32>
      %mul3A = arith.constant 512 : i32
      %mul3A_14 = arith.muli %sub3A_6, %mul3A : i32
      %get3A_15 = arith.index_cast %mul3A_14 : i32 to index
      %get3A_16 = arith.constant 0 : index
      %get3A_17 = vector.load %arg17[%get3A_15, %get3A_16] : memref<10240x128xf32, #tpu.memory_space<vmem>>, vector<512x128xf32>
      %add3A = arith.addf %dot_general3A_13, %get3A_17 : vector<512x128xf32>
      %get3A_18 = arith.constant 0 : index
      %get3A_19 = arith.constant 0 : index
      %get3A_20 = vector.load %arg13[%get3A_18, %get3A_19] : memref<128x128xf32, #tpu.memory_space<vmem>>, vector<128x128xf32>
      %dot_general3A_21 = arith.constant dense<0.000000e+00> : vector<512x128xf32>
      %dot_general3A_22 = tpu.matmul %add3A, %get3A_20, %dot_general3A_21 {dimension_numbers = #tpu.dot_dimension_numbers<[1], [0], [0], [1], [0, 0, 1, 1], [], []>, transpose_lhs_hint = false} : vector<512x128xf32>, vector<128x128xf32>, vector<512x128xf32> -> vector<512x128xf32>
      %tanh3A = math.tanh %dot_general3A_22 : vector<512x128xf32>
      %get3A_23 = arith.constant 0 : index
      %get3A_24 = arith.constant 0 : index
      %get3A_25 = vector.load %arg14[%get3A_23, %get3A_24] : memref<128x128xf32, #tpu.memory_space<vmem>>, vector<128x128xf32>
      %dot_general3A_26 = arith.constant dense<0.000000e+00> : vector<128x512xf32>
      %dot_general3A_27 = tpu.matmul %get3A_25, %tanh3A, %dot_general3A_26 {dimension_numbers = #tpu.dot_dimension_numbers<[0], [1], [1], [0], [0, 1, 1, 0], [], []>, transpose_lhs_hint = false} : vector<128x128xf32>, vector<512x128xf32>, vector<128x512xf32> -> vector<128x512xf32>
      %get3A_28 = arith.constant 0 : index
      %get3A_29 = arith.constant 0 : index
      %get3A_30 = vector.load %arg15[%get3A_28, %get3A_29] : memref<128x1xf32, #tpu.memory_space<vmem>>, vector<128x1xf32>
      %add3A_31 = vector.broadcast %get3A_30 : vector<128x1xf32> to vector<128x512xf32>
      %add3A_32 = arith.addf %dot_general3A_27, %add3A_31 : vector<128x512xf32>
      %swap3A = arith.constant 0 : index
      %swap3A_33 = arith.constant 0 : index
      %swap3A_34 = vector.load %arg16[%swap3A, %swap3A_33] : memref<128x512xf32, #tpu.memory_space<vmem>>, vector<128x512xf32>
      tpu.vector_store %arg16[%swap3A, %swap3A_33], %add3A_32 {strides = array<i32>} : memref<128x512xf32, #tpu.memory_space<vmem>>, vector<128x512xf32>,
    } else {
    }
    return
  }
  func.func @transform_0(%arg0: i32) -> (i32, i32) {
    %min3A = arith.constant 4 : i32
    %min3A_0 = arith.minsi %arg0, %min3A : i32
    %c0_i32 = arith.constant 0 : i32
    %c0_i32_1 = arith.constant 0 : i32
    return %min3A_0, %c0_i32 : i32, i32
  }
  func.func @transform_1(%arg0: i32) -> (i32, i32) {
    %min3A = arith.constant 4 : i32
    %min3A_0 = arith.minsi %arg0, %min3A : i32
    %c0_i32 = arith.constant 0 : i32
    %c0_i32_1 = arith.constant 0 : i32
    return %min3A_0, %c0_i32 : i32, i32
  }
  func.func @transform_2(%arg0: i32) -> (i32, i32) {
    %min3A = arith.constant 4 : i32
    %min3A_0 = arith.minsi %arg0, %min3A : i32
    %c0_i32 = arith.constant 0 : i32
    %c0_i32_1 = arith.constant 0 : i32
    return %min3A_0, %c0_i32 : i32, i32
  }
  func.func @transform_3(%arg0: i32) -> (i32, i32) {
    %min3A = arith.constant 4 : i32
    %min3A_0 = arith.minsi %arg0, %min3A : i32
    %c0_i32 = arith.constant 0 : i32
    %c0_i32_1 = arith.constant 0 : i32
    return %min3A_0, %c0_i32 : i32, i32
  }
  func.func @transform_4(%arg0: i32) -> (i32, i32) {
    %min3A = arith.constant 4 : i32
    %min3A_0 = arith.minsi %arg0, %min3A : i32
    %c0_i32 = arith.constant 0 : i32
    %c0_i32_1 = arith.constant 0 : i32
    return %min3A_0, %c0_i32 : i32, i32
  }
  func.func @transform_5(%arg0: i32) -> (i32, i32) {
    %c0_i32 = arith.constant 0 : i32
    %c0_i32_0 = arith.constant 0 : i32
    %c0_i32_1 = arith.constant 0 : i32
    return %c0_i32, %c0_i32_0 : i32, i32
  }
  func.func @transform_6(%arg0: i32) -> (i32, i32) {
    %c0_i32 = arith.constant 0 : i32
    %c0_i32_0 = arith.constant 0 : i32
    %c0_i32_1 = arith.constant 0 : i32
    return %c0_i32, %c0_i32_0 : i32, i32
  }
  func.func @transform_7(%arg0: i32) -> (i32, i32) {
    %c0_i32 = arith.constant 0 : i32
    %c0_i32_0 = arith.constant 0 : i32
    %c0_i32_1 = arith.constant 0 : i32
    return %c0_i32, %c0_i32_0 : i32, i32
  }
  func.func @transform_8(%arg0: i32) -> (i32, i32) {
    %c0_i32 = arith.constant 0 : i32
    %c0_i32_0 = arith.constant 0 : i32
    %c0_i32_1 = arith.constant 0 : i32
    return %c0_i32, %c0_i32_0 : i32, i32
  }
  func.func @transform_9(%arg0: i32) -> (i32, i32) {
    %c0_i32 = arith.constant 0 : i32
    %c0_i32_0 = arith.constant 0 : i32
    %c0_i32_1 = arith.constant 0 : i32
    return %c0_i32, %c0_i32_0 : i32, i32
  }
  func.func @transform_10(%arg0: i32) -> (i32, i32) {
    %c0_i32 = arith.constant 0 : i32
    %c0_i32_0 = arith.constant 0 : i32
    %c0_i32_1 = arith.constant 0 : i32
    return %c0_i32, %c0_i32_0 : i32, i32
  }
  func.func @transform_11(%arg0: i32) -> (i32, i32) {
    %sub3A = arith.constant 5 : i32
    %sub3A_0 = arith.subi %arg0, %sub3A : i32
    %max3A = arith.constant 0 : i32
    %max3A_1 = arith.maxsi %sub3A_0, %max3A : i32
    %c0_i32 = arith.constant 0 : i32
    %c0_i32_2 = arith.constant 0 : i32
    return %max3A_1, %c0_i32 : i32, i32
  }
  func.func @transform_12(%arg0: i32) -> (i32, i32) {
    %c0_i32 = arith.constant 0 : i32
    %c0_i32_0 = arith.constant 0 : i32
    %c0_i32_1 = arith.constant 0 : i32
    return %c0_i32, %c0_i32_0 : i32, i32
  }
  func.func @transform_13(%arg0: i32) -> (i32, i32) {
    %c0_i32 = arith.constant 0 : i32
    %c0_i32_0 = arith.constant 0 : i32
    %c0_i32_1 = arith.constant 0 : i32
    return %c0_i32, %c0_i32_0 : i32, i32
  }
  func.func @transform_14(%arg0: i32) -> (i32, i32) {
    %c0_i32 = arith.constant 0 : i32
    %c0_i32_0 = arith.constant 0 : i32
    %c0_i32_1 = arith.constant 0 : i32
    return %c0_i32, %c0_i32_0 : i32, i32
  }
  func.func @transform_15(%arg0: i32) -> (i32, i32) {
    %sub3A = arith.constant 5 : i32
    %sub3A_0 = arith.subi %arg0, %sub3A : i32
    %max3A = arith.constant 0 : i32
    %max3A_1 = arith.maxsi %sub3A_0, %max3A : i32
    %c0_i32 = arith.constant 0 : i32
    %c0_i32_2 = arith.constant 0 : i32
    return %c0_i32, %max3A_1 : i32, i32
  }
}

</mosaic_0001>

<sc_bundles>
// kernel: kernel.6.cloned.1.call-start
scs
__scs_entry_jumppad:
0x0: {  	(pc) =	sbr.rel $0x88, $3  }
0x1: {  	(tag) =	ssettag $0x0;
	lr =	simm.s32 $0x1  }
0x2: {  	[smem:$0x3F8E] =	sst lr;
	_ =	strace $0xD0000000  }
0x3: {  	_ = 	snop  }
0x4: {  	_ = 	snop  }
0x5: {  	_ = 	snop  }
0x6: {  	_ = 	snop  }
0x7: {  	_ = 	snop  }
__scs_overlays_trampoline_lowered:
0x8: {  	[smem:$0x3F9D] =	sst s0  }
0x9: {  	[smem:$0x3F9E] =	sst s1  }
0xa: {  	[smem:$0x3F9F] =	sst s2  }
0xb: {  	[smem:$0x3FA0] =	sst s3  }
0xc: {  	[smem:$0x3FA1] =	sst s4  }
0xd: {  	[smem:$0x3FA2] =	sst s5  }
0xe: {  	[smem:$0x3FA3] =	sst s6  }
0xf: {  	[smem:$0x3FA4] =	sst s7  }
0x10: {  	[smem:$0x3FA5] =	sst s8  }
0x11: {  	[smem:$0x3FA6] =	sst s9;
	s0 =	simm.s32 @!p0 $0x0  }
0x12: {  	s1 =	sld [smem:$0x3F8C];
	s0 =	simm.s32 @p0 $0x1  }
0x13: {  	[smem:$0x3FA7] =	sst s0;
	s0 =	simm.s32 @!p1 $0x0  }
0x14: {  	s2 =	sld [smem:$0x3F8B];
	s0 =	simm.s32 @p1 $0x1  }
0x15: {  	[smem:$0x3FA8] =	sst s0;
	s0 =	simm.s32 @!p2 $0x0  }
0x16: {  	s3 =	sld [smem:$0x3FDB];
	s0 =	simm.s32 @p2 $0x1  }
0x17: {  	s4 =	simm.s32 $0x1BF5;
	[smem:$0x3FAA] =	sst s0  }
0x18: {  	s0 =	sld [smem:$0x3F8D];
	_ =	swait.ge [sflag:s4], $0x0  }
0x19: {  	s7 =	sld [smem:$0x3F8E]  }
0x1a: {  	s8 =	sadd.s32 $0xFFFFE003, lr  }
0x1b: {  	s9 =	sadd.s32 $0xFFFFFEF7, lr;
	s5 =	simm.s32 $0xFFFFFFFF;
	p2 =	slt.u32 s8, $0xFFFFF086  }
0x1c: {  	p1 =	slt.u32 s9, $0xF7A;
	s5 =	simm.s32 @!p2 $0x0  }
0x1d: {  	s5 =	simm.s32 @p1 $0x1;
	p0 =	seq.s32 s7, s2  }
0x1e: {  	s7 =	smul.u32 @!p0 $0xF7A, s2;
	p2 =	seq.s32 @!p0 s5, $0x0  }
0x1f: {  	s9 =	smul.u32 $0xF7A, s1;
	s8 =	simm.s32 @!p0 $0x1BF5;
	p2 =	por !p2, p0  }
0x20: {  	[sflag:s8] =	ssyncset.s32 @!p0 $0xFFFFF086;
	s6 =	sadd.s32 @!p0 s3, s7;
	s7 =	simm.s32 @!p0 $0x108  }
0x21: {  	s3 =	sadd.s32 s3, s9;
	s6 =	sadd.s32 @!p0 $0x88, s6;
	s7 =	simm.s32 @p2 $0x1082  }
0x22: {  	[simem:s7], [sflag:s8] =	dma.local @!p0 [hbm:s6], $0xF7A  }
0x23: {  	s9 =	sor.u32 $0xD0000000, s2;
	s6 =	simm.s32 $0x108;
	_ =	swait.ge @!p0 [sflag:s8], $0x0  }
0x24: {  	s3 =	sadd.s32 $0x88, s3;
	s6 =	simm.s32 @!p1 $0x1082;
	[sflag:s4] =	ssyncset.s32 $0xFFFFF086  }
0x25: {  	[simem:s6], [sflag:s4] =	dma.local [hbm:s3], $0xF7A  }
0x26: {  	[smem:$0x3F8E] =	sst s1;
	(tag) =	ssettag s2;
	_ =	strace s9  }
0x27: {  	s1 =	sld [smem:$0x3F9E]  }
0x28: {  	s2 =	sld [smem:$0x3F9F]  }
0x29: {  	s4 =	sld [smem:$0x3FA1]  }
0x2a: {  	p0 =	seq.s32 s5, $0x0;
	s5 =	sld [smem:$0x3FA2]  }
0x2b: {  	s6 =	sld [smem:$0x3FA3]  }
0x2c: {  	s7 =	sld [smem:$0x3FA4]  }
0x2d: {  	s3 =	simm.s32 $0x108;
	s8 =	sld [smem:$0x3FA5]  }
0x2e: {  	s3 =	simm.s32 @!p0 $0x1082;
	s9 =	sld [smem:$0x3FA6]  }
0x2f: {  	lr =	sadd.s32 s0, s3;
	s0 =	sld [smem:$0x3F9D]  }
0x30: {  	s3 =	sld [smem:$0x3FA0]  }
0x31: {  	[smem:$0x3FA9] =	sst s10  }
0x32: {  	s10 =	sld [smem:$0x3FA7];
	_ =	sdelay $0x3  }
0x33: {  	p0 =	seq.s32 s10, $0x1;
	s10 =	sld [smem:$0x3FA9];
	_ =	sdelay $0x3  }
0x34: {  	[smem:$0x3FA9] =	sst s10  }
0x35: {  	s10 =	sld [smem:$0x3FA8];
	_ =	sdelay $0x3  }
0x36: {  	p1 =	seq.s32 s10, $0x1;
	s10 =	sld [smem:$0x3FA9];
	_ =	sdelay $0x3  }
0x37: {  	[smem:$0x3FA9] =	sst s10  }
0x38: {  	s10 =	sld [smem:$0x3FAA]  }
0x39: {  	_ = 	snop;
	(pc) =	sbr.ind lr, $3  }
0x3a: {  	_ = 	snop  }
0x3b: {  	_ = 	snop  }
0x3c: {  	p2 =	seq.s32 s10, $0x1;
	s10 =	sld [smem:$0x3FA9]  }
0x3d: {  	_ =	shalt  }
0x3e: {  	_ =	shalt  }
0x3f: {  	_ =	shalt  }
0x40: {  	_ =	shalt  }
0x41: {  	_ =	shalt  }
0x42: {  	_ =	shalt  }
0x43: {  	_ =	shalt  }
0x44: {  	_ =	shalt  }
0x45: {  	_ =	shalt  }
0x46: {  	_ =	shalt  }
0x47: {  	_ =	shalt  }
0x48: {  	_ =	shalt  }
0x49: {  	_ =	shalt  }
0x4a: {  	_ =	shalt  }
0x4b: {  	_ =	shalt  }
0x4c: {  	_ =	shalt  }
0x4d: {  	_ =	shalt  }
0x4e: {  	_ =	shalt  }
0x4f: {  	_ =	shalt  }
0x50: {  	_ =	shalt  }
0x51: {  	_ =	shalt  }
0x52: {  	_ =	shalt  }
0x53: {  	_ =	shalt  }
0x54: {  	_ =	shalt  }
0x55: {  	_ =	shalt  }
0x56: {  	_ =	shalt  }
0x57: {  	_ =	shalt  }
0x58: {  	_ =	shalt  }
0x59: {  	_ =	shalt  }
0x5a: {  	_ =	shalt  }
0x5b: {  	_ =	shalt  }
0x5c: {  	_ =	shalt  }
0x5d: {  	_ =	shalt  }
0x5e: {  	_ =	shalt  }
0x5f: {  	_ =	shalt  }
0x60: {  	_ =	shalt  }
0x61: {  	_ =	shalt  }
0x62: {  	_ =	shalt  }
0x63: {  	_ =	shalt  }
0x64: {  	_ =	shalt  }
0x65: {  	_ =	shalt  }
0x66: {  	_ =	shalt  }
0x67: {  	_ =	shalt  }
0x68: {  	_ =	shalt  }
0x69: {  	_ =	shalt  }
0x6a: {  	_ =	shalt  }
0x6b: {  	_ =	shalt  }
0x6c: {  	_ =	shalt  }
0x6d: {  	_ =	shalt  }
0x6e: {  	_ =	shalt  }
0x6f: {  	_ =	shalt  }
0x70: {  	_ =	shalt  }
0x71: {  	_ =	shalt  }
0x72: {  	_ =	shalt  }
0x73: {  	_ =	shalt  }
0x74: {  	_ =	shalt  }
0x75: {  	_ =	shalt  }
0x76: {  	_ =	shalt  }
0x77: {  	_ =	shalt  }
0x78: {  	_ =	shalt  }
0x79: {  	_ =	shalt  }
0x7a: {  	_ =	shalt  }
0x7b: {  	_ =	shalt  }
0x7c: {  	_ =	shalt  }
0x7d: {  	_ =	shalt  }
0x7e: {  	_ =	shalt  }
0x7f: {  	_ =	shalt  }
0x80: {  	_ =	shalt  }
0x81: {  	_ =	shalt  }
0x82: {  	_ =	shalt  }
0x83: {  	_ =	shalt  }
0x84: {  	_ =	shalt  }
0x85: {  	_ =	shalt  }
0x86: {  	_ =	shalt  }
0x87: {  	_ =	shalt  }
.Lfunc_end0:
.L_simem_size_0:
called_computation_lowered:
.L_overlay_start_0:
0x88: {  	s2 =	sld [smem:$0x3FD9]  }
0x89: {  	s3 =	sld [smem:$0x3FFE];
	_ =	sdelay $0x1  }
0x8a: {  	s1 =	srdreg.scid  }
0x8b: {  	s0 =	sand.u32 $0x1, s1  }
0x8c: {  	s17 =	sshll.u32 s0, $0xA;
	s2 =	sadd.s32 s3, s2  }
0x8d: {  	s2 =	sadd.s32 s2, s17  }
0x8e: {  	[smem:$0x3FB5] =	sst s2  }
0x8f: {  	_ = 	snop  }
0x90: {  	s2 =	sld [smem:$0x3FD0];
	(tm) =	ssettm $0x1  }
0x91: {  	s18 =	sld [smem:$0x3FFB];
	_ =	sdelay $0x3  }
0x92: {  	_ =	strace s18  }
0x93: {  	s3 =	sld [smem:$0x3FFC];
	_ =	sdelay $0x3  }
0x94: {  	_ =	strace s3  }
0x95: {  	s3 =	sld [smem:$0x3FFD];
	_ =	sdelay $0x3  }
0x96: {  	_ =	strace s3  }
0x97: {  	_ =	strace $0x8FFFFFFF  }
0x98: {  	s19 =	sld [smem:$0x3FDB];
	_ =	sdelay $0x1  }
0x99: {  	s4 =	simm.s32 $_scs_section_size  }
0x9a: {  	s5 =	simm.s32 $_size__tile_overlayer_lowered;
	s6 =	simm.s32 $_tile_overlayer_lowered  }
0x9b: {  	s22 =	simm.s32 $0x1BFF;
	s21 =	sshll.u32 s6, $0x1;
	s3 =	sadd.s32 s4, s19  }
0x9c: {  	s7 =	simm.s32 $0x0;
	s20 =	sshll.u32 s5, $0x1;
	s5 =	sadd.s32 s21, s3  }
0x9d: {  	[timem:s7], [sflag:s22] =	dma.local [hbm:s5], s20  }
0x9e: {  	_ =	swait.ge [sflag:s22], s20  }
0x9f: {  	s4 =	ssub.s32 $0x0, s20;
	[sflag:s22] =	ssyncset.done $0x0  }
0xa0: {  	[sflag:s22] =	ssyncadd.s32 s4;
	_ =	sdelay $0x1  }
0xa1: {  	s23 =	simm.s32 $0x1B8B  }
0xa2: {  	_ =	swait.ge [sflag:s23], $0x1  }
0xa3: {  	[sflag:s23] =	ssyncset.done $0x0  }
0xa4: {  	s25 =	simm.s32 $0x1B8E;
	s24 =	sld [smem:$0x3FFE];
	[sflag:s23] =	ssyncadd.s32 $0xFFFFFFFF  }
0xa5: {  	s26 =	simm.s32 $execute0_lowered;
	[smem:$0x3FD2] =	sst s25  }
0xa6: {  	s5 =	sshll.u32 s26, $0x1;
	_ =	strace $0x80000046;
	[dreg:$0x1] =	wrdreg $0xFFFFFFFF  }
0xa7: {  	s28 =	simm.s32 $_size_execute0_lowered;
	s3 =	sadd.s32 s3, s5;
	[dreg:$0x0] =	wrdreg $0x0  }
0xa8: {  	s5 =	sshll.u32 s28, $0x1;
	[dreg:$0x2] =	wrdreg s3  }
0xa9: {  	[dreg:$0x3] =	wrdreg s5  }
0xaa: {  	[dreg:$0x4] =	wrdreg $0xC0  }
0xab: {  	_ =	task [dreg:s7], $0x5FFFF  }
0xac: {  	[dreg:$0x1] =	wrdreg $0xFFFFFFFF  }
0xad: {  	[dreg:$0x0] =	wrdreg $0x60  }
0xae: {  	[dreg:$0x2] =	wrdreg s24  }
0xaf: {  	[dreg:$0x3] =	wrdreg s2  }
0xb0: {  	[dreg:$0x4] =	wrdreg $0xA1000  }
0xb1: {  	[dreg:$0x5] =	wrdreg $0x9  }
0xb2: {  	_ =	task.clear_ibuf [dreg:s7], $0x6FFFF;
	_ =	strace $0x90000046  }
0xb3: {  	s29 =	simm.s32 $0x9;
	_ =	strace $0x80000048  }
0xb4: {  	_ =	swait.ge [sflag:s29], $0x1  }
0xb5: {  	[sflag:s29] =	ssyncadd.s32 $0xFFFFFFFF  }
0xb6: {  	_ =	strace $0x90000048  }
0xb7: {  	_ =	sfence  }
0xb8: {  	s30 =	sld [smem:$0x0];
	_ =	sdelay $0x2  }
0xb9: {  	s31 =	sshll.u32 s1, $0xD;
	s1 =	sshrl.u32 s1, $0x2  }
0xba: {  	s3 =	sand.u32 $0x4000, s31;
	s1 =	sadd.s32 s1, s30  }
0xbb: {  	s0 =	sor.u32 s3, s0;
	s1 =	sshll.u32 s1, $0x11  }
0xbc: {  	s0 =	sor.u32 s1, s0  }
0xbd: {  	s0 =	sadd.s32 $0x8F2B, s0  }
0xbe: {  	[sflag:s0] =	ssyncadd.remote.s32 $0x1  }
0xbf: {  	_ =	sfence.sel $0xFFFF  }
0xc0: {  	[dreg:$0x0] =	wrdreg $0xFFFFFFFF;
	(pc) =	sbr.abs _section_cstart, $3  }
0xc1: {  	[dreg:$0x1] =	wrdreg $0xFFFFFFFF  }
0xc2: {  	_ =	task.clear_ibuf [dreg:s7], $0x2FFFF;
	_ =	strace $0x9FFFFFFF  }
0xc3: {  	(tm) =	ssettm $0x7FFFFFFF  }
tec
execute0_lowered:
.L_overlay_start_1:
0x0: {  	(tag) =	ssettag $0x1  }
0x1: {  	s1 =	rddreg [dreg:$0x0]  }
0x2: {  	s4 =	rddreg [dreg:$0x1]  }
0x3: {  	s2 =	rddreg [dreg:$0x2]  }
0x4: {  	s0 =	srdreg.scid;
	s20 =	stileid.u32;
	s3 =	simm.s32 $0x0  }
0x5: {  	s29 =	simm.s32 $0x8100;
	s30 =	simm.s32 $0x4;
	s6 =	smul.u32 $0x280, s20  }
0x6: {  	s31 =	simm.s32 $0x8000;
	s5 =	sand.u32 $0x1, s0;
	s11 =	smul.u32 $0x180, s20  }
0x7: {  	[smem:$0x7FF] =	sst s3;
	s7 =	sadd.s32 $0x52600, s1;
	s13 =	smul.u32 $0x1800, s20  }
0x8: {  	s22 =	sshll.u32 s20, $0x8;
	s0 =	ssub.s32 $0x2, s5;
	p0 =	seq.s32 s5, $0x1  }
0x9: {  	s8 =	sshrl.u32 s0, $0x1;
	s9 =	sadd.s32 $0x100, s6;
	s10 =	sadd.s32 $0x180, s6  }
0xa: {  	s14 =	sadd.s32 $0x200, s6;
	s15 =	sshrl.u32 s6, $0x3;
	s19 =	sadd.s32 s7, s13  }
0xb: {  	s0 =	ssub.s32 s0, s8;
	s8 =	sadd.s32 $0x80, s6;
	s5 =	sadd.s32 s4, s15  }
0xc: {  	s6 =	sshrl.u32 s9, $0x3;
	s12 =	sshrl.u32 s10, $0x3;
	s15 =	sadd.s32 $0x80, s11  }
0xd: {  	[dreg:$0x6] =	wrdreg s19;
	s19 =	sadd.s32 $0x1880, s22;
	s16 =	sshrl.u32 s8, $0x3  }
0xe: {  	[dreg:$0x4] =	wrdreg s5;
	s18 =	sshll.u32 s15, $0x4;
	s26 =	sshll.u32 s19, $0x4  }
0xf: {  	s12 =	sadd.s32 s4, s12;
	s17 =	sadd.s32 s4, s16;
	s16 =	sshrl.u32 s14, $0x3  }
0x10: {  	s21 =	sadd.s32 s7, s18;
	s18 =	sadd.s32 $0x1800, s22;
	[dreg:$0x5] =	wrdreg s17  }
0x11: {  	s22 =	sadd.s32 s7, s26;
	s17 =	sadd.s32 $0x100, s11;
	[dreg:$0x7] =	wrdreg s21  }
0x12: {  	s25 =	sshll.u32 s18, $0x4;
	[dreg:$0xa] =	wrdreg s22;
	s11 =	sadd.s32 s4, s6  }
0x13: {  	s13 =	sadd.s32 s4, s16;
	s22 =	sadd.s32 $0xCA600, s1;
	s23 =	sshll.u32 s17, $0x4  }
0x14: {  	s21 =	sadd.s32 s7, s25;
	s25 =	sshrl.u32 s15, $0x3;
	s26 =	sshrl.u32 s17, $0x3  }
0x15: {  	s15 =	sshrl.u32 s18, $0x3;
	s17 =	sshrl.u32 s19, $0x3;
	s18 =	smul.u32 $0x50000, s20  }
0x16: {  	s19 =	smul.u32 $0x2800, s20;
	s24 =	sadd.s32 s7, s23;
	[dreg:$0x9] =	wrdreg s21  }
0x17: {  	s23 =	smul.u32 $0x30, s20;
	s6 =	sadd.s32 s4, s25;
	[dreg:$0x8] =	wrdreg s24  }
0x18: {  	s7 =	sadd.s32 s4, s26;
	s16 =	sadd.s32 s4, s15;
	[dreg:$0xc] =	wrdreg s6  }
0x19: {  	s25 =	sshll.u32 s10, $0x7;
	s26 =	sshll.u32 s14, $0x7;
	[dreg:$0xd] =	wrdreg s7  }
0x1a: {  	[dreg:$0xe] =	wrdreg s16;
	s21 =	sshrl.u32 s18, $0x2;
	s6 =	sadd.s32 $0x2600, s1  }
0x1b: {  	s7 =	sadd.s32 $0x2A600, s1;
	s15 =	sadd.s32 s19, s1;
	s24 =	sadd.s32 s4, s23  }
0x1c: {  	s1 =	sadd.s32 $0xF2600, s1;
	s4 =	sadd.s32 s4, s17;
	[dreg:$0xb] =	wrdreg s24  }
0x1d: {  	s16 =	sshll.u32 s10, $0x4;
	s23 =	sshll.u32 s8, $0x7;
	[dreg:$0xf] =	wrdreg s4  }
0x1e: {  	s17 =	sadd.s32 s6, s19;
	_ =	strace $0x80000047;
	[dreg:$0x10] =	wrdreg s22  }
0x1f: {  	s24 =	sshll.u32 s9, $0x7;
	s4 =	sshll.u32 s8, $0x4;
	[dreg:$0x11] =	wrdreg s1  }
0x20: {  	s8 =	sshll.u32 s9, $0x4;
	[dreg:$0x12] =	wrdreg s17;
	s18 =	sadd.s32 s6, s4  }
0x21: {  	s9 =	sshll.u32 s14, $0x4;
	s20 =	sadd.s32 s6, s8;
	[dreg:$0x13] =	wrdreg s18  }
0x22: {  	s22 =	sadd.s32 s21, s2;
	s21 =	sadd.s32 s6, s16;
	[dreg:$0x14] =	wrdreg s20  }
0x23: {  	s25 =	sadd.s32 s25, s2;
	s10 =	sadd.s32 s6, s9;
	[dreg:$0x15] =	wrdreg s21  }
0x24: {  	s26 =	sadd.s32 s26, s2;
	s1 =	sadd.s32 s7, s4;
	[dreg:$0x16] =	wrdreg s10  }
0x25: {  	s23 =	sadd.s32 s23, s2;
	s14 =	sadd.s32 s7, s8;
	[dreg:$0x17] =	wrdreg s1  }
0x26: {  	s24 =	sadd.s32 s24, s2;
	s16 =	sadd.s32 s7, s16;
	[dreg:$0x18] =	wrdreg s14  }
0x27: {  	s17 =	sadd.s32 s7, s9;
	s6 =	simm.s32 $0x8080;
	[dreg:$0x19] =	wrdreg s16  }
0x28: {  	s8 =	simm.s32 $0x80;
	s9 =	simm.s32 $0x3;
	[dreg:$0x1a] =	wrdreg s17  }
0x29: {  	s18 =	sadd.s32 s7, s19;
	s20 =	sadd.s32 $0x7A600, s15;
	s21 =	sadd.s32 $0xA2600, s15  }
.Ltmp0:
0x2a: {  	s16 =	smax.u32 s0, $0x1;
	s17 =	sadd.s32 $0x2000, s22;
	(pc) =	sbr.rel .LBB2_1-.Ltmp0, $4  }
0x2b: {  	s28 =	sadd.s32 $0x12000, s22;
	s0 =	simm.s32 $0x4000;
	[dreg:$0x1b] =	wrdreg s18  }
0x2c: {  	s7 =	simm.s32 $0x1;
	s1 =	simm.s32 $0x2;
	[dreg:$0x1c] =	wrdreg s20  }
0x2d: {  	s10 =	simm.s32 $0x5;
	s14 =	simm.s32 $0x0;
	[dreg:$0x1d] =	wrdreg s21  }
0x2e: {  	v0 =	vimm.f32 $0.0e+00;
	s18 =	sadd.s32 $0x6000, s22;
	s20 =	sadd.s32 $0xA000, s22;
	s21 =	sadd.s32 $0xE000, s22  }
.LBB2_5:
0x2f: {  	s4 =	rddreg [dreg:$0x1b]  }
0x30: {  	[tilespmem:s3], [sflag:$0x1] =	stream.linear.gather [hbm4b:s4+s3], $0x4000, $0x38;
	[tilespmem:$0x1E100] =	vst v63  }
0x31: {  	s15 =	rddreg [dreg:$0x4]  }
0x32: {  	[tilespmem:s31], [sflag:$0x1] =	stream.linear.gather [hbm4b:s15+s3], $0x80, $0x38;
	[tilespmem:$0x1E100] =	vst v63  }
0x33: {  	s5 =	rddreg [dreg:$0x17]  }
0x34: {  	[tilespmem:s0], [sflag:$0x2] =	stream.linear.gather [hbm4b:s5+s3], $0x4000, $0x38;
	[tilespmem:$0x1E100] =	vst v63  }
0x35: {  	s15 =	rddreg [dreg:$0x5]  }
0x36: {  	[tilespmem:s6], [sflag:$0x2] =	stream.linear.gather [hbm4b:s15+s3], $0x80, $0x38;
	[tilespmem:$0x1E100] =	vst v63  }
0x37: {  	_ =	swait.ge [sflag:s7], $0x4000  }
0x38: {  	[sflag:s7] =	ssyncset.done $0x0  }
0x39: {  	[sflag:s7] =	ssyncadd.s32 $0xFFFFC000  }
0x3a: {  	_ =	swait.ge [sflag:s7], $0x80  }
0x3b: {  	[sflag:s7] =	ssyncset.done $0x0  }
0x3c: {  	[sflag:s7] =	ssyncadd.s32 $0xFFFFFF80  }
0x3d: {  	[spmem:s2] =	stream.indirect.scatter.add.f32 [tilespmem:s3], [sflag:$0x3], $0x80, s31, s8, $0xb8;
	[tilespmem:$0x1E100] =	vst v63  }
0x3e: {  	_ =	swait.ge [sflag:s9], $0x4000  }
0x3f: {  	[sflag:s9] =	ssyncset.done $0x0  }
0x40: {  	s5 =	rddreg [dreg:$0x18];
	[sflag:s9] =	ssyncadd.s32 $0xFFFFC000  }
0x41: {  	[tilespmem:s3], [sflag:$0x1] =	stream.linear.gather [hbm4b:s5+s3], $0x4000, $0x38;
	[tilespmem:$0x1E100] =	vst v63  }
0x42: {  	_ = 	snop  }
0x43: {  	[tilespmem:s31], [sflag:$0x1] =	stream.linear.gather [hbm4b:s11+s3], $0x80, $0x38;
	[tilespmem:$0x1E100] =	vst v63  }
0x44: {  	_ =	swait.ge [sflag:s1], $0x4000  }
0x45: {  	[sflag:s1] =	ssyncset.done $0x0  }
0x46: {  	[sflag:s1] =	ssyncadd.s32 $0xFFFFC000  }
0x47: {  	_ =	swait.ge [sflag:s1], $0x80  }
0x48: {  	[sflag:s1] =	ssyncset.done $0x0  }
0x49: {  	[sflag:s1] =	ssyncadd.s32 $0xFFFFFF80  }
0x4a: {  	[spmem:s2] =	stream.indirect.scatter.add.f32 [tilespmem:s0], [sflag:$0x3], $0x80, s6, s8, $0xb8;
	[tilespmem:$0x1E100] =	vst v63  }
0x4b: {  	_ =	swait.ge [sflag:s9], $0x4000  }
0x4c: {  	[sflag:s9] =	ssyncset.done $0x0  }
0x4d: {  	s15 =	rddreg [dreg:$0x19];
	[sflag:s9] =	ssyncadd.s32 $0xFFFFC000  }
0x4e: {  	[tilespmem:s0], [sflag:$0x2] =	stream.linear.gather [hbm4b:s15+s3], $0x4000, $0x38;
	[tilespmem:$0x1E100] =	vst v63  }
0x4f: {  	_ = 	snop  }
0x50: {  	[tilespmem:s6], [sflag:$0x2] =	stream.linear.gather [hbm4b:s12+s3], $0x80, $0x38;
	[tilespmem:$0x1E100] =	vst v63  }
0x51: {  	_ =	swait.ge [sflag:s7], $0x4000  }
0x52: {  	[sflag:s7] =	ssyncset.done $0x0  }
0x53: {  	[sflag:s7] =	ssyncadd.s32 $0xFFFFC000  }
0x54: {  	_ =	swait.ge [sflag:s7], $0x80  }
0x55: {  	[sflag:s7] =	ssyncset.done $0x0  }
0x56: {  	[sflag:s7] =	ssyncadd.s32 $0xFFFFFF80  }
0x57: {  	[spmem:s2] =	stream.indirect.scatter.add.f32 [tilespmem:s3], [sflag:$0x3], $0x80, s31, s8, $0xb8;
	[tilespmem:$0x1E100] =	vst v63  }
0x58: {  	_ =	swait.ge [sflag:s9], $0x4000  }
0x59: {  	[sflag:s9] =	ssyncset.done $0x0  }
0x5a: {  	s5 =	rddreg [dreg:$0x1a];
	[sflag:s9] =	ssyncadd.s32 $0xFFFFC000  }
0x5b: {  	[tilespmem:s3], [sflag:$0x1] =	stream.linear.gather [hbm4b:s5+s3], $0x4000, $0x38;
	[tilespmem:$0x1E100] =	vst v63  }
0x5c: {  	_ = 	snop  }
0x5d: {  	[tilespmem:s31], [sflag:$0x1] =	stream.linear.gather [hbm4b:s13+s3], $0x80, $0x38;
	[tilespmem:$0x1E100] =	vst v63  }
0x5e: {  	_ =	swait.ge [sflag:s1], $0x4000  }
0x5f: {  	[sflag:s1] =	ssyncset.done $0x0  }
0x60: {  	[sflag:s1] =	ssyncadd.s32 $0xFFFFC000  }
0x61: {  	_ =	swait.ge [sflag:s1], $0x80  }
0x62: {  	[sflag:s1] =	ssyncset.done $0x0  }
0x63: {  	[sflag:s1] =	ssyncadd.s32 $0xFFFFFF80  }
0x64: {  	[spmem:s2] =	stream.indirect.scatter.add.f32 [tilespmem:s0], [sflag:$0x3], $0x80, s6, s8, $0xb8;
	[tilespmem:$0x1E100] =	vst v63  }
0x65: {  	_ =	swait.ge [sflag:s7], $0x4000  }
0x66: {  	[sflag:s7] =	ssyncset.done $0x0  }
0x67: {  	[sflag:s7] =	ssyncadd.s32 $0xFFFFC000  }
0x68: {  	_ =	swait.ge [sflag:s7], $0x80  }
0x69: {  	[sflag:s7] =	ssyncset.done $0x0  }
0x6a: {  	[sflag:s7] =	ssyncadd.s32 $0xFFFFFF80  }
0x6b: {  	[spmem:s2] =	stream.indirect.scatter.add.f32 [tilespmem:s3], [sflag:$0x3], $0x80, s31, s8, $0xb8;
	[tilespmem:$0x1E100] =	vst v63  }
0x6c: {  	_ =	swait.ge [sflag:s9], $0x4000  }
0x6d: {  	[sflag:s9] =	ssyncset.done $0x0  }
0x6e: {  	[sflag:s9] =	ssyncadd.s32 $0xFFFFC000  }
0x6f: {  	_ =	swait.ge [sflag:s9], $0x4000  }
0x70: {  	[sflag:s9] =	ssyncset.done $0x0  }
0x71: {  	s15 =	stileid.u32;
	[sflag:s9] =	ssyncadd.s32 $0xFFFFC000  }
0x72: {  	s4 =	sshll.u32 s15, $0x6;
	[bflag:$0x0] =	sbarrier.arrive $0xFFFF  }
0x73: {  	s15 =	sor.u32 $0x1C05, s4;
	s4 =	sshrl.u32 s22, $0x3;
	s5 =	rddreg [dreg:$0x1d]  }
0x74: {  	[hbm:s5], [sflag:s15] =	dma.local [spmem:s4], $0x2800  }
0x75: {  	_ =	swait.ge [sflag:s10], $0x2800  }
0x76: {  	[sflag:s10] =	ssyncset.done $0x0  }
0x77: {  	[sflag:s10] =	ssyncadd.s32 $0xFFFFD800  }
0x78: {  	[spmem:s22] =	stream.linear.scatter [tilespmem:s29], [sflag:$0x4], $0x2000, $0x38;
	[tilespmem:$0x1E100] =	vst v63  }
0x79: {  	_ = 	snop  }
0x7a: {  	[spmem:s17] =	stream.linear.scatter [tilespmem:s29], [sflag:$0x4], $0x2000, $0x38;
	[tilespmem:$0x1E100] =	vst v63  }
0x7b: {  	_ = 	snop  }
0x7c: {  	[spmem:s23] =	stream.linear.scatter [tilespmem:s29], [sflag:$0x4], $0x2000, $0x38;
	[tilespmem:$0x1E100] =	vst v63  }
0x7d: {  	_ = 	snop  }
0x7e: {  	[spmem:s18] =	stream.linear.scatter [tilespmem:s29], [sflag:$0x4], $0x2000, $0x38;
	[tilespmem:$0x1E100] =	vst v63  }
0x7f: {  	_ = 	snop  }
0x80: {  	[spmem:s24] =	stream.linear.scatter [tilespmem:s29], [sflag:$0x4], $0x2000, $0x38;
	[tilespmem:$0x1E100] =	vst v63  }
0x81: {  	_ = 	snop  }
0x82: {  	[spmem:s20] =	stream.linear.scatter [tilespmem:s29], [sflag:$0x4], $0x2000, $0x38;
	[tilespmem:$0x1E100] =	vst v63  }
0x83: {  	_ = 	snop  }
0x84: {  	[spmem:s25] =	stream.linear.scatter [tilespmem:s29], [sflag:$0x4], $0x2000, $0x38;
	[tilespmem:$0x1E100] =	vst v63  }
0x85: {  	_ = 	snop  }
0x86: {  	[spmem:s21] =	stream.linear.scatter [tilespmem:s29], [sflag:$0x4], $0x2000, $0x38;
	[tilespmem:$0x1E100] =	vst v63  }
0x87: {  	_ = 	snop  }
0x88: {  	[spmem:s26] =	stream.linear.scatter [tilespmem:s29], [sflag:$0x4], $0x2000, $0x38;
	[tilespmem:$0x1E100] =	vst v63  }
0x89: {  	_ = 	snop  }
0x8a: {  	[spmem:s28] =	stream.linear.scatter [tilespmem:s29], [sflag:$0x4], $0x2000, $0x38;
	[tilespmem:$0x1E100] =	vst v63  }
0x8b: {  	_ =	swait.ge [sflag:s30], $0x2000  }
0x8c: {  	[sflag:s30] =	ssyncset.done $0x0  }
0x8d: {  	[sflag:s30] =	ssyncadd.s32 $0xFFFFE000  }
0x8e: {  	_ =	swait.ge [sflag:s30], $0x2000  }
0x8f: {  	[sflag:s30] =	ssyncset.done $0x0  }
0x90: {  	[sflag:s30] =	ssyncadd.s32 $0xFFFFE000  }
0x91: {  	_ =	swait.ge [sflag:s30], $0x2000  }
0x92: {  	[sflag:s30] =	ssyncset.done $0x0  }
0x93: {  	[sflag:s30] =	ssyncadd.s32 $0xFFFFE000  }
0x94: {  	_ =	swait.ge [sflag:s30], $0x2000  }
0x95: {  	[sflag:s30] =	ssyncset.done $0x0  }
0x96: {  	[sflag:s30] =	ssyncadd.s32 $0xFFFFE000  }
0x97: {  	_ =	swait.ge [sflag:s30], $0x2000  }
0x98: {  	[sflag:s30] =	ssyncset.done $0x0  }
0x99: {  	[sflag:s30] =	ssyncadd.s32 $0xFFFFE000  }
0x9a: {  	_ =	swait.ge [sflag:s30], $0x2000  }
0x9b: {  	[sflag:s30] =	ssyncset.done $0x0  }
0x9c: {  	[sflag:s30] =	ssyncadd.s32 $0xFFFFE000  }
0x9d: {  	_ =	swait.ge [sflag:s30], $0x2000  }
0x9e: {  	[sflag:s30] =	ssyncset.done $0x0  }
0x9f: {  	[sflag:s30] =	ssyncadd.s32 $0xFFFFE000  }
0xa0: {  	_ =	swait.ge [sflag:s30], $0x2000  }
0xa1: {  	[sflag:s30] =	ssyncset.done $0x0  }
0xa2: {  	[sflag:s30] =	ssyncadd.s32 $0xFFFFE000  }
0xa3: {  	_ =	swait.ge [sflag:s30], $0x2000  }
0xa4: {  	[sflag:s30] =	ssyncset.done $0x0  }
0xa5: {  	[sflag:s30] =	ssyncadd.s32 $0xFFFFE000  }
0xa6: {  	_ =	swait.ge [sflag:s30], $0x2000  }
0xa7: {  	[sflag:s30] =	ssyncset.done $0x0  }
0xa8: {  	[sflag:s30] =	ssyncadd.s32 $0xFFFFE000  }
0xa9: {  	[bflag:$0x0] =	sbarrier.arrive $0xFFFF  }
0xaa: {  	s5 =	rddreg [dreg:$0x9]  }
0xab: {  	[tilespmem:s3], [sflag:$0x1] =	stream.linear.gather [hbm4b:s5+s3], $0x4000, $0x38;
	[tilespmem:$0x1E100] =	vst v63  }
0xac: {  	s5 =	rddreg [dreg:$0xe]  }
0xad: {  	[tilespmem:s31], [sflag:$0x1] =	stream.linear.gather [hbm4b:s5+s3], $0x80, $0x38;
	[tilespmem:$0x1E100] =	vst v63  }
0xae: {  	s5 =	rddreg [dreg:$0xa]  }
0xaf: {  	[tilespmem:s0], [sflag:$0x2] =	stream.linear.gather [hbm4b:s5+s3], $0x4000, $0x38;
	[tilespmem:$0x1E100] =	vst v63  }
0xb0: {  	s5 =	rddreg [dreg:$0xf]  }
0xb1: {  	[tilespmem:s6], [sflag:$0x2] =	stream.linear.gather [hbm4b:s5+s3], $0x80, $0x38;
	[tilespmem:$0x1E100] =	vst v63  }
0xb2: {  	_ =	swait.ge [sflag:s7], $0x4000  }
0xb3: {  	[sflag:s7] =	ssyncset.done $0x0  }
0xb4: {  	[sflag:s7] =	ssyncadd.s32 $0xFFFFC000  }
0xb5: {  	_ =	swait.ge [sflag:s7], $0x80  }
0xb6: {  	[sflag:s7] =	ssyncset.done $0x0  }
0xb7: {  	[sflag:s7] =	ssyncadd.s32 $0xFFFFFF80  }
0xb8: {  	[spmem:s2] =	stream.indirect.scatter.add.f32 [tilespmem:s3], [sflag:$0x3], $0x80, s31, s8, $0xb8;
	[tilespmem:$0x1E100] =	vst v63  }
0xb9: {  	_ =	swait.ge [sflag:s1], $0x4000  }
0xba: {  	[sflag:s1] =	ssyncset.done $0x0  }
0xbb: {  	[sflag:s1] =	ssyncadd.s32 $0xFFFFC000  }
0xbc: {  	_ =	swait.ge [sflag:s1], $0x80  }
0xbd: {  	[sflag:s1] =	ssyncset.done $0x0  }
0xbe: {  	s4 =	rddreg [dreg:$0x11];
	[sflag:s1] =	ssyncadd.s32 $0xFFFFFF80  }
0xbf: {  	[spmem:s2] =	stream.indirect.scatter.add.f32 [tilespmem:s0], [sflag:$0x3], $0x80, s6, s8, $0xb8;
	[tilespmem:$0x1E100] =	vst v63  }
.LBB2_6:
0xc0: {  	_ =	swait.ge [sflag:s9], $0x4000  }
0xc1: {  	[sflag:s9] =	ssyncset.done $0x0  }
0xc2: {  	[sflag:s9] =	ssyncadd.s32 $0xFFFFC000  }
0xc3: {  	_ =	swait.ge [sflag:s9], $0x4000  }
0xc4: {  	s14 =	sadd.s32 $0x1, s14;
	[sflag:s9] =	ssyncset.done $0x0  }
0xc5: {  	s4 =	sadd.s32 s4, s19;
	p1 =	sne.s32 s14, s16;
	[sflag:s9] =	ssyncadd.s32 $0xFFFFC000  }
.Ltmp1:
0xc6: {  	s5 =	sshrl.u32 s22, $0x3;
	[bflag:$0x0] =	sbarrier.arrive $0xFFFF;
	(pc) =	sbr.rel @!p1 .LBB2_7-.Ltmp1, $4  }
0xc7: {  	[hbm:s4], [sflag:s15] =	dma.local [spmem:s5], $0x2800  }
0xc8: {  	_ =	swait.ge [sflag:s10], $0x2800  }
0xc9: {  	[sflag:s10] =	ssyncset.done $0x0  }
0xca: {  	[sflag:s10] =	ssyncadd.s32 $0xFFFFD800  }
.LBB2_1:
0xcb: {  	s15 =	simm.s32 $0x0;
	s4 =	simm.s32 $0x200  }
.LBB2_2:
0xcc: {  	p1 =	sne.s32 s4, $0x7E00;
	[tilespmem:s15+$0x8170] =	vst v0  }
0xcd: {  	[tilespmem:s15+$0x8100] =	vst v0  }
0xce: {  	[tilespmem:s15+$0x8110] =	vst v0  }
.Ltmp2:
0xcf: {  	[tilespmem:s15+$0x8120] =	vst v0;
	(pc) =	sbr.rel @p1 .LBB2_2-.Ltmp2, $4  }
0xd0: {  	[tilespmem:s15+$0x8130] =	vst v0  }
0xd1: {  	[tilespmem:s15+$0x8140] =	vst v0  }
0xd2: {  	[tilespmem:s15+$0x8150] =	vst v0  }
0xd3: {  	[tilespmem:s15+$0x8160] =	vst v0;
	s15 =	sshra.s32 s4, $0x2;
	s4 =	sadd.s32 $0x200, s4  }
0xd4: {  	[tilespmem:s15+$0x8170] =	vst v0  }
0xd5: {  	[tilespmem:s15+$0x8100] =	vst v0  }
0xd6: {  	[tilespmem:s15+$0x8110] =	vst v0  }
0xd7: {  	[tilespmem:s15+$0x8120] =	vst v0  }
0xd8: {  	[tilespmem:s15+$0x8130] =	vst v0  }
0xd9: {  	[tilespmem:s15+$0x8140] =	vst v0  }
0xda: {  	[tilespmem:s15+$0x8150] =	vst v0  }
0xdb: {  	[tilespmem:s15+$0x8160] =	vst v0  }
0xdc: {  	[spmem:s22] =	stream.linear.scatter [tilespmem:s29], [sflag:$0x4], $0x2000, $0x38;
	[tilespmem:$0x1E100] =	vst v63  }
0xdd: {  	_ = 	snop  }
0xde: {  	[spmem:s17] =	stream.linear.scatter [tilespmem:s29], [sflag:$0x4], $0x2000, $0x38;
	[tilespmem:$0x1E100] =	vst v63  }
0xdf: {  	_ = 	snop  }
0xe0: {  	[spmem:s23] =	stream.linear.scatter [tilespmem:s29], [sflag:$0x4], $0x2000, $0x38;
	[tilespmem:$0x1E100] =	vst v63  }
0xe1: {  	_ = 	snop  }
0xe2: {  	[spmem:s18] =	stream.linear.scatter [tilespmem:s29], [sflag:$0x4], $0x2000, $0x38;
	[tilespmem:$0x1E100] =	vst v63  }
0xe3: {  	_ = 	snop  }
0xe4: {  	[spmem:s24] =	stream.linear.scatter [tilespmem:s29], [sflag:$0x4], $0x2000, $0x38;
	[tilespmem:$0x1E100] =	vst v63  }
0xe5: {  	_ = 	snop  }
0xe6: {  	[spmem:s20] =	stream.linear.scatter [tilespmem:s29], [sflag:$0x4], $0x2000, $0x38;
	[tilespmem:$0x1E100] =	vst v63  }
0xe7: {  	_ = 	snop  }
0xe8: {  	[spmem:s25] =	stream.linear.scatter [tilespmem:s29], [sflag:$0x4], $0x2000, $0x38;
	[tilespmem:$0x1E100] =	vst v63  }
0xe9: {  	_ = 	snop  }
0xea: {  	[spmem:s21] =	stream.linear.scatter [tilespmem:s29], [sflag:$0x4], $0x2000, $0x38;
	[tilespmem:$0x1E100] =	vst v63  }
0xeb: {  	_ = 	snop  }
0xec: {  	[spmem:s26] =	stream.linear.scatter [tilespmem:s29], [sflag:$0x4], $0x2000, $0x38;
	[tilespmem:$0x1E100] =	vst v63  }
0xed: {  	_ = 	snop  }
0xee: {  	[spmem:s28] =	stream.linear.scatter [tilespmem:s29], [sflag:$0x4], $0x2000, $0x38;
	[tilespmem:$0x1E100] =	vst v63  }
0xef: {  	_ =	swait.ge [sflag:s30], $0x2000  }
0xf0: {  	[sflag:s30] =	ssyncset.done $0x0  }
0xf1: {  	[sflag:s30] =	ssyncadd.s32 $0xFFFFE000  }
0xf2: {  	_ =	swait.ge [sflag:s30], $0x2000  }
0xf3: {  	[sflag:s30] =	ssyncset.done $0x0  }
0xf4: {  	[sflag:s30] =	ssyncadd.s32 $0xFFFFE000  }
0xf5: {  	_ =	swait.ge [sflag:s30], $0x2000  }
0xf6: {  	[sflag:s30] =	ssyncset.done $0x0  }
0xf7: {  	[sflag:s30] =	ssyncadd.s32 $0xFFFFE000  }
0xf8: {  	_ =	swait.ge [sflag:s30], $0x2000  }
0xf9: {  	[sflag:s30] =	ssyncset.done $0x0  }
0xfa: {  	[sflag:s30] =	ssyncadd.s32 $0xFFFFE000  }
0xfb: {  	_ =	swait.ge [sflag:s30], $0x2000  }
0xfc: {  	[sflag:s30] =	ssyncset.done $0x0  }
0xfd: {  	[sflag:s30] =	ssyncadd.s32 $0xFFFFE000  }
0xfe: {  	_ =	swait.ge [sflag:s30], $0x2000  }
0xff: {  	[sflag:s30] =	ssyncset.done $0x0  }
0x100: {  	[sflag:s30] =	ssyncadd.s32 $0xFFFFE000  }
0x101: {  	_ =	swait.ge [sflag:s30], $0x2000  }
0x102: {  	[sflag:s30] =	ssyncset.done $0x0  }
0x103: {  	[sflag:s30] =	ssyncadd.s32 $0xFFFFE000  }
0x104: {  	_ =	swait.ge [sflag:s30], $0x2000  }
0x105: {  	[sflag:s30] =	ssyncset.done $0x0  }
0x106: {  	[sflag:s30] =	ssyncadd.s32 $0xFFFFE000  }
0x107: {  	_ =	swait.ge [sflag:s30], $0x2000  }
0x108: {  	[sflag:s30] =	ssyncset.done $0x0  }
0x109: {  	[sflag:s30] =	ssyncadd.s32 $0xFFFFE000  }
.Ltmp3:
0x10a: {  	_ =	swait.ge [sflag:s30], $0x2000;
	(pc) =	sbr.rel @p0 .LBB2_5-.Ltmp3, $3  }
0x10b: {  	[sflag:s30] =	ssyncset.done $0x0  }
0x10c: {  	[sflag:s30] =	ssyncadd.s32 $0xFFFFE000  }
0x10d: {  	[bflag:$0x0] =	sbarrier.arrive $0xFFFF;
	_ =	sdelay $0x1  }
0x10e: {  	s4 =	rddreg [dreg:$0x12]  }
0x10f: {  	[tilespmem:s3], [sflag:$0x1] =	stream.linear.gather [hbm4b:s4+s3], $0x4000, $0x38;
	[tilespmem:$0x1E100] =	vst v63  }
0x110: {  	s15 =	rddreg [dreg:$0x4]  }
0x111: {  	[tilespmem:s31], [sflag:$0x1] =	stream.linear.gather [hbm4b:s15+s3], $0x80, $0x38;
	[tilespmem:$0x1E100] =	vst v63  }
0x112: {  	s5 =	rddreg [dreg:$0x13]  }
0x113: {  	[tilespmem:s0], [sflag:$0x2] =	stream.linear.gather [hbm4b:s5+s3], $0x4000, $0x38;
	[tilespmem:$0x1E100] =	vst v63  }
0x114: {  	s15 =	rddreg [dreg:$0x5]  }
0x115: {  	[tilespmem:s6], [sflag:$0x2] =	stream.linear.gather [hbm4b:s15+s3], $0x80, $0x38;
	[tilespmem:$0x1E100] =	vst v63  }
0x116: {  	_ =	swait.ge [sflag:s7], $0x4000  }
0x117: {  	[sflag:s7] =	ssyncset.done $0x0  }
0x118: {  	[sflag:s7] =	ssyncadd.s32 $0xFFFFC000  }
0x119: {  	_ =	swait.ge [sflag:s7], $0x80  }
0x11a: {  	[sflag:s7] =	ssyncset.done $0x0  }
0x11b: {  	[sflag:s7] =	ssyncadd.s32 $0xFFFFFF80  }
0x11c: {  	[spmem:s2] =	stream.indirect.scatter.add.f32 [tilespmem:s3], [sflag:$0x3], $0x80, s31, s8, $0xb8;
	[tilespmem:$0x1E100] =	vst v63  }
0x11d: {  	_ =	swait.ge [sflag:s9], $0x4000  }
0x11e: {  	[sflag:s9] =	ssyncset.done $0x0  }
0x11f: {  	s5 =	rddreg [dreg:$0x14];
	[sflag:s9] =	ssyncadd.s32 $0xFFFFC000  }
0x120: {  	[tilespmem:s3], [sflag:$0x1] =	stream.linear.gather [hbm4b:s5+s3], $0x4000, $0x38;
	[tilespmem:$0x1E100] =	vst v63  }
0x121: {  	_ = 	snop  }
0x122: {  	[tilespmem:s31], [sflag:$0x1] =	stream.linear.gather [hbm4b:s11+s3], $0x80, $0x38;
	[tilespmem:$0x1E100] =	vst v63  }
0x123: {  	_ =	swait.ge [sflag:s1], $0x4000  }
0x124: {  	[sflag:s1] =	ssyncset.done $0x0  }
0x125: {  	[sflag:s1] =	ssyncadd.s32 $0xFFFFC000  }
0x126: {  	_ =	swait.ge [sflag:s1], $0x80  }
0x127: {  	[sflag:s1] =	ssyncset.done $0x0  }
0x128: {  	[sflag:s1] =	ssyncadd.s32 $0xFFFFFF80  }
0x129: {  	[spmem:s2] =	stream.indirect.scatter.add.f32 [tilespmem:s0], [sflag:$0x3], $0x80, s6, s8, $0xb8;
	[tilespmem:$0x1E100] =	vst v63  }
0x12a: {  	_ =	swait.ge [sflag:s9], $0x4000  }
0x12b: {  	[sflag:s9] =	ssyncset.done $0x0  }
0x12c: {  	s15 =	rddreg [dreg:$0x15];
	[sflag:s9] =	ssyncadd.s32 $0xFFFFC000  }
0x12d: {  	[tilespmem:s0], [sflag:$0x2] =	stream.linear.gather [hbm4b:s15+s3], $0x4000, $0x38;
	[tilespmem:$0x1E100] =	vst v63  }
0x12e: {  	_ = 	snop  }
0x12f: {  	[tilespmem:s6], [sflag:$0x2] =	stream.linear.gather [hbm4b:s12+s3], $0x80, $0x38;
	[tilespmem:$0x1E100] =	vst v63  }
0x130: {  	_ =	swait.ge [sflag:s7], $0x4000  }
0x131: {  	[sflag:s7] =	ssyncset.done $0x0  }
0x132: {  	[sflag:s7] =	ssyncadd.s32 $0xFFFFC000  }
0x133: {  	_ =	swait.ge [sflag:s7], $0x80  }
0x134: {  	[sflag:s7] =	ssyncset.done $0x0  }
0x135: {  	[sflag:s7] =	ssyncadd.s32 $0xFFFFFF80  }
0x136: {  	[spmem:s2] =	stream.indirect.scatter.add.f32 [tilespmem:s3], [sflag:$0x3], $0x80, s31, s8, $0xb8;
	[tilespmem:$0x1E100] =	vst v63  }
0x137: {  	_ =	swait.ge [sflag:s9], $0x4000  }
0x138: {  	[sflag:s9] =	ssyncset.done $0x0  }
0x139: {  	s5 =	rddreg [dreg:$0x16];
	[sflag:s9] =	ssyncadd.s32 $0xFFFFC000  }
0x13a: {  	[tilespmem:s3], [sflag:$0x1] =	stream.linear.gather [hbm4b:s5+s3], $0x4000, $0x38;
	[tilespmem:$0x1E100] =	vst v63  }
0x13b: {  	_ = 	snop  }
0x13c: {  	[tilespmem:s31], [sflag:$0x1] =	stream.linear.gather [hbm4b:s13+s3], $0x80, $0x38;
	[tilespmem:$0x1E100] =	vst v63  }
0x13d: {  	_ =	swait.ge [sflag:s1], $0x4000  }
0x13e: {  	[sflag:s1] =	ssyncset.done $0x0  }
0x13f: {  	[sflag:s1] =	ssyncadd.s32 $0xFFFFC000  }
0x140: {  	_ =	swait.ge [sflag:s1], $0x80  }
0x141: {  	[sflag:s1] =	ssyncset.done $0x0  }
0x142: {  	[sflag:s1] =	ssyncadd.s32 $0xFFFFFF80  }
0x143: {  	[spmem:s2] =	stream.indirect.scatter.add.f32 [tilespmem:s0], [sflag:$0x3], $0x80, s6, s8, $0xb8;
	[tilespmem:$0x1E100] =	vst v63  }
0x144: {  	_ =	swait.ge [sflag:s7], $0x4000  }
0x145: {  	[sflag:s7] =	ssyncset.done $0x0  }
0x146: {  	[sflag:s7] =	ssyncadd.s32 $0xFFFFC000  }
0x147: {  	_ =	swait.ge [sflag:s7], $0x80  }
0x148: {  	[sflag:s7] =	ssyncset.done $0x0  }
0x149: {  	[sflag:s7] =	ssyncadd.s32 $0xFFFFFF80  }
0x14a: {  	[spmem:s2] =	stream.indirect.scatter.add.f32 [tilespmem:s3], [sflag:$0x3], $0x80, s31, s8, $0xb8;
	[tilespmem:$0x1E100] =	vst v63  }
0x14b: {  	_ =	swait.ge [sflag:s9], $0x4000  }
0x14c: {  	[sflag:s9] =	ssyncset.done $0x0  }
0x14d: {  	[sflag:s9] =	ssyncadd.s32 $0xFFFFC000  }
0x14e: {  	_ =	swait.ge [sflag:s9], $0x4000  }
0x14f: {  	[sflag:s9] =	ssyncset.done $0x0  }
0x150: {  	s15 =	stileid.u32;
	[sflag:s9] =	ssyncadd.s32 $0xFFFFC000  }
0x151: {  	s4 =	sshll.u32 s15, $0x6;
	[bflag:$0x0] =	sbarrier.arrive $0xFFFF  }
0x152: {  	s15 =	sor.u32 $0x1C05, s4;
	s4 =	sshrl.u32 s22, $0x3;
	s5 =	rddreg [dreg:$0x1c]  }
0x153: {  	[hbm:s5], [sflag:s15] =	dma.local [spmem:s4], $0x2800  }
0x154: {  	_ =	swait.ge [sflag:s10], $0x2800  }
0x155: {  	[sflag:s10] =	ssyncset.done $0x0  }
0x156: {  	[sflag:s10] =	ssyncadd.s32 $0xFFFFD800  }
0x157: {  	[spmem:s22] =	stream.linear.scatter [tilespmem:s29], [sflag:$0x4], $0x2000, $0x38;
	[tilespmem:$0x1E100] =	vst v63  }
0x158: {  	_ = 	snop  }
0x159: {  	[spmem:s17] =	stream.linear.scatter [tilespmem:s29], [sflag:$0x4], $0x2000, $0x38;
	[tilespmem:$0x1E100] =	vst v63  }
0x15a: {  	_ = 	snop  }
0x15b: {  	[spmem:s23] =	stream.linear.scatter [tilespmem:s29], [sflag:$0x4], $0x2000, $0x38;
	[tilespmem:$0x1E100] =	vst v63  }
0x15c: {  	_ = 	snop  }
0x15d: {  	[spmem:s18] =	stream.linear.scatter [tilespmem:s29], [sflag:$0x4], $0x2000, $0x38;
	[tilespmem:$0x1E100] =	vst v63  }
0x15e: {  	_ = 	snop  }
0x15f: {  	[spmem:s24] =	stream.linear.scatter [tilespmem:s29], [sflag:$0x4], $0x2000, $0x38;
	[tilespmem:$0x1E100] =	vst v63  }
0x160: {  	_ = 	snop  }
0x161: {  	[spmem:s20] =	stream.linear.scatter [tilespmem:s29], [sflag:$0x4], $0x2000, $0x38;
	[tilespmem:$0x1E100] =	vst v63  }
0x162: {  	_ = 	snop  }
0x163: {  	[spmem:s25] =	stream.linear.scatter [tilespmem:s29], [sflag:$0x4], $0x2000, $0x38;
	[tilespmem:$0x1E100] =	vst v63  }
0x164: {  	_ = 	snop  }
0x165: {  	[spmem:s21] =	stream.linear.scatter [tilespmem:s29], [sflag:$0x4], $0x2000, $0x38;
	[tilespmem:$0x1E100] =	vst v63  }
0x166: {  	_ = 	snop  }
0x167: {  	[spmem:s26] =	stream.linear.scatter [tilespmem:s29], [sflag:$0x4], $0x2000, $0x38;
	[tilespmem:$0x1E100] =	vst v63  }
0x168: {  	_ = 	snop  }
0x169: {  	[spmem:s28] =	stream.linear.scatter [tilespmem:s29], [sflag:$0x4], $0x2000, $0x38;
	[tilespmem:$0x1E100] =	vst v63  }
0x16a: {  	_ =	swait.ge [sflag:s30], $0x2000  }
0x16b: {  	[sflag:s30] =	ssyncset.done $0x0  }
0x16c: {  	[sflag:s30] =	ssyncadd.s32 $0xFFFFE000  }
0x16d: {  	_ =	swait.ge [sflag:s30], $0x2000  }
0x16e: {  	[sflag:s30] =	ssyncset.done $0x0  }
0x16f: {  	[sflag:s30] =	ssyncadd.s32 $0xFFFFE000  }
0x170: {  	_ =	swait.ge [sflag:s30], $0x2000  }
0x171: {  	[sflag:s30] =	ssyncset.done $0x0  }
0x172: {  	[sflag:s30] =	ssyncadd.s32 $0xFFFFE000  }
0x173: {  	_ =	swait.ge [sflag:s30], $0x2000  }
0x174: {  	[sflag:s30] =	ssyncset.done $0x0  }
0x175: {  	[sflag:s30] =	ssyncadd.s32 $0xFFFFE000  }
0x176: {  	_ =	swait.ge [sflag:s30], $0x2000  }
0x177: {  	[sflag:s30] =	ssyncset.done $0x0  }
0x178: {  	[sflag:s30] =	ssyncadd.s32 $0xFFFFE000  }
0x179: {  	_ =	swait.ge [sflag:s30], $0x2000  }
0x17a: {  	[sflag:s30] =	ssyncset.done $0x0  }
0x17b: {  	[sflag:s30] =	ssyncadd.s32 $0xFFFFE000  }
0x17c: {  	_ =	swait.ge [sflag:s30], $0x2000  }
0x17d: {  	[sflag:s30] =	ssyncset.done $0x0  }
0x17e: {  	[sflag:s30] =	ssyncadd.s32 $0xFFFFE000  }
0x17f: {  	_ =	swait.ge [sflag:s30], $0x2000  }
0x180: {  	[sflag:s30] =	ssyncset.done $0x0  }
0x181: {  	[sflag:s30] =	ssyncadd.s32 $0xFFFFE000  }
0x182: {  	_ =	swait.ge [sflag:s30], $0x2000  }
0x183: {  	[sflag:s30] =	ssyncset.done $0x0  }
0x184: {  	[sflag:s30] =	ssyncadd.s32 $0xFFFFE000  }
0x185: {  	_ =	swait.ge [sflag:s30], $0x2000  }
0x186: {  	[sflag:s30] =	ssyncset.done $0x0  }
0x187: {  	[sflag:s30] =	ssyncadd.s32 $0xFFFFE000  }
0x188: {  	[bflag:$0x0] =	sbarrier.arrive $0xFFFF  }
0x189: {  	s5 =	rddreg [dreg:$0x6]  }
0x18a: {  	[tilespmem:s3], [sflag:$0x1] =	stream.linear.gather [hbm4b:s5+s3], $0x4000, $0x38;
	[tilespmem:$0x1E100] =	vst v63  }
0x18b: {  	s5 =	rddreg [dreg:$0xb]  }
0x18c: {  	[tilespmem:s31], [sflag:$0x1] =	stream.linear.gather [hbm4b:s5+s3], $0x80, $0x38;
	[tilespmem:$0x1E100] =	vst v63  }
0x18d: {  	s5 =	rddreg [dreg:$0x7]  }
0x18e: {  	[tilespmem:s0], [sflag:$0x2] =	stream.linear.gather [hbm4b:s5+s3], $0x4000, $0x38;
	[tilespmem:$0x1E100] =	vst v63  }
0x18f: {  	s5 =	rddreg [dreg:$0xc]  }
0x190: {  	[tilespmem:s6], [sflag:$0x2] =	stream.linear.gather [hbm4b:s5+s3], $0x80, $0x38;
	[tilespmem:$0x1E100] =	vst v63  }
0x191: {  	_ =	swait.ge [sflag:s7], $0x4000  }
0x192: {  	[sflag:s7] =	ssyncset.done $0x0  }
0x193: {  	[sflag:s7] =	ssyncadd.s32 $0xFFFFC000  }
0x194: {  	_ =	swait.ge [sflag:s7], $0x80  }
0x195: {  	[sflag:s7] =	ssyncset.done $0x0  }
0x196: {  	[sflag:s7] =	ssyncadd.s32 $0xFFFFFF80  }
0x197: {  	[spmem:s2] =	stream.indirect.scatter.add.f32 [tilespmem:s3], [sflag:$0x3], $0x80, s31, s8, $0xb8;
	[tilespmem:$0x1E100] =	vst v63  }
0x198: {  	_ =	swait.ge [sflag:s9], $0x4000  }
0x199: {  	[sflag:s9] =	ssyncset.done $0x0  }
0x19a: {  	s5 =	rddreg [dreg:$0x8];
	[sflag:s9] =	ssyncadd.s32 $0xFFFFC000  }
0x19b: {  	[tilespmem:s3], [sflag:$0x1] =	stream.linear.gather [hbm4b:s5+s3], $0x4000, $0x38;
	[tilespmem:$0x1E100] =	vst v63  }
0x19c: {  	s5 =	rddreg [dreg:$0xd]  }
0x19d: {  	[tilespmem:s31], [sflag:$0x1] =	stream.linear.gather [hbm4b:s5+s3], $0x80, $0x38;
	[tilespmem:$0x1E100] =	vst v63  }
0x19e: {  	_ =	swait.ge [sflag:s1], $0x4000  }
0x19f: {  	[sflag:s1] =	ssyncset.done $0x0  }
0x1a0: {  	[sflag:s1] =	ssyncadd.s32 $0xFFFFC000  }
0x1a1: {  	_ =	swait.ge [sflag:s1], $0x80  }
0x1a2: {  	[sflag:s1] =	ssyncset.done $0x0  }
0x1a3: {  	[sflag:s1] =	ssyncadd.s32 $0xFFFFFF80  }
0x1a4: {  	[spmem:s2] =	stream.indirect.scatter.add.f32 [tilespmem:s0], [sflag:$0x3], $0x80, s6, s8, $0xb8;
	[tilespmem:$0x1E100] =	vst v63  }
0x1a5: {  	_ =	swait.ge [sflag:s7], $0x4000  }
0x1a6: {  	[sflag:s7] =	ssyncset.done $0x0  }
.Ltmp4:
0x1a7: {  	[sflag:s7] =	ssyncadd.s32 $0xFFFFC000;
	(pc) =	sbr.rel .LBB2_6-.Ltmp4, $4  }
0x1a8: {  	_ =	swait.ge [sflag:s7], $0x80  }
0x1a9: {  	[sflag:s7] =	ssyncset.done $0x0  }
0x1aa: {  	s4 =	rddreg [dreg:$0x10];
	[sflag:s7] =	ssyncadd.s32 $0xFFFFFF80  }
0x1ab: {  	[spmem:s2] =	stream.indirect.scatter.add.f32 [tilespmem:s3], [sflag:$0x3], $0x80, s31, s8, $0xb8;
	[tilespmem:$0x1E100] =	vst v63  }
.LBB2_7:
0x1ac: {  	_ =	sfence.sel $0x180000  }
0x1ad: {  	[bflag:$0x0] =	sbarrier.arrive $0xFFFF  }
0x1ae: {  	_ =	strace $0x90000047  }
0x1af: {  	s0 =	stileid.u32;
	[bflag:$0x2] =	sbarrier.arrive $0xFFFF  }
0x1b0: {  	p0 =	sne.s32 s0, $0x0;
	s0 =	rddreg [dreg:$0x3]  }
0x1b1: {  	s0 =	sadd.s32 @!p0 $0x100000, s0  }
0x1b2: {  	[sflag:s0] =	ssyncadd.tile.s32 @!p0 $0x1;
	_ =	shalt  }
.Lfunc_end2:
_tile_overlayer_lowered:
.L_overlay_start_2:
0x1b3: {  	(tag) =	ssettag $0x2  }
0x1b4: {  	s0 =	rddreg [dreg:$0x0];
	s2 =	stileid.u32  }
0x1b5: {  	s1 =	rddreg [dreg:$0x1];
	p0 =	sne.s32 s2, $0x0  }
0x1b6: {  	s3 =	rddreg [dreg:$0x2];
	[bflag:$0x3] =	sbarrier.arrive $0xFFFF;
	s2 =	simm.s32 @!p0 $0x1C06  }
0x1b7: {  	[timem:s3], [sflag:s2] =	dma.local @!p0 [hbm:s0], s1  }
0x1b8: {  	s0 =	simm.s32 @!p0 $0x6  }
0x1b9: {  	_ =	swait.ge @!p0 [sflag:s0], s1  }
0x1ba: {  	s1 =	ssub.s32 @!p0 $0x0, s1;
	[sflag:s0] =	ssyncset.done @!p0 $0x0  }
0x1bb: {  	[sflag:s0] =	ssyncadd.s32 @!p0 s1  }
0x1bc: {  	[bflag:$0x3] =	sbarrier.arrive $0xFFFF  }
0x1bd: {  	_ =	shalt  }

// kernel: kernel.9.cloned.1.call-start
scs
__scs_entry_jumppad:
0x0: {  	(pc) =	sbr.rel $0x88, $3  }
0x1: {  	(tag) =	ssettag $0x0;
	lr =	simm.s32 $0x1  }
0x2: {  	[smem:$0x3F8E] =	sst lr;
	_ =	strace $0xD0000000  }
0x3: {  	_ = 	snop  }
0x4: {  	_ = 	snop  }
0x5: {  	_ = 	snop  }
0x6: {  	_ = 	snop  }
0x7: {  	_ = 	snop  }
__scs_overlays_trampoline_lowered:
0x8: {  	[smem:$0x3F9D] =	sst s0  }
0x9: {  	[smem:$0x3F9E] =	sst s1  }
0xa: {  	[smem:$0x3F9F] =	sst s2  }
0xb: {  	[smem:$0x3FA0] =	sst s3  }
0xc: {  	[smem:$0x3FA1] =	sst s4  }
0xd: {  	[smem:$0x3FA2] =	sst s5  }
0xe: {  	[smem:$0x3FA3] =	sst s6  }
0xf: {  	[smem:$0x3FA4] =	sst s7  }
0x10: {  	[smem:$0x3FA5] =	sst s8  }
0x11: {  	[smem:$0x3FA6] =	sst s9;
	s0 =	simm.s32 @!p0 $0x0  }
0x12: {  	s1 =	sld [smem:$0x3F8C];
	s0 =	simm.s32 @p0 $0x1  }
0x13: {  	[smem:$0x3FA7] =	sst s0;
	s0 =	simm.s32 @!p1 $0x0  }
0x14: {  	s2 =	sld [smem:$0x3F8B];
	s0 =	simm.s32 @p1 $0x1  }
0x15: {  	[smem:$0x3FA8] =	sst s0;
	s0 =	simm.s32 @!p2 $0x0  }
0x16: {  	s3 =	sld [smem:$0x3FDB];
	s0 =	simm.s32 @p2 $0x1  }
0x17: {  	s4 =	simm.s32 $0x1BF5;
	[smem:$0x3FAA] =	sst s0  }
0x18: {  	s0 =	sld [smem:$0x3F8D];
	_ =	swait.ge [sflag:s4], $0x0  }
0x19: {  	s7 =	sld [smem:$0x3F8E]  }
0x1a: {  	s8 =	sadd.s32 $0xFFFFE003, lr  }
0x1b: {  	s9 =	sadd.s32 $0xFFFFFEF7, lr;
	s5 =	simm.s32 $0xFFFFFFFF;
	p2 =	slt.u32 s8, $0xFFFFF086  }
0x1c: {  	p1 =	slt.u32 s9, $0xF7A;
	s5 =	simm.s32 @!p2 $0x0  }
0x1d: {  	s5 =	simm.s32 @p1 $0x1;
	p0 =	seq.s32 s7, s2  }
0x1e: {  	s7 =	smul.u32 @!p0 $0xF7A, s2;
	p2 =	seq.s32 @!p0 s5, $0x0  }
0x1f: {  	s9 =	smul.u32 $0xF7A, s1;
	s8 =	simm.s32 @!p0 $0x1BF5;
	p2 =	por !p2, p0  }
0x20: {  	[sflag:s8] =	ssyncset.s32 @!p0 $0xFFFFF086;
	s6 =	sadd.s32 @!p0 s3, s7;
	s7 =	simm.s32 @!p0 $0x108  }
0x21: {  	s3 =	sadd.s32 s3, s9;
	s6 =	sadd.s32 @!p0 $0x88, s6;
	s7 =	simm.s32 @p2 $0x1082  }
0x22: {  	[simem:s7], [sflag:s8] =	dma.local @!p0 [hbm:s6], $0xF7A  }
0x23: {  	s9 =	sor.u32 $0xD0000000, s2;
	s6 =	simm.s32 $0x108;
	_ =	swait.ge @!p0 [sflag:s8], $0x0  }
0x24: {  	s3 =	sadd.s32 $0x88, s3;
	s6 =	simm.s32 @!p1 $0x1082;
	[sflag:s4] =	ssyncset.s32 $0xFFFFF086  }
0x25: {  	[simem:s6], [sflag:s4] =	dma.local [hbm:s3], $0xF7A  }
0x26: {  	[smem:$0x3F8E] =	sst s1;
	(tag) =	ssettag s2;
	_ =	strace s9  }
0x27: {  	s1 =	sld [smem:$0x3F9E]  }
0x28: {  	s2 =	sld [smem:$0x3F9F]  }
0x29: {  	s4 =	sld [smem:$0x3FA1]  }
0x2a: {  	p0 =	seq.s32 s5, $0x0;
	s5 =	sld [smem:$0x3FA2]  }
0x2b: {  	s6 =	sld [smem:$0x3FA3]  }
0x2c: {  	s7 =	sld [smem:$0x3FA4]  }
0x2d: {  	s3 =	simm.s32 $0x108;
	s8 =	sld [smem:$0x3FA5]  }
0x2e: {  	s3 =	simm.s32 @!p0 $0x1082;
	s9 =	sld [smem:$0x3FA6]  }
0x2f: {  	lr =	sadd.s32 s0, s3;
	s0 =	sld [smem:$0x3F9D]  }
0x30: {  	s3 =	sld [smem:$0x3FA0]  }
0x31: {  	[smem:$0x3FA9] =	sst s10  }
0x32: {  	s10 =	sld [smem:$0x3FA7];
	_ =	sdelay $0x3  }
0x33: {  	p0 =	seq.s32 s10, $0x1;
	s10 =	sld [smem:$0x3FA9];
	_ =	sdelay $0x3  }
0x34: {  	[smem:$0x3FA9] =	sst s10  }
0x35: {  	s10 =	sld [smem:$0x3FA8];
	_ =	sdelay $0x3  }
0x36: {  	p1 =	seq.s32 s10, $0x1;
	s10 =	sld [smem:$0x3FA9];
	_ =	sdelay $0x3  }
0x37: {  	[smem:$0x3FA9] =	sst s10  }
0x38: {  	s10 =	sld [smem:$0x3FAA]  }
0x39: {  	_ = 	snop;
	(pc) =	sbr.ind lr, $3  }
0x3a: {  	_ = 	snop  }
0x3b: {  	_ = 	snop  }
0x3c: {  	p2 =	seq.s32 s10, $0x1;
	s10 =	sld [smem:$0x3FA9]  }
0x3d: {  	_ =	shalt  }
0x3e: {  	_ =	shalt  }
0x3f: {  	_ =	shalt  }
0x40: {  	_ =	shalt  }
0x41: {  	_ =	shalt  }
0x42: {  	_ =	shalt  }
0x43: {  	_ =	shalt  }
0x44: {  	_ =	shalt  }
0x45: {  	_ =	shalt  }
0x46: {  	_ =	shalt  }
0x47: {  	_ =	shalt  }
0x48: {  	_ =	shalt  }
0x49: {  	_ =	shalt  }
0x4a: {  	_ =	shalt  }
0x4b: {  	_ =	shalt  }
0x4c: {  	_ =	shalt  }
0x4d: {  	_ =	shalt  }
0x4e: {  	_ =	shalt  }
0x4f: {  	_ =	shalt  }
0x50: {  	_ =	shalt  }
0x51: {  	_ =	shalt  }
0x52: {  	_ =	shalt  }
0x53: {  	_ =	shalt  }
0x54: {  	_ =	shalt  }
0x55: {  	_ =	shalt  }
0x56: {  	_ =	shalt  }
0x57: {  	_ =	shalt  }
0x58: {  	_ =	shalt  }
0x59: {  	_ =	shalt  }
0x5a: {  	_ =	shalt  }
0x5b: {  	_ =	shalt  }
0x5c: {  	_ =	shalt  }
0x5d: {  	_ =	shalt  }
0x5e: {  	_ =	shalt  }
0x5f: {  	_ =	shalt  }
0x60: {  	_ =	shalt  }
0x61: {  	_ =	shalt  }
0x62: {  	_ =	shalt  }
0x63: {  	_ =	shalt  }
0x64: {  	_ =	shalt  }
0x65: {  	_ =	shalt  }
0x66: {  	_ =	shalt  }
0x67: {  	_ =	shalt  }
0x68: {  	_ =	shalt  }
0x69: {  	_ =	shalt  }
0x6a: {  	_ =	shalt  }
0x6b: {  	_ =	shalt  }
0x6c: {  	_ =	shalt  }
0x6d: {  	_ =	shalt  }
0x6e: {  	_ =	shalt  }
0x6f: {  	_ =	shalt  }
0x70: {  	_ =	shalt  }
0x71: {  	_ =	shalt  }
0x72: {  	_ =	shalt  }
0x73: {  	_ =	shalt  }
0x74: {  	_ =	shalt  }
0x75: {  	_ =	shalt  }
0x76: {  	_ =	shalt  }
0x77: {  	_ =	shalt  }
0x78: {  	_ =	shalt  }
0x79: {  	_ =	shalt  }
0x7a: {  	_ =	shalt  }
0x7b: {  	_ =	shalt  }
0x7c: {  	_ =	shalt  }
0x7d: {  	_ =	shalt  }
0x7e: {  	_ =	shalt  }
0x7f: {  	_ =	shalt  }
0x80: {  	_ =	shalt  }
0x81: {  	_ =	shalt  }
0x82: {  	_ =	shalt  }
0x83: {  	_ =	shalt  }
0x84: {  	_ =	shalt  }
0x85: {  	_ =	shalt  }
0x86: {  	_ =	shalt  }
0x87: {  	_ =	shalt  }
.Lfunc_end0:
.L_simem_size_0:
called_computation.1_lowered:
.L_overlay_start_0:
0x88: {  	s2 =	sld [smem:$0x3FD9]  }
0x89: {  	s3 =	sld [smem:$0x3FFE];
	_ =	sdelay $0x1  }
0x8a: {  	s1 =	srdreg.scid  }
0x8b: {  	s0 =	sand.u32 $0x1, s1  }
0x8c: {  	s17 =	sshll.u32 s0, $0xA;
	s2 =	sadd.s32 s3, s2  }
0x8d: {  	s2 =	sadd.s32 s2, s17  }
0x8e: {  	[smem:$0x3FB5] =	sst s2  }
0x8f: {  	_ = 	snop  }
0x90: {  	s2 =	sld [smem:$0x3FD0];
	(tm) =	ssettm $0x1  }
0x91: {  	s18 =	sld [smem:$0x3FFB];
	_ =	sdelay $0x3  }
0x92: {  	_ =	strace s18  }
0x93: {  	s3 =	sld [smem:$0x3FFC];
	_ =	sdelay $0x3  }
0x94: {  	_ =	strace s3  }
0x95: {  	s3 =	sld [smem:$0x3FFD];
	_ =	sdelay $0x3  }
0x96: {  	_ =	strace s3  }
0x97: {  	_ =	strace $0x8FFFFFFF  }
0x98: {  	s19 =	sld [smem:$0x3FDB];
	_ =	sdelay $0x1  }
0x99: {  	s4 =	simm.s32 $_scs_section_size  }
0x9a: {  	s5 =	simm.s32 $_size__tile_overlayer_lowered;
	s6 =	simm.s32 $_tile_overlayer_lowered  }
0x9b: {  	s22 =	simm.s32 $0x1BFF;
	s21 =	sshll.u32 s6, $0x1;
	s3 =	sadd.s32 s4, s19  }
0x9c: {  	s7 =	simm.s32 $0x0;
	s20 =	sshll.u32 s5, $0x1;
	s5 =	sadd.s32 s21, s3  }
0x9d: {  	[timem:s7], [sflag:s22] =	dma.local [hbm:s5], s20  }
0x9e: {  	_ =	swait.ge [sflag:s22], s20  }
0x9f: {  	s4 =	ssub.s32 $0x0, s20;
	[sflag:s22] =	ssyncset.done $0x0  }
0xa0: {  	[sflag:s22] =	ssyncadd.s32 s4;
	_ =	sdelay $0x1  }
0xa1: {  	s23 =	simm.s32 $0x1B8B  }
0xa2: {  	_ =	swait.ge [sflag:s23], $0x1  }
0xa3: {  	[sflag:s23] =	ssyncset.done $0x0  }
0xa4: {  	s25 =	simm.s32 $0x1B8E;
	s24 =	sld [smem:$0x3FFE];
	[sflag:s23] =	ssyncadd.s32 $0xFFFFFFFF  }
0xa5: {  	s26 =	simm.s32 $execute0_lowered;
	[smem:$0x3FD2] =	sst s25  }
0xa6: {  	s5 =	sshll.u32 s26, $0x1;
	_ =	strace $0x80000049;
	[dreg:$0x1] =	wrdreg $0xFFFFFFFF  }
0xa7: {  	s28 =	simm.s32 $_size_execute0_lowered;
	s3 =	sadd.s32 s3, s5;
	[dreg:$0x0] =	wrdreg $0x0  }
0xa8: {  	s5 =	sshll.u32 s28, $0x1;
	[dreg:$0x2] =	wrdreg s3  }
0xa9: {  	[dreg:$0x3] =	wrdreg s5  }
0xaa: {  	[dreg:$0x4] =	wrdreg $0xC0  }
0xab: {  	_ =	task [dreg:s7], $0x5FFFF  }
0xac: {  	[dreg:$0x1] =	wrdreg $0xFFFFFFFF  }
0xad: {  	[dreg:$0x0] =	wrdreg $0x60  }
0xae: {  	[dreg:$0x2] =	wrdreg s24  }
0xaf: {  	[dreg:$0x3] =	wrdreg s2  }
0xb0: {  	[dreg:$0x4] =	wrdreg $0x9  }
0xb1: {  	_ =	task.clear_ibuf [dreg:s7], $0x5FFFF;
	_ =	strace $0x90000049  }
0xb2: {  	s29 =	simm.s32 $0x9;
	_ =	strace $0x8000004B  }
0xb3: {  	_ =	swait.ge [sflag:s29], $0x1  }
0xb4: {  	[sflag:s29] =	ssyncadd.s32 $0xFFFFFFFF  }
0xb5: {  	_ =	strace $0x9000004B  }
0xb6: {  	_ =	sfence  }
0xb7: {  	s30 =	sld [smem:$0x0];
	_ =	sdelay $0x2  }
0xb8: {  	s31 =	sshll.u32 s1, $0xD;
	s1 =	sshrl.u32 s1, $0x2  }
0xb9: {  	s3 =	sand.u32 $0x4000, s31;
	s1 =	sadd.s32 s1, s30  }
0xba: {  	s0 =	sor.u32 s3, s0;
	s1 =	sshll.u32 s1, $0x11  }
0xbb: {  	s0 =	sor.u32 s1, s0  }
0xbc: {  	s0 =	sadd.s32 $0x8F2B, s0  }
0xbd: {  	[sflag:s0] =	ssyncadd.remote.s32 $0x1  }
0xbe: {  	_ =	sfence.sel $0xFFFF  }
0xbf: {  	[dreg:$0x0] =	wrdreg $0xFFFFFFFF;
	(pc) =	sbr.abs _section_cstart, $3  }
0xc0: {  	[dreg:$0x1] =	wrdreg $0xFFFFFFFF  }
0xc1: {  	_ =	task.clear_ibuf [dreg:s7], $0x2FFFF;
	_ =	strace $0x9FFFFFFF  }
0xc2: {  	(tm) =	ssettm $0x7FFFFFFF  }
0xc3: {  	_ =	shalt  }
tec
execute0_lowered:
.L_overlay_start_1:
0x0: {  	(tag) =	ssettag $0x1  }
0x1: {  	s5 =	rddreg [dreg:$0x0];
	s1 =	srdreg.scid  }
0x2: {  	s0 =	stileid.u32;
	s2 =	rddreg [dreg:$0x1]  }
0x3: {  	s3 =	simm.s32 $0x0;
	s10 =	simm.s32 $0x4F00;
	s11 =	simm.s32 $0x6300  }
0x4: {  	s12 =	simm.s32 $0x1;
	s4 =	sand.u32 $0x1, s1;
	s6 =	sshll.u32 s0, $0x1  }
0x5: {  	s13 =	simm.s32 $0x7700;
	s14 =	simm.s32 $0x2;
	s6 =	sor.u32 s4, s6  }
0x6: {  	s15 =	simm.s32 $0x0;
	[smem:$0x7FF] =	sst s3;
	s6 =	smul.u32 $0x280, s6  }
0x7: {  	s1 =	rddreg [dreg:$0x2];
	_ =	strace $0x8000004A;
	s7 =	ssub.s32 $0x2, s4  }
0x8: {  	s4 =	sadd.s32 $0x2600, s5;
	s31 =	sshrl.u32 s7, $0x1;
	s8 =	sadd.s32 s6, s5  }
0x9: {  	s9 =	ssub.s32 s7, s31;
	s5 =	sadd.s32 $0x11A800, s8;
	s6 =	sadd.s32 $0x11F800, s8  }
0xa: {  	s7 =	sadd.s32 $0x2C00, s8;
	s8 =	smax.u32 s9, $0x1;
	s9 =	simm.s32 $0x2780  }
.LBB2_1:
0xb: {  	[tilespmem:s3], [sflag:$0x1] =	stream.linear.gather [hbm4b:s4+s3], $0x2780, $0x38;
	[tilespmem:$0x8B00] =	vst v63  }
0xc: {  	_ = 	snop  }
0xd: {  	[tilespmem:s9], [sflag:$0x1] =	stream.linear.gather [hbm4b:s2+s3], $0x2780, $0x38;
	[tilespmem:$0x8B00] =	vst v63  }
0xe: {  	_ = 	snop  }
0xf: {  	[tilespmem:s10], [sflag:$0x1] =	stream.linear.gather [hbm4b:s5+s3], $0x1400, $0x38;
	[tilespmem:$0x8B00] =	vst v63  }
0x10: {  	_ = 	snop  }
0x11: {  	[tilespmem:s11], [sflag:$0x1] =	stream.linear.gather [hbm4b:s6+s3], $0x1400, $0x38;
	[tilespmem:$0x8B00] =	vst v63  }
0x12: {  	_ =	swait.ge [sflag:s12], $0x2780  }
0x13: {  	[sflag:s12] =	ssyncset.done $0x0  }
0x14: {  	[sflag:s12] =	ssyncadd.s32 $0xFFFFD880  }
0x15: {  	_ =	swait.ge [sflag:s12], $0x2780  }
0x16: {  	[sflag:s12] =	ssyncset.done $0x0  }
0x17: {  	[sflag:s12] =	ssyncadd.s32 $0xFFFFD880  }
0x18: {  	_ =	swait.ge [sflag:s12], $0x1400  }
0x19: {  	[sflag:s12] =	ssyncset.done $0x0  }
0x1a: {  	[sflag:s12] =	ssyncadd.s32 $0xFFFFEC00  }
0x1b: {  	_ =	swait.ge [sflag:s12], $0x1400  }
0x1c: {  	[sflag:s12] =	ssyncset.done $0x0  }
0x1d: {  	s16 =	simm.s32 $0x0;
	[sflag:s12] =	ssyncadd.s32 $0xFFFFEC00  }
0x1e: {  	v0 =	vld [tilespmem:s16+$0x6300]  }
0x1f: {  	v1 =	vld [tilespmem:s16+$0x4F00];
	_ =	sdelay $0x6  }
0x20: {  	v0 =	vld.idx.msk [tilespmem:v0+s9+$0x0], $0xffff  }
0x21: {  	v1 =	vld.idx.msk [tilespmem:v1+s3+$0x0], $0xffff;
	_ =	sdelay $0x4  }
0x22: {  	v0 =	vadd.f32 v0, v1;
	_ =	sdelay $0x1  }
0x23: {  	v0 =	vsub.f32 $0.0e+00, v0;
	_ =	sdelay $0x1  }
0x24: {  	v0 =	vmul.f32 $1.442695020e+00, v0;
	_ =	sdelay $0x1  }
0x25: {  	(erf) = vpow2.f32 v0;
	_ =	sdelay $0x8  }
0x26: {  	v0 =	vpop (erf)  }
0x27: {  	v0 =	vadd.f32 $1.000000000e+00, v0;
	_ =	sdelay $0x1  }
0x28: {  	(erf) = vrcp.f32 v0;
	_ =	sdelay $0x1  }
0x29: {  	s18 =	simm.s32 $0x10  }
0x2a: {  	s17 =	simm.s32 $0x80;
	v0 =	vld [tilespmem:s18+$0x6300]  }
.LBB2_2:
0x2b: {  	p0 =	sne.s32 s17, $0x4FC0;
	v1 =	vld [tilespmem:s18+$0x4F00];
	_ =	sdelay $0x4  }
0x2c: {  	v2 =	vpop (erf)  }
0x2d: {  	[tilespmem:s16+$0x7700] =	vst v2;
	s16 =	smov.u32 s18  }
0x2e: {  	v0 =	vld.idx.msk [tilespmem:v0+s9+$0x0], $0xffff  }
0x2f: {  	v1 =	vld.idx.msk [tilespmem:v1+s3+$0x0], $0xffff;
	_ =	sdelay $0x5  }
0x30: {  	v0 =	vadd.f32 v0, v1;
	_ =	sdelay $0x1  }
0x31: {  	v0 =	vsub.f32 $0.0e+00, v0;
	_ =	sdelay $0x1  }
0x32: {  	v0 =	vmul.f32 $1.442695020e+00, v0;
	_ =	sdelay $0x1  }
0x33: {  	(erf) = vpow2.f32 v0;
	_ =	sdelay $0x8  }
0x34: {  	v0 =	vpop (erf)  }
0x35: {  	v0 =	vadd.f32 $1.000000000e+00, v0  }
.Ltmp0:
0x36: {  	(pc) =	sbr.rel @p0 .LBB2_2-.Ltmp0, $3  }
0x37: {  	(erf) = vrcp.f32 v0;
	_ =	sdelay $0x1  }
0x38: {  	s18 =	sshra.s32 s17, $0x2  }
0x39: {  	s17 =	sadd.s32 $0x40, s17;
	v0 =	vld [tilespmem:s18+$0x6300]  }
0x3a: {  	_ = 	snop  }
0x3b: {  	v1 =	vld [tilespmem:s18+$0x4F00];
	_ =	sdelay $0x4  }
0x3c: {  	v2 =	vpop (erf)  }
0x3d: {  	[tilespmem:s16+$0x7700] =	vst v2  }
0x3e: {  	v0 =	vld.idx.msk [tilespmem:v0+s9+$0x0], $0xffff  }
0x3f: {  	v1 =	vld.idx.msk [tilespmem:v1+s3+$0x0], $0xffff;
	_ =	sdelay $0x4  }
0x40: {  	v0 =	vadd.f32 v0, v1;
	_ =	sdelay $0x1  }
0x41: {  	v0 =	vsub.f32 $0.0e+00, v0;
	_ =	sdelay $0x1  }
0x42: {  	v0 =	vmul.f32 $1.442695020e+00, v0;
	_ =	sdelay $0x1  }
0x43: {  	(erf) = vpow2.f32 v0;
	_ =	sdelay $0x8  }
0x44: {  	v0 =	vpop (erf)  }
0x45: {  	v0 =	vadd.f32 $1.000000000e+00, v0;
	_ =	sdelay $0x1  }
0x46: {  	(erf) = vrcp.f32 v0;
	_ =	sdelay $0x7  }
0x47: {  	s15 =	sadd.s32 $0x1, s15  }
0x48: {  	p0 =	sne.s32 s15, s8;
	v0 =	vpop (erf)  }
.Ltmp1:
0x49: {  	[tilespmem:s18+$0x7700] =	vst v0;
	(pc) =	sbr.rel @p0 .LBB2_1-.Ltmp1, $4  }
0x4a: {  	[hbm4b:s7+s3] =	stream.linear.scatter [tilespmem:s13], [sflag:$0x2], $0x1400, $0x38;
	[tilespmem:$0x8B00] =	vst v63  }
0x4b: {  	_ =	swait.ge [sflag:s14], $0x1400  }
0x4c: {  	[sflag:s14] =	ssyncset.done $0x0  }
0x4d: {  	[sflag:s14] =	ssyncadd.s32 $0xFFFFEC00  }
0x4e: {  	_ =	sfence.sel $0x180000  }
0x4f: {  	[bflag:$0x0] =	sbarrier.arrive $0xFFFF  }
0x50: {  	p0 =	sne.s32 s0, $0x0;
	_ =	strace $0x9000004A  }
0x51: {  	s0 =	sadd.s32 @!p0 $0x100000, s1;
	[bflag:$0x2] =	sbarrier.arrive $0xFFFF  }
0x52: {  	[sflag:s0] =	ssyncadd.tile.s32 @!p0 $0x1;
	_ =	shalt  }
.Lfunc_end2:
_tile_overlayer_lowered:
.L_overlay_start_2:
0x53: {  	(tag) =	ssettag $0x2  }
0x54: {  	s0 =	rddreg [dreg:$0x0];
	s2 =	stileid.u32  }
0x55: {  	s1 =	rddreg [dreg:$0x1];
	p0 =	sne.s32 s2, $0x0  }
0x56: {  	s3 =	rddreg [dreg:$0x2];
	[bflag:$0x3] =	sbarrier.arrive $0xFFFF;
	s2 =	simm.s32 @!p0 $0x1C02  }
0x57: {  	[timem:s3], [sflag:s2] =	dma.local @!p0 [hbm:s0], s1  }
0x58: {  	s0 =	simm.s32 @!p0 $0x2  }
0x59: {  	_ =	swait.ge @!p0 [sflag:s0], s1  }
0x5a: {  	s1 =	ssub.s32 @!p0 $0x0, s1;
	[sflag:s0] =	ssyncset.done @!p0 $0x0  }
0x5b: {  	[sflag:s0] =	ssyncadd.s32 @!p0 s1  }
0x5c: {  	[bflag:$0x3] =	sbarrier.arrive $0xFFFF  }
0x5d: {  	_ =	shalt  }

</sc_bundles>
